<compile_context>
chip_gen: v7x
topology: tpu7x:2x2x1
jax: 0.10.2.dev20260603
libtpu: 0.0.44.dev20260713+nightly
codegen_flags: <defaults>
</compile_context>

<pallas_src>
import functools

import jax
import jax.numpy as jnp
from jax import lax
from jax.experimental import pallas as pl
from jax.experimental.pallas import tpu as pltpu
from jax.experimental.pallas import tpu_sc as plsc

BATCH = 4096
SEQ = 200
EMBED_DIM = 64
WORDS = EMBED_DIM // 2

NUM_CORES = 2
NUM_SUBCORES = 16
NW = NUM_CORES * NUM_SUBCORES
B_PER_W = BATCH // NW
IDX_PER_W = B_PER_W * SEQ
GROUP = 2
GROUP_ROWS = GROUP * SEQ
NREG = WORDS // 16
UNROLL = 8

TBLOCK = 4096
NSEG = 4
NBLK = 62
SEG_ROWS = NBLK * TBLOCK


def _pool_body(x_hbm, emb_hbm, out_hbm, idx_v, rows0_v, rows1_v, stage_v, sem0, sem1):
    wid = lax.axis_index("s") * NUM_CORES + lax.axis_index("c")
    pltpu.sync_copy(x_hbm.at[pl.ds(wid * IDX_PER_W, IDX_PER_W)], idx_v)

    bufs = ((rows0_v, sem0), (rows1_v, sem1))
    himask = jnp.full((16,), -65536, jnp.int32)

    def issue(g, rv, sem):
        pltpu.async_copy(
            emb_hbm.at[idx_v.at[pl.ds(g * GROUP_ROWS, GROUP_ROWS)]],
            rv,
            sem,
        )

    def wait(rv, sem):
        pltpu.make_async_copy(emb_hbm.at[pl.ds(0, GROUP_ROWS), :], rv, sem).wait()

    def accumulate(g, rv):
        def acc_body(i, acc):
            acc = list(acc)
            for u in range(UNROLL):
                r = i * UNROLL + u
                for k in range(GROUP):
                    for c in range(NREG):
                        w = rv[k * SEQ + r, pl.ds(c * 16, 16)]
                        lo = plsc.bitcast(lax.shift_left(w, 16), jnp.float32)
                        hi = plsc.bitcast(lax.bitwise_and(w, himask), jnp.float32)
                        j = k * 2 * NREG
                        acc[j + c] = acc[j + c] + lo
                        acc[j + NREG + c] = acc[j + NREG + c] + hi
            return tuple(acc)

        zeros = tuple(jnp.zeros((16,), jnp.float32) for _ in range(GROUP * 2 * NREG))
        acc = lax.fori_loop(0, SEQ // UNROLL, acc_body, zeros)
        for k in range(GROUP):
            for c in range(NREG):
                j = k * 2 * NREG
                stage_v[g * GROUP + k, pl.ds(c * 16, 16)] = acc[j + c]
                stage_v[g * GROUP + k, pl.ds(32 + c * 16, 16)] = acc[j + NREG + c]

    n_groups = B_PER_W // GROUP
    issue(0, rows0_v, sem0)
    issue(1, rows1_v, sem1)

    def body(t, carry):
        for b, (rv, sem) in enumerate(bufs):
            g = 2 * t + b
            wait(rv, sem)
            accumulate(g, rv)
            issue(g + 2, rv, sem)
        return carry

    lax.fori_loop(0, n_groups // 2 - 1, body, 0)
    for b, (rv, sem) in enumerate(bufs):
        g = n_groups - 2 + b
        wait(rv, sem)
        accumulate(g, rv)

    pltpu.sync_copy(stage_v, out_hbm.at[pl.ds(wid * B_PER_W, B_PER_W), :])


@jax.jit
def _pool(x_flat, emb_words):
    mesh = plsc.VectorSubcoreMesh(
        core_axis_name="c",
        subcore_axis_name="s",
        num_cores=NUM_CORES,
        num_subcores=NUM_SUBCORES,
    )
    return pl.kernel(
        _pool_body,
        out_type=jax.ShapeDtypeStruct((BATCH, EMBED_DIM), jnp.float32),
        mesh=mesh,
        scratch_types=[
            pltpu.VMEM((IDX_PER_W,), jnp.int32),
            pltpu.VMEM((GROUP_ROWS, WORDS), jnp.int32),
            pltpu.VMEM((GROUP_ROWS, WORDS), jnp.int32),
            pltpu.VMEM((B_PER_W, EMBED_DIM), jnp.float32),
            pltpu.SemaphoreType.DMA,
            pltpu.SemaphoreType.DMA,
        ],
        compiler_params=pltpu.CompilerParams(
            use_tc_tiling_on_sc=False, needs_layout_passes=False
        ),
    )(x_flat, emb_words)


def _pack_words(tt):
    rb = tt.astype(jnp.bfloat16).astype(jnp.float32)
    bits = lax.bitcast_convert_type(rb, jnp.int32)
    lo = lax.shift_right_logical(bits[:WORDS, :], 16)
    hi = lax.bitwise_and(bits[WORDS:, :], jnp.int32(-65536))
    return jnp.transpose(lax.bitwise_or(hi, lo), (1, 0))


def _tpack_body(s0_ref, s1_ref, s2_ref, s3_ref, o_ref):
    parts = []
    for ref in (s0_ref, s1_ref, s2_ref, s3_ref):
        parts.append(_pack_words(ref[...]))
    o_ref[...] = jnp.concatenate(parts, axis=1)


def _transpose_pack(embt):
    max_blk = (embt.shape[1] - 1) // TBLOCK
    specs = []
    for s in range(NSEG):
        specs.append(
            pl.BlockSpec(
                (EMBED_DIM, TBLOCK),
                functools.partial(
                    lambda i, off: (0, jnp.minimum(i + off, max_blk)),
                    off=s * NBLK,
                ),
            )
        )
    return pl.pallas_call(
        _tpack_body,
        grid=(NBLK,),
        in_specs=specs,
        out_specs=pl.BlockSpec((TBLOCK, NSEG * WORDS), lambda i: (i, 0)),
        out_shape=jax.ShapeDtypeStruct((SEG_ROWS, NSEG * WORDS), jnp.int32),
    )(embt, embt, embt, embt)


def _mlp_body(h_ref, w1_ref, b1_ref, w2_ref, b2_ref, o_ref):
    h = h_ref[...] * (1.0 / SEQ)
    z = jnp.dot(h, w1_ref[...], preferred_element_type=jnp.float32) + b1_ref[...]
    z = jnp.maximum(z, 0.0)
    o_ref[...] = jnp.dot(z, w2_ref[...], preferred_element_type=jnp.float32) + b2_ref[...]


@jax.jit
def _mlp(pooled, W1, b1, W2, b2):
    return pl.pallas_call(
        _mlp_body,
        out_shape=jax.ShapeDtypeStruct((BATCH, 1), jnp.float32),
    )(pooled, W1, b1.reshape(1, 32), W2, b2.reshape(1, 1))


def kernel(x, emb, W1, b1, W2, b2):
    xf = x.reshape(BATCH * SEQ).astype(jnp.int32)
    s = xf // SEG_ROWS
    u = xf - s * SEG_ROWS
    x_flat = 4 * u + s
    emb_pack = _transpose_pack(emb.T)
    emb_words = emb_pack.reshape(NSEG * SEG_ROWS, WORDS)
    pooled = _pool(x_flat, emb_words)
    return _mlp(pooled, W1, b1, W2, b2)

# --- scband reference (transcript-rebuilt; emitter-appended) ---
"""Pipeline reference for scband-simple-sentiment-model-39487929319691 (READ-ONLY COPY).

The authoritative reference and input builder live on the scoring server;
editing this copy changes nothing except your own understanding.
"""

import jax, jax.numpy as jnp
import numpy as np

VOCAB = 1000000
EMBED_DIM = 64
BATCH = 4096
SEQ = 200

def setup_inputs(seed: int = 0) -> dict:
    key = jax.random.key(seed)
    k1, k2, k3, k4 = jax.random.split(key, 4)
    x = jax.random.randint(k1, (BATCH, SEQ), 0, VOCAB)
    emb = jax.random.normal(k2, (VOCAB, EMBED_DIM), dtype=jnp.float32) * 0.02
    W1 = jax.random.normal(k3, (EMBED_DIM, 32), dtype=jnp.float32) * 0.1
    b1 = jnp.zeros((32,), dtype=jnp.float32)
    W2 = jax.random.normal(k4, (32, 1), dtype=jnp.float32) * 0.1
    b2 = jnp.zeros((1,), dtype=jnp.float32)
    return {"x": x, "emb": emb, "W1": W1, "b1": b1, "W2": W2, "b2": b2}

def reference(x, emb, W1, b1, W2, b2):
    # nn.Embedding -> gather rows from table
    h = jnp.take(emb, x, axis=0)          # [B, S, D]
    # torch.mean(x, dim=1)
    h = jnp.mean(h, axis=1)                # [B, D]
    # relu(fc1(x))
    h = jax.nn.relu(h @ W1 + b1)           # [B, 32]
    # fc2(x)
    out = h @ W2 + b2                      # [B, 1]
    return out

if __name__ == "__main__":
    import jax
    _d = setup_inputs()
    print(jax.jit(kernel)(*tuple(_d.values())))

</pallas_src>

<mosaic_0001>
#map = affine_map<(d0, d1) -> (0)>
#map1 = affine_map<(d0, d1) -> (0, 0)>
module attributes {stable_mosaic.version = 14 : i64} {
  func.func @_pool_body(%arg0: i32, %arg1: i32, %arg2: memref<819200xi32, #tpu.memory_space<hbm>>, %arg3: memref<1015808x32xi32, #tpu.memory_space<hbm>>, %arg4: memref<4096x64xf32, #tpu.memory_space<hbm>>, %arg5: memref<25600xi32, #tpu.memory_space<vmem>>, %arg6: memref<400x32xi32, #tpu.memory_space<vmem>>, %arg7: memref<400x32xi32, #tpu.memory_space<vmem>>, %arg8: memref<128x64xf32, #tpu.memory_space<vmem>>, %arg9: memref<!tpu.dma_semaphore, #tpu.memory_space<semaphore_mem>>, %arg10: memref<!tpu.dma_semaphore, #tpu.memory_space<semaphore_mem>>) attributes {dimension_semantics = [#tpu.dimension_semantics<core_parallel>, #tpu.dimension_semantics<subcore_parallel>], iteration_bounds = array<i64: 2, 16>, scalar_prefetch = 0 : i64, scratch_operands = 6 : i64, tpu.core_type = #tpu.core_type<sc_vector_subcore>, window_params = [{transform_indices = #map}, {transform_indices = #map1}, {transform_indices = #map1}]} {
    %mul3A = arith.constant 2 : i32
    %mul3A_0 = arith.muli %arg1, %mul3A : i32
    %add3A = arith.addi %mul3A_0, %arg0 : i32
    %mul3A_1 = arith.constant 25600 : i32
    %mul3A_2 = arith.muli %add3A, %mul3A_1 : i32
    "tpu.region"() ({
      %run_scoped3A = tpu.sem_alloc : memref<!tpu.dma_semaphore, #tpu.memory_space<semaphore_mem>>
      %dma_start3A_138 = tpu.memref_slice %arg2[%mul3A_2] : memref<819200xi32, #tpu.memory_space<hbm>> -> memref<25600xi32, #tpu.memory_space<hbm>>
      %dma_start3A_139 = tpu.memref_slice %arg2[%mul3A_2] : memref<819200xi32, #tpu.memory_space<hbm>> -> memref<25600xi32, #tpu.memory_space<hbm>>
      tpu.enqueue_dma source(%dma_start3A_139 : memref<25600xi32, #tpu.memory_space<hbm>>) target(%arg5 : memref<25600xi32, #tpu.memory_space<vmem>>) target_semaphore(%run_scoped3A : memref<!tpu.dma_semaphore, #tpu.memory_space<semaphore_mem>>)
      %dma_wait3A_140 = tpu.memref_slice %arg2[%mul3A_2] : memref<819200xi32, #tpu.memory_space<hbm>> -> memref<25600xi32, #tpu.memory_space<hbm>>
      %dma_wait3A_141 = tpu.memref_slice %arg2[%mul3A_2] : memref<819200xi32, #tpu.memory_space<hbm>> -> memref<25600xi32, #tpu.memory_space<hbm>>
      tpu.wait_dma2 semaphore(%run_scoped3A : memref<!tpu.dma_semaphore, #tpu.memory_space<semaphore_mem>>) src(%dma_wait3A_141 : memref<25600xi32, #tpu.memory_space<hbm>>) dst(%arg5 : memref<25600xi32, #tpu.memory_space<vmem>>)
      tpu.yield
    }) : () -> ()
    %broadcast_in_dim3A = arith.constant -65536 : i32
    %broadcast_in_dim3A_3 = vector.broadcast %broadcast_in_dim3A : i32 to vector<16xi32>
    %dma_start3A = arith.constant 0 : i32
    %dma_start3A_4 = tpu.memref_slice %arg5[%dma_start3A] : memref<25600xi32, #tpu.memory_space<vmem>> -> memref<400xi32, #tpu.memory_space<vmem>>
    %dma_start3A_5 = arith.constant 0 : i32
    %dma_start3A_6 = arith.constant 0 : i32
    %dma_start3A_7 = tpu.memref_slice %arg3[%dma_start3A_5, %dma_start3A_6] : memref<1015808x32xi32, #tpu.memory_space<hbm>> -> memref<1015808x32xi32, #tpu.memory_space<hbm>>
    tpu.enqueue_indirect_dma source(%dma_start3A_7 : memref<1015808x32xi32, #tpu.memory_space<hbm>>) target(%arg6 : memref<400x32xi32, #tpu.memory_space<vmem>>) offsets(%dma_start3A_4 : memref<400xi32, #tpu.memory_space<vmem>>) semaphore(%arg9 : memref<!tpu.dma_semaphore, #tpu.memory_space<semaphore_mem>>)
    %dma_start3A_8 = arith.constant 400 : i32
    %dma_start3A_9 = tpu.memref_slice %arg5[%dma_start3A_8] : memref<25600xi32, #tpu.memory_space<vmem>> -> memref<400xi32, #tpu.memory_space<vmem>>
    %dma_start3A_10 = arith.constant 0 : i32
    %dma_start3A_11 = arith.constant 0 : i32
    %dma_start3A_12 = tpu.memref_slice %arg3[%dma_start3A_10, %dma_start3A_11] : memref<1015808x32xi32, #tpu.memory_space<hbm>> -> memref<1015808x32xi32, #tpu.memory_space<hbm>>
    tpu.enqueue_indirect_dma source(%dma_start3A_12 : memref<1015808x32xi32, #tpu.memory_space<hbm>>) target(%arg7 : memref<400x32xi32, #tpu.memory_space<vmem>>) offsets(%dma_start3A_9 : memref<400xi32, #tpu.memory_space<vmem>>) semaphore(%arg10 : memref<!tpu.dma_semaphore, #tpu.memory_space<semaphore_mem>>)
    %scan3A = arith.constant 0 : i32
    %scan3A_13 = arith.constant 0 : i32
    %scan3A_14 = arith.constant 31 : i32
    %scan3A_15 = arith.addi %scan3A_13, %scan3A_14 : i32
    %scan3A_16 = arith.constant 1 : i32
    scf.for %scan3A_138 = %scan3A_13 to %scan3A_15 step %scan3A_16  : i32 {
      %mul3A_139 = arith.constant 2 : i32
      %mul3A_140 = arith.muli %mul3A_139, %scan3A_138 : i32
      %add3A_141 = arith.constant 0 : i32
      %add3A_142 = arith.addi %mul3A_140, %add3A_141 : i32
      %dma_wait3A_143 = arith.constant 0 : i32
      %dma_wait3A_144 = arith.constant 0 : i32
      %dma_wait3A_145 = tpu.memref_slice %arg3[%dma_wait3A_143, %dma_wait3A_144] : memref<1015808x32xi32, #tpu.memory_space<hbm>> -> memref<400x32xi32, #tpu.memory_space<hbm>>
      %dma_wait3A_146 = arith.constant 0 : i32
      %dma_wait3A_147 = arith.constant 0 : i32
      %dma_wait3A_148 = tpu.memref_slice %arg3[%dma_wait3A_146, %dma_wait3A_147] : memref<1015808x32xi32, #tpu.memory_space<hbm>> -> memref<400x32xi32, #tpu.memory_space<hbm>>
      tpu.wait_dma2 semaphore(%arg9 : memref<!tpu.dma_semaphore, #tpu.memory_space<semaphore_mem>>) src(%dma_wait3A_148 : memref<400x32xi32, #tpu.memory_space<hbm>>) dst(%arg6 : memref<400x32xi32, #tpu.memory_space<vmem>>)
      %broadcast_in_dim3A_149 = arith.constant 0.000000e+00 : f32
      %broadcast_in_dim3A_150 = vector.broadcast %broadcast_in_dim3A_149 : f32 to vector<16xf32>
      %broadcast_in_dim3A_151 = arith.constant 0.000000e+00 : f32
      %broadcast_in_dim3A_152 = vector.broadcast %broadcast_in_dim3A_151 : f32 to vector<16xf32>
      %broadcast_in_dim3A_153 = arith.constant 0.000000e+00 : f32
      %broadcast_in_dim3A_154 = vector.broadcast %broadcast_in_dim3A_153 : f32 to vector<16xf32>
      %broadcast_in_dim3A_155 = arith.constant 0.000000e+00 : f32
      %broadcast_in_dim3A_156 = vector.broadcast %broadcast_in_dim3A_155 : f32 to vector<16xf32>
      %broadcast_in_dim3A_157 = arith.constant 0.000000e+00 : f32
      %broadcast_in_dim3A_158 = vector.broadcast %broadcast_in_dim3A_157 : f32 to vector<16xf32>
      %broadcast_in_dim3A_159 = arith.constant 0.000000e+00 : f32
      %broadcast_in_dim3A_160 = vector.broadcast %broadcast_in_dim3A_159 : f32 to vector<16xf32>
      %broadcast_in_dim3A_161 = arith.constant 0.000000e+00 : f32
      %broadcast_in_dim3A_162 = vector.broadcast %broadcast_in_dim3A_161 : f32 to vector<16xf32>
      %broadcast_in_dim3A_163 = arith.constant 0.000000e+00 : f32
      %broadcast_in_dim3A_164 = vector.broadcast %broadcast_in_dim3A_163 : f32 to vector<16xf32>
      %scan3A_165 = arith.constant 0 : i32
      %scan3A_166 = arith.constant 25 : i32
      %scan3A_167 = arith.addi %scan3A_165, %scan3A_166 : i32
      %scan3A_168 = arith.constant 1 : i32
      %scan3A_169:8 = scf.for %scan3A_331 = %scan3A_165 to %scan3A_167 step %scan3A_168 iter_args(%scan3A_332 = %broadcast_in_dim3A_150, %scan3A_333 = %broadcast_in_dim3A_152, %scan3A_334 = %broadcast_in_dim3A_154, %scan3A_335 = %broadcast_in_dim3A_156, %scan3A_336 = %broadcast_in_dim3A_158, %scan3A_337 = %broadcast_in_dim3A_160, %scan3A_338 = %broadcast_in_dim3A_162, %scan3A_339 = %broadcast_in_dim3A_164) -> (vector<16xf32>, vector<16xf32>, vector<16xf32>, vector<16xf32>, vector<16xf32>, vector<16xf32>, vector<16xf32>, vector<16xf32>)  : i32 {
        %mul3A_340 = arith.constant 8 : i32
        %mul3A_341 = arith.muli %scan3A_331, %mul3A_340 : i32
        %add3A_342 = arith.constant 0 : i32
        %add3A_343 = arith.addi %mul3A_341, %add3A_342 : i32
        %add3A_344 = arith.constant 0 : i32
        %add3A_345 = arith.addi %add3A_344, %add3A_343 : i32
        %get3A = arith.index_cast %add3A_345 : i32 to index
        %get3A_346 = arith.constant 0 : index
        %get3A_347 = tpu.vector_load %arg6[%get3A, %get3A_346] {strides = array<i32>} : memref<400x32xi32, #tpu.memory_space<vmem>>, vector<16xi32>,
        %shift_left3A = arith.constant 16 : i32
        %shift_left3A_348 = vector.broadcast %shift_left3A : i32 to vector<16xi32>
        %shift_left3A_349 = arith.shli %get3A_347, %shift_left3A_348 : vector<16xi32>
        %bitcast3A = vector.bitcast %shift_left3A_349 : vector<16xi32> to vector<16xf32>
        %and3A = arith.andi %get3A_347, %broadcast_in_dim3A_3 : vector<16xi32>
        %bitcast3A_350 = vector.bitcast %and3A : vector<16xi32> to vector<16xf32>
        %add3A_351 = arith.addf %scan3A_332, %bitcast3A : vector<16xf32>
        %add3A_352 = arith.addf %scan3A_334, %bitcast3A_350 : vector<16xf32>
        %add3A_353 = arith.constant 0 : i32
        %add3A_354 = arith.addi %add3A_353, %add3A_343 : i32
        %get3A_355 = arith.index_cast %add3A_354 : i32 to index
        %get3A_356 = arith.constant 16 : index
        %get3A_357 = tpu.vector_load %arg6[%get3A_355, %get3A_356] {strides = array<i32>} : memref<400x32xi32, #tpu.memory_space<vmem>>, vector<16xi32>,
        %shift_left3A_358 = arith.constant 16 : i32
        %shift_left3A_359 = vector.broadcast %shift_left3A_358 : i32 to vector<16xi32>
        %shift_left3A_360 = arith.shli %get3A_357, %shift_left3A_359 : vector<16xi32>
        %bitcast3A_361 = vector.bitcast %shift_left3A_360 : vector<16xi32> to vector<16xf32>
        %and3A_362 = arith.andi %get3A_357, %broadcast_in_dim3A_3 : vector<16xi32>
        %bitcast3A_363 = vector.bitcast %and3A_362 : vector<16xi32> to vector<16xf32>
        %add3A_364 = arith.addf %scan3A_333, %bitcast3A_361 : vector<16xf32>
        %add3A_365 = arith.addf %scan3A_335, %bitcast3A_363 : vector<16xf32>
        %add3A_366 = arith.constant 200 : i32
        %add3A_367 = arith.addi %add3A_366, %add3A_343 : i32
        %get3A_368 = arith.index_cast %add3A_367 : i32 to index
        %get3A_369 = arith.constant 0 : index
        %get3A_370 = tpu.vector_load %arg6[%get3A_368, %get3A_369] {strides = array<i32>} : memref<400x32xi32, #tpu.memory_space<vmem>>, vector<16xi32>,
        %shift_left3A_371 = arith.constant 16 : i32
        %shift_left3A_372 = vector.broadcast %shift_left3A_371 : i32 to vector<16xi32>
        %shift_left3A_373 = arith.shli %get3A_370, %shift_left3A_372 : vector<16xi32>
        %bitcast3A_374 = vector.bitcast %shift_left3A_373 : vector<16xi32> to vector<16xf32>
        %and3A_375 = arith.andi %get3A_370, %broadcast_in_dim3A_3 : vector<16xi32>
        %bitcast3A_376 = vector.bitcast %and3A_375 : vector<16xi32> to vector<16xf32>
        %add3A_377 = arith.addf %scan3A_336, %bitcast3A_374 : vector<16xf32>
        %add3A_378 = arith.addf %scan3A_338, %bitcast3A_376 : vector<16xf32>
        %add3A_379 = arith.constant 200 : i32
        %add3A_380 = arith.addi %add3A_379, %add3A_343 : i32
        %get3A_381 = arith.index_cast %add3A_380 : i32 to index
        %get3A_382 = arith.constant 16 : index
        %get3A_383 = tpu.vector_load %arg6[%get3A_381, %get3A_382] {strides = array<i32>} : memref<400x32xi32, #tpu.memory_space<vmem>>, vector<16xi32>,
        %shift_left3A_384 = arith.constant 16 : i32
        %shift_left3A_385 = vector.broadcast %shift_left3A_384 : i32 to vector<16xi32>
        %shift_left3A_386 = arith.shli %get3A_383, %shift_left3A_385 : vector<16xi32>
        %bitcast3A_387 = vector.bitcast %shift_left3A_386 : vector<16xi32> to vector<16xf32>
        %and3A_388 = arith.andi %get3A_383, %broadcast_in_dim3A_3 : vector<16xi32>
        %bitcast3A_389 = vector.bitcast %and3A_388 : vector<16xi32> to vector<16xf32>
        %add3A_390 = arith.addf %scan3A_337, %bitcast3A_387 : vector<16xf32>
        %add3A_391 = arith.addf %scan3A_339, %bitcast3A_389 : vector<16xf32>
        %mul3A_392 = arith.constant 8 : i32
        %mul3A_393 = arith.muli %scan3A_331, %mul3A_392 : i32
        %add3A_394 = arith.constant 1 : i32
        %add3A_395 = arith.addi %mul3A_393, %add3A_394 : i32
        %add3A_396 = arith.constant 0 : i32
        %add3A_397 = arith.addi %add3A_396, %add3A_395 : i32
        %get3A_398 = arith.index_cast %add3A_397 : i32 to index
        %get3A_399 = arith.constant 0 : index
        %get3A_400 = tpu.vector_load %arg6[%get3A_398, %get3A_399] {strides = array<i32>} : memref<400x32xi32, #tpu.memory_space<vmem>>, vector<16xi32>,
        %shift_left3A_401 = arith.constant 16 : i32
        %shift_left3A_402 = vector.broadcast %shift_left3A_401 : i32 to vector<16xi32>
        %shift_left3A_403 = arith.shli %get3A_400, %shift_left3A_402 : vector<16xi32>
        %bitcast3A_404 = vector.bitcast %shift_left3A_403 : vector<16xi32> to vector<16xf32>
        %and3A_405 = arith.andi %get3A_400, %broadcast_in_dim3A_3 : vector<16xi32>
        %bitcast3A_406 = vector.bitcast %and3A_405 : vector<16xi32> to vector<16xf32>
        %add3A_407 = arith.addf %add3A_351, %bitcast3A_404 : vector<16xf32>
        %add3A_408 = arith.addf %add3A_352, %bitcast3A_406 : vector<16xf32>
        %add3A_409 = arith.constant 0 : i32
        %add3A_410 = arith.addi %add3A_409, %add3A_395 : i32
        %get3A_411 = arith.index_cast %add3A_410 : i32 to index
        %get3A_412 = arith.constant 16 : index
        %get3A_413 = tpu.vector_load %arg6[%get3A_411, %get3A_412] {strides = array<i32>} : memref<400x32xi32, #tpu.memory_space<vmem>>, vector<16xi32>,
        %shift_left3A_414 = arith.constant 16 : i32
        %shift_left3A_415 = vector.broadcast %shift_left3A_414 : i32 to vector<16xi32>
        %shift_left3A_416 = arith.shli %get3A_413, %shift_left3A_415 : vector<16xi32>
        %bitcast3A_417 = vector.bitcast %shift_left3A_416 : vector<16xi32> to vector<16xf32>
        %and3A_418 = arith.andi %get3A_413, %broadcast_in_dim3A_3 : vector<16xi32>
        %bitcast3A_419 = vector.bitcast %and3A_418 : vector<16xi32> to vector<16xf32>
        %add3A_420 = arith.addf %add3A_364, %bitcast3A_417 : vector<16xf32>
        %add3A_421 = arith.addf %add3A_365, %bitcast3A_419 : vector<16xf32>
        %add3A_422 = arith.constant 200 : i32
        %add3A_423 = arith.addi %add3A_422, %add3A_395 : i32
        %get3A_424 = arith.index_cast %add3A_423 : i32 to index
        %get3A_425 = arith.constant 0 : index
        %get3A_426 = tpu.vector_load %arg6[%get3A_424, %get3A_425] {strides = array<i32>} : memref<400x32xi32, #tpu.memory_space<vmem>>, vector<16xi32>,
        %shift_left3A_427 = arith.constant 16 : i32
        %shift_left3A_428 = vector.broadcast %shift_left3A_427 : i32 to vector<16xi32>
        %shift_left3A_429 = arith.shli %get3A_426, %shift_left3A_428 : vector<16xi32>
        %bitcast3A_430 = vector.bitcast %shift_left3A_429 : vector<16xi32> to vector<16xf32>
        %and3A_431 = arith.andi %get3A_426, %broadcast_in_dim3A_3 : vector<16xi32>
        %bitcast3A_432 = vector.bitcast %and3A_431 : vector<16xi32> to vector<16xf32>
        %add3A_433 = arith.addf %add3A_377, %bitcast3A_430 : vector<16xf32>
        %add3A_434 = arith.addf %add3A_378, %bitcast3A_432 : vector<16xf32>
        %add3A_435 = arith.constant 200 : i32
        %add3A_436 = arith.addi %add3A_435, %add3A_395 : i32
        %get3A_437 = arith.index_cast %add3A_436 : i32 to index
        %get3A_438 = arith.constant 16 : index
        %get3A_439 = tpu.vector_load %arg6[%get3A_437, %get3A_438] {strides = array<i32>} : memref<400x32xi32, #tpu.memory_space<vmem>>, vector<16xi32>,
        %shift_left3A_440 = arith.constant 16 : i32
        %shift_left3A_441 = vector.broadcast %shift_left3A_440 : i32 to vector<16xi32>
        %shift_left3A_442 = arith.shli %get3A_439, %shift_left3A_441 : vector<16xi32>
        %bitcast3A_443 = vector.bitcast %shift_left3A_442 : vector<16xi32> to vector<16xf32>
        %and3A_444 = arith.andi %get3A_439, %broadcast_in_dim3A_3 : vector<16xi32>
        %bitcast3A_445 = vector.bitcast %and3A_444 : vector<16xi32> to vector<16xf32>
        %add3A_446 = arith.addf %add3A_390, %bitcast3A_443 : vector<16xf32>
        %add3A_447 = arith.addf %add3A_391, %bitcast3A_445 : vector<16xf32>
        %mul3A_448 = arith.constant 8 : i32
        %mul3A_449 = arith.muli %scan3A_331, %mul3A_448 : i32
        %add3A_450 = arith.constant 2 : i32
        %add3A_451 = arith.addi %mul3A_449, %add3A_450 : i32
        %add3A_452 = arith.constant 0 : i32
        %add3A_453 = arith.addi %add3A_452, %add3A_451 : i32
        %get3A_454 = arith.index_cast %add3A_453 : i32 to index
        %get3A_455 = arith.constant 0 : index
        %get3A_456 = tpu.vector_load %arg6[%get3A_454, %get3A_455] {strides = array<i32>} : memref<400x32xi32, #tpu.memory_space<vmem>>, vector<16xi32>,
        %shift_left3A_457 = arith.constant 16 : i32
        %shift_left3A_458 = vector.broadcast %shift_left3A_457 : i32 to vector<16xi32>
        %shift_left3A_459 = arith.shli %get3A_456, %shift_left3A_458 : vector<16xi32>
        %bitcast3A_460 = vector.bitcast %shift_left3A_459 : vector<16xi32> to vector<16xf32>
        %and3A_461 = arith.andi %get3A_456, %broadcast_in_dim3A_3 : vector<16xi32>
        %bitcast3A_462 = vector.bitcast %and3A_461 : vector<16xi32> to vector<16xf32>
        %add3A_463 = arith.addf %add3A_407, %bitcast3A_460 : vector<16xf32>
        %add3A_464 = arith.addf %add3A_408, %bitcast3A_462 : vector<16xf32>
        %add3A_465 = arith.constant 0 : i32
        %add3A_466 = arith.addi %add3A_465, %add3A_451 : i32
        %get3A_467 = arith.index_cast %add3A_466 : i32 to index
        %get3A_468 = arith.constant 16 : index
        %get3A_469 = tpu.vector_load %arg6[%get3A_467, %get3A_468] {strides = array<i32>} : memref<400x32xi32, #tpu.memory_space<vmem>>, vector<16xi32>,
        %shift_left3A_470 = arith.constant 16 : i32
        %shift_left3A_471 = vector.broadcast %shift_left3A_470 : i32 to vector<16xi32>
        %shift_left3A_472 = arith.shli %get3A_469, %shift_left3A_471 : vector<16xi32>
        %bitcast3A_473 = vector.bitcast %shift_left3A_472 : vector<16xi32> to vector<16xf32>
        %and3A_474 = arith.andi %get3A_469, %broadcast_in_dim3A_3 : vector<16xi32>
        %bitcast3A_475 = vector.bitcast %and3A_474 : vector<16xi32> to vector<16xf32>
        %add3A_476 = arith.addf %add3A_420, %bitcast3A_473 : vector<16xf32>
        %add3A_477 = arith.addf %add3A_421, %bitcast3A_475 : vector<16xf32>
        %add3A_478 = arith.constant 200 : i32
        %add3A_479 = arith.addi %add3A_478, %add3A_451 : i32
        %get3A_480 = arith.index_cast %add3A_479 : i32 to index
        %get3A_481 = arith.constant 0 : index
        %get3A_482 = tpu.vector_load %arg6[%get3A_480, %get3A_481] {strides = array<i32>} : memref<400x32xi32, #tpu.memory_space<vmem>>, vector<16xi32>,
        %shift_left3A_483 = arith.constant 16 : i32
        %shift_left3A_484 = vector.broadcast %shift_left3A_483 : i32 to vector<16xi32>
        %shift_left3A_485 = arith.shli %get3A_482, %shift_left3A_484 : vector<16xi32>
        %bitcast3A_486 = vector.bitcast %shift_left3A_485 : vector<16xi32> to vector<16xf32>
        %and3A_487 = arith.andi %get3A_482, %broadcast_in_dim3A_3 : vector<16xi32>
        %bitcast3A_488 = vector.bitcast %and3A_487 : vector<16xi32> to vector<16xf32>
        %add3A_489 = arith.addf %add3A_433, %bitcast3A_486 : vector<16xf32>
        %add3A_490 = arith.addf %add3A_434, %bitcast3A_488 : vector<16xf32>
        %add3A_491 = arith.constant 200 : i32
        %add3A_492 = arith.addi %add3A_491, %add3A_451 : i32
        %get3A_493 = arith.index_cast %add3A_492 : i32 to index
        %get3A_494 = arith.constant 16 : index
        %get3A_495 = tpu.vector_load %arg6[%get3A_493, %get3A_494] {strides = array<i32>} : memref<400x32xi32, #tpu.memory_space<vmem>>, vector<16xi32>,
        %shift_left3A_496 = arith.constant 16 : i32
        %shift_left3A_497 = vector.broadcast %shift_left3A_496 : i32 to vector<16xi32>
        %shift_left3A_498 = arith.shli %get3A_495, %shift_left3A_497 : vector<16xi32>
        %bitcast3A_499 = vector.bitcast %shift_left3A_498 : vector<16xi32> to vector<16xf32>
        %and3A_500 = arith.andi %get3A_495, %broadcast_in_dim3A_3 : vector<16xi32>
        %bitcast3A_501 = vector.bitcast %and3A_500 : vector<16xi32> to vector<16xf32>
        %add3A_502 = arith.addf %add3A_446, %bitcast3A_499 : vector<16xf32>
        %add3A_503 = arith.addf %add3A_447, %bitcast3A_501 : vector<16xf32>
        %mul3A_504 = arith.constant 8 : i32
        %mul3A_505 = arith.muli %scan3A_331, %mul3A_504 : i32
        %add3A_506 = arith.constant 3 : i32
        %add3A_507 = arith.addi %mul3A_505, %add3A_506 : i32
        %add3A_508 = arith.constant 0 : i32
        %add3A_509 = arith.addi %add3A_508, %add3A_507 : i32
        %get3A_510 = arith.index_cast %add3A_509 : i32 to index
        %get3A_511 = arith.constant 0 : index
        %get3A_512 = tpu.vector_load %arg6[%get3A_510, %get3A_511] {strides = array<i32>} : memref<400x32xi32, #tpu.memory_space<vmem>>, vector<16xi32>,
        %shift_left3A_513 = arith.constant 16 : i32
        %shift_left3A_514 = vector.broadcast %shift_left3A_513 : i32 to vector<16xi32>
        %shift_left3A_515 = arith.shli %get3A_512, %shift_left3A_514 : vector<16xi32>
        %bitcast3A_516 = vector.bitcast %shift_left3A_515 : vector<16xi32> to vector<16xf32>
        %and3A_517 = arith.andi %get3A_512, %broadcast_in_dim3A_3 : vector<16xi32>
        %bitcast3A_518 = vector.bitcast %and3A_517 : vector<16xi32> to vector<16xf32>
        %add3A_519 = arith.addf %add3A_463, %bitcast3A_516 : vector<16xf32>
        %add3A_520 = arith.addf %add3A_464, %bitcast3A_518 : vector<16xf32>
        %add3A_521 = arith.constant 0 : i32
        %add3A_522 = arith.addi %add3A_521, %add3A_507 : i32
        %get3A_523 = arith.index_cast %add3A_522 : i32 to index
        %get3A_524 = arith.constant 16 : index
        %get3A_525 = tpu.vector_load %arg6[%get3A_523, %get3A_524] {strides = array<i32>} : memref<400x32xi32, #tpu.memory_space<vmem>>, vector<16xi32>,
        %shift_left3A_526 = arith.constant 16 : i32
        %shift_left3A_527 = vector.broadcast %shift_left3A_526 : i32 to vector<16xi32>
        %shift_left3A_528 = arith.shli %get3A_525, %shift_left3A_527 : vector<16xi32>
        %bitcast3A_529 = vector.bitcast %shift_left3A_528 : vector<16xi32> to vector<16xf32>
        %and3A_530 = arith.andi %get3A_525, %broadcast_in_dim3A_3 : vector<16xi32>
        %bitcast3A_531 = vector.bitcast %and3A_530 : vector<16xi32> to vector<16xf32>
        %add3A_532 = arith.addf %add3A_476, %bitcast3A_529 : vector<16xf32>
        %add3A_533 = arith.addf %add3A_477, %bitcast3A_531 : vector<16xf32>
        %add3A_534 = arith.constant 200 : i32
        %add3A_535 = arith.addi %add3A_534, %add3A_507 : i32
        %get3A_536 = arith.index_cast %add3A_535 : i32 to index
        %get3A_537 = arith.constant 0 : index
        %get3A_538 = tpu.vector_load %arg6[%get3A_536, %get3A_537] {strides = array<i32>} : memref<400x32xi32, #tpu.memory_space<vmem>>, vector<16xi32>,
        %shift_left3A_539 = arith.constant 16 : i32
        %shift_left3A_540 = vector.broadcast %shift_left3A_539 : i32 to vector<16xi32>
        %shift_left3A_541 = arith.shli %get3A_538, %shift_left3A_540 : vector<16xi32>
        %bitcast3A_542 = vector.bitcast %shift_left3A_541 : vector<16xi32> to vector<16xf32>
        %and3A_543 = arith.andi %get3A_538, %broadcast_in_dim3A_3 : vector<16xi32>
        %bitcast3A_544 = vector.bitcast %and3A_543 : vector<16xi32> to vector<16xf32>
        %add3A_545 = arith.addf %add3A_489, %bitcast3A_542 : vector<16xf32>
        %add3A_546 = arith.addf %add3A_490, %bitcast3A_544 : vector<16xf32>
        %add3A_547 = arith.constant 200 : i32
        %add3A_548 = arith.addi %add3A_547, %add3A_507 : i32
        %get3A_549 = arith.index_cast %add3A_548 : i32 to index
        %get3A_550 = arith.constant 16 : index
        %get3A_551 = tpu.vector_load %arg6[%get3A_549, %get3A_550] {strides = array<i32>} : memref<400x32xi32, #tpu.memory_space<vmem>>, vector<16xi32>,
        %shift_left3A_552 = arith.constant 16 : i32
        %shift_left3A_553 = vector.broadcast %shift_left3A_552 : i32 to vector<16xi32>
        %shift_left3A_554 = arith.shli %get3A_551, %shift_left3A_553 : vector<16xi32>
        %bitcast3A_555 = vector.bitcast %shift_left3A_554 : vector<16xi32> to vector<16xf32>
        %and3A_556 = arith.andi %get3A_551, %broadcast_in_dim3A_3 : vector<16xi32>
        %bitcast3A_557 = vector.bitcast %and3A_556 : vector<16xi32> to vector<16xf32>
        %add3A_558 = arith.addf %add3A_502, %bitcast3A_555 : vector<16xf32>
        %add3A_559 = arith.addf %add3A_503, %bitcast3A_557 : vector<16xf32>
        %mul3A_560 = arith.constant 8 : i32
        %mul3A_561 = arith.muli %scan3A_331, %mul3A_560 : i32
        %add3A_562 = arith.constant 4 : i32
        %add3A_563 = arith.addi %mul3A_561, %add3A_562 : i32
        %add3A_564 = arith.constant 0 : i32
        %add3A_565 = arith.addi %add3A_564, %add3A_563 : i32
        %get3A_566 = arith.index_cast %add3A_565 : i32 to index
        %get3A_567 = arith.constant 0 : index
        %get3A_568 = tpu.vector_load %arg6[%get3A_566, %get3A_567] {strides = array<i32>} : memref<400x32xi32, #tpu.memory_space<vmem>>, vector<16xi32>,
        %shift_left3A_569 = arith.constant 16 : i32
        %shift_left3A_570 = vector.broadcast %shift_left3A_569 : i32 to vector<16xi32>
        %shift_left3A_571 = arith.shli %get3A_568, %shift_left3A_570 : vector<16xi32>
        %bitcast3A_572 = vector.bitcast %shift_left3A_571 : vector<16xi32> to vector<16xf32>
        %and3A_573 = arith.andi %get3A_568, %broadcast_in_dim3A_3 : vector<16xi32>
        %bitcast3A_574 = vector.bitcast %and3A_573 : vector<16xi32> to vector<16xf32>
        %add3A_575 = arith.addf %add3A_519, %bitcast3A_572 : vector<16xf32>
        %add3A_576 = arith.addf %add3A_520, %bitcast3A_574 : vector<16xf32>
        %add3A_577 = arith.constant 0 : i32
        %add3A_578 = arith.addi %add3A_577, %add3A_563 : i32
        %get3A_579 = arith.index_cast %add3A_578 : i32 to index
        %get3A_580 = arith.constant 16 : index
        %get3A_581 = tpu.vector_load %arg6[%get3A_579, %get3A_580] {strides = array<i32>} : memref<400x32xi32, #tpu.memory_space<vmem>>, vector<16xi32>,
        %shift_left3A_582 = arith.constant 16 : i32
        %shift_left3A_583 = vector.broadcast %shift_left3A_582 : i32 to vector<16xi32>
        %shift_left3A_584 = arith.shli %get3A_581, %shift_left3A_583 : vector<16xi32>
        %bitcast3A_585 = vector.bitcast %shift_left3A_584 : vector<16xi32> to vector<16xf32>
        %and3A_586 = arith.andi %get3A_581, %broadcast_in_dim3A_3 : vector<16xi32>
        %bitcast3A_587 = vector.bitcast %and3A_586 : vector<16xi32> to vector<16xf32>
        %add3A_588 = arith.addf %add3A_532, %bitcast3A_585 : vector<16xf32>
        %add3A_589 = arith.addf %add3A_533, %bitcast3A_587 : vector<16xf32>
        %add3A_590 = arith.constant 200 : i32
        %add3A_591 = arith.addi %add3A_590, %add3A_563 : i32
        %get3A_592 = arith.index_cast %add3A_591 : i32 to index
        %get3A_593 = arith.constant 0 : index
        %get3A_594 = tpu.vector_load %arg6[%get3A_592, %get3A_593] {strides = array<i32>} : memref<400x32xi32, #tpu.memory_space<vmem>>, vector<16xi32>,
        %shift_left3A_595 = arith.constant 16 : i32
        %shift_left3A_596 = vector.broadcast %shift_left3A_595 : i32 to vector<16xi32>
        %shift_left3A_597 = arith.shli %get3A_594, %shift_left3A_596 : vector<16xi32>
        %bitcast3A_598 = vector.bitcast %shift_left3A_597 : vector<16xi32> to vector<16xf32>
        %and3A_599 = arith.andi %get3A_594, %broadcast_in_dim3A_3 : vector<16xi32>
        %bitcast3A_600 = vector.bitcast %and3A_599 : vector<16xi32> to vector<16xf32>
        %add3A_601 = arith.addf %add3A_545, %bitcast3A_598 : vector<16xf32>
        %add3A_602 = arith.addf %add3A_546, %bitcast3A_600 : vector<16xf32>
        %add3A_603 = arith.constant 200 : i32
        %add3A_604 = arith.addi %add3A_603, %add3A_563 : i32
        %get3A_605 = arith.index_cast %add3A_604 : i32 to index
        %get3A_606 = arith.constant 16 : index
        %get3A_607 = tpu.vector_load %arg6[%get3A_605, %get3A_606] {strides = array<i32>} : memref<400x32xi32, #tpu.memory_space<vmem>>, vector<16xi32>,
        %shift_left3A_608 = arith.constant 16 : i32
        %shift_left3A_609 = vector.broadcast %shift_left3A_608 : i32 to vector<16xi32>
        %shift_left3A_610 = arith.shli %get3A_607, %shift_left3A_609 : vector<16xi32>
        %bitcast3A_611 = vector.bitcast %shift_left3A_610 : vector<16xi32> to vector<16xf32>
        %and3A_612 = arith.andi %get3A_607, %broadcast_in_dim3A_3 : vector<16xi32>
        %bitcast3A_613 = vector.bitcast %and3A_612 : vector<16xi32> to vector<16xf32>
        %add3A_614 = arith.addf %add3A_558, %bitcast3A_611 : vector<16xf32>
        %add3A_615 = arith.addf %add3A_559, %bitcast3A_613 : vector<16xf32>
        %mul3A_616 = arith.constant 8 : i32
        %mul3A_617 = arith.muli %scan3A_331, %mul3A_616 : i32
        %add3A_618 = arith.constant 5 : i32
        %add3A_619 = arith.addi %mul3A_617, %add3A_618 : i32
        %add3A_620 = arith.constant 0 : i32
        %add3A_621 = arith.addi %add3A_620, %add3A_619 : i32
        %get3A_622 = arith.index_cast %add3A_621 : i32 to index
        %get3A_623 = arith.constant 0 : index
        %get3A_624 = tpu.vector_load %arg6[%get3A_622, %get3A_623] {strides = array<i32>} : memref<400x32xi32, #tpu.memory_space<vmem>>, vector<16xi32>,
        %shift_left3A_625 = arith.constant 16 : i32
        %shift_left3A_626 = vector.broadcast %shift_left3A_625 : i32 to vector<16xi32>
        %shift_left3A_627 = arith.shli %get3A_624, %shift_left3A_626 : vector<16xi32>
        %bitcast3A_628 = vector.bitcast %shift_left3A_627 : vector<16xi32> to vector<16xf32>
        %and3A_629 = arith.andi %get3A_624, %broadcast_in_dim3A_3 : vector<16xi32>
        %bitcast3A_630 = vector.bitcast %and3A_629 : vector<16xi32> to vector<16xf32>
        %add3A_631 = arith.addf %add3A_575, %bitcast3A_628 : vector<16xf32>
        %add3A_632 = arith.addf %add3A_576, %bitcast3A_630 : vector<16xf32>
        %add3A_633 = arith.constant 0 : i32
        %add3A_634 = arith.addi %add3A_633, %add3A_619 : i32
        %get3A_635 = arith.index_cast %add3A_634 : i32 to index
        %get3A_636 = arith.constant 16 : index
        %get3A_637 = tpu.vector_load %arg6[%get3A_635, %get3A_636] {strides = array<i32>} : memref<400x32xi32, #tpu.memory_space<vmem>>, vector<16xi32>,
        %shift_left3A_638 = arith.constant 16 : i32
        %shift_left3A_639 = vector.broadcast %shift_left3A_638 : i32 to vector<16xi32>
        %shift_left3A_640 = arith.shli %get3A_637, %shift_left3A_639 : vector<16xi32>
        %bitcast3A_641 = vector.bitcast %shift_left3A_640 : vector<16xi32> to vector<16xf32>
        %and3A_642 = arith.andi %get3A_637, %broadcast_in_dim3A_3 : vector<16xi32>
        %bitcast3A_643 = vector.bitcast %and3A_642 : vector<16xi32> to vector<16xf32>
        %add3A_644 = arith.addf %add3A_588, %bitcast3A_641 : vector<16xf32>
        %add3A_645 = arith.addf %add3A_589, %bitcast3A_643 : vector<16xf32>
        %add3A_646 = arith.constant 200 : i32
        %add3A_647 = arith.addi %add3A_646, %add3A_619 : i32
        %get3A_648 = arith.index_cast %add3A_647 : i32 to index
        %get3A_649 = arith.constant 0 : index
        %get3A_650 = tpu.vector_load %arg6[%get3A_648, %get3A_649] {strides = array<i32>} : memref<400x32xi32, #tpu.memory_space<vmem>>, vector<16xi32>,
        %shift_left3A_651 = arith.constant 16 : i32
        %shift_left3A_652 = vector.broadcast %shift_left3A_651 : i32 to vector<16xi32>
        %shift_left3A_653 = arith.shli %get3A_650, %shift_left3A_652 : vector<16xi32>
        %bitcast3A_654 = vector.bitcast %shift_left3A_653 : vector<16xi32> to vector<16xf32>
        %and3A_655 = arith.andi %get3A_650, %broadcast_in_dim3A_3 : vector<16xi32>
        %bitcast3A_656 = vector.bitcast %and3A_655 : vector<16xi32> to vector<16xf32>
        %add3A_657 = arith.addf %add3A_601, %bitcast3A_654 : vector<16xf32>
        %add3A_658 = arith.addf %add3A_602, %bitcast3A_656 : vector<16xf32>
        %add3A_659 = arith.constant 200 : i32
        %add3A_660 = arith.addi %add3A_659, %add3A_619 : i32
        %get3A_661 = arith.index_cast %add3A_660 : i32 to index
        %get3A_662 = arith.constant 16 : index
        %get3A_663 = tpu.vector_load %arg6[%get3A_661, %get3A_662] {strides = array<i32>} : memref<400x32xi32, #tpu.memory_space<vmem>>, vector<16xi32>,
        %shift_left3A_664 = arith.constant 16 : i32
        %shift_left3A_665 = vector.broadcast %shift_left3A_664 : i32 to vector<16xi32>
        %shift_left3A_666 = arith.shli %get3A_663, %shift_left3A_665 : vector<16xi32>
        %bitcast3A_667 = vector.bitcast %shift_left3A_666 : vector<16xi32> to vector<16xf32>
        %and3A_668 = arith.andi %get3A_663, %broadcast_in_dim3A_3 : vector<16xi32>
        %bitcast3A_669 = vector.bitcast %and3A_668 : vector<16xi32> to vector<16xf32>
        %add3A_670 = arith.addf %add3A_614, %bitcast3A_667 : vector<16xf32>
        %add3A_671 = arith.addf %add3A_615, %bitcast3A_669 : vector<16xf32>
        %mul3A_672 = arith.constant 8 : i32
        %mul3A_673 = arith.muli %scan3A_331, %mul3A_672 : i32
        %add3A_674 = arith.constant 6 : i32
        %add3A_675 = arith.addi %mul3A_673, %add3A_674 : i32
        %add3A_676 = arith.constant 0 : i32
        %add3A_677 = arith.addi %add3A_676, %add3A_675 : i32
        %get3A_678 = arith.index_cast %add3A_677 : i32 to index
        %get3A_679 = arith.constant 0 : index
        %get3A_680 = tpu.vector_load %arg6[%get3A_678, %get3A_679] {strides = array<i32>} : memref<400x32xi32, #tpu.memory_space<vmem>>, vector<16xi32>,
        %shift_left3A_681 = arith.constant 16 : i32
        %shift_left3A_682 = vector.broadcast %shift_left3A_681 : i32 to vector<16xi32>
        %shift_left3A_683 = arith.shli %get3A_680, %shift_left3A_682 : vector<16xi32>
        %bitcast3A_684 = vector.bitcast %shift_left3A_683 : vector<16xi32> to vector<16xf32>
        %and3A_685 = arith.andi %get3A_680, %broadcast_in_dim3A_3 : vector<16xi32>
        %bitcast3A_686 = vector.bitcast %and3A_685 : vector<16xi32> to vector<16xf32>
        %add3A_687 = arith.addf %add3A_631, %bitcast3A_684 : vector<16xf32>
        %add3A_688 = arith.addf %add3A_632, %bitcast3A_686 : vector<16xf32>
        %add3A_689 = arith.constant 0 : i32
        %add3A_690 = arith.addi %add3A_689, %add3A_675 : i32
        %get3A_691 = arith.index_cast %add3A_690 : i32 to index
        %get3A_692 = arith.constant 16 : index
        %get3A_693 = tpu.vector_load %arg6[%get3A_691, %get3A_692] {strides = array<i32>} : memref<400x32xi32, #tpu.memory_space<vmem>>, vector<16xi32>,
        %shift_left3A_694 = arith.constant 16 : i32
        %shift_left3A_695 = vector.broadcast %shift_left3A_694 : i32 to vector<16xi32>
        %shift_left3A_696 = arith.shli %get3A_693, %shift_left3A_695 : vector<16xi32>
        %bitcast3A_697 = vector.bitcast %shift_left3A_696 : vector<16xi32> to vector<16xf32>
        %and3A_698 = arith.andi %get3A_693, %broadcast_in_dim3A_3 : vector<16xi32>
        %bitcast3A_699 = vector.bitcast %and3A_698 : vector<16xi32> to vector<16xf32>
        %add3A_700 = arith.addf %add3A_644, %bitcast3A_697 : vector<16xf32>
        %add3A_701 = arith.addf %add3A_645, %bitcast3A_699 : vector<16xf32>
        %add3A_702 = arith.constant 200 : i32
        %add3A_703 = arith.addi %add3A_702, %add3A_675 : i32
        %get3A_704 = arith.index_cast %add3A_703 : i32 to index
        %get3A_705 = arith.constant 0 : index
        %get3A_706 = tpu.vector_load %arg6[%get3A_704, %get3A_705] {strides = array<i32>} : memref<400x32xi32, #tpu.memory_space<vmem>>, vector<16xi32>,
        %shift_left3A_707 = arith.constant 16 : i32
        %shift_left3A_708 = vector.broadcast %shift_left3A_707 : i32 to vector<16xi32>
        %shift_left3A_709 = arith.shli %get3A_706, %shift_left3A_708 : vector<16xi32>
        %bitcast3A_710 = vector.bitcast %shift_left3A_709 : vector<16xi32> to vector<16xf32>
        %and3A_711 = arith.andi %get3A_706, %broadcast_in_dim3A_3 : vector<16xi32>
        %bitcast3A_712 = vector.bitcast %and3A_711 : vector<16xi32> to vector<16xf32>
        %add3A_713 = arith.addf %add3A_657, %bitcast3A_710 : vector<16xf32>
        %add3A_714 = arith.addf %add3A_658, %bitcast3A_712 : vector<16xf32>
        %add3A_715 = arith.constant 200 : i32
        %add3A_716 = arith.addi %add3A_715, %add3A_675 : i32
        %get3A_717 = arith.index_cast %add3A_716 : i32 to index
        %get3A_718 = arith.constant 16 : index
        %get3A_719 = tpu.vector_load %arg6[%get3A_717, %get3A_718] {strides = array<i32>} : memref<400x32xi32, #tpu.memory_space<vmem>>, vector<16xi32>,
        %shift_left3A_720 = arith.constant 16 : i32
        %shift_left3A_721 = vector.broadcast %shift_left3A_720 : i32 to vector<16xi32>
        %shift_left3A_722 = arith.shli %get3A_719, %shift_left3A_721 : vector<16xi32>
        %bitcast3A_723 = vector.bitcast %shift_left3A_722 : vector<16xi32> to vector<16xf32>
        %and3A_724 = arith.andi %get3A_719, %broadcast_in_dim3A_3 : vector<16xi32>
        %bitcast3A_725 = vector.bitcast %and3A_724 : vector<16xi32> to vector<16xf32>
        %add3A_726 = arith.addf %add3A_670, %bitcast3A_723 : vector<16xf32>
        %add3A_727 = arith.addf %add3A_671, %bitcast3A_725 : vector<16xf32>
        %mul3A_728 = arith.constant 8 : i32
        %mul3A_729 = arith.muli %scan3A_331, %mul3A_728 : i32
        %add3A_730 = arith.constant 7 : i32
        %add3A_731 = arith.addi %mul3A_729, %add3A_730 : i32
        %add3A_732 = arith.constant 0 : i32
        %add3A_733 = arith.addi %add3A_732, %add3A_731 : i32
        %get3A_734 = arith.index_cast %add3A_733 : i32 to index
        %get3A_735 = arith.constant 0 : index
        %get3A_736 = tpu.vector_load %arg6[%get3A_734, %get3A_735] {strides = array<i32>} : memref<400x32xi32, #tpu.memory_space<vmem>>, vector<16xi32>,
        %shift_left3A_737 = arith.constant 16 : i32
        %shift_left3A_738 = vector.broadcast %shift_left3A_737 : i32 to vector<16xi32>
        %shift_left3A_739 = arith.shli %get3A_736, %shift_left3A_738 : vector<16xi32>
        %bitcast3A_740 = vector.bitcast %shift_left3A_739 : vector<16xi32> to vector<16xf32>
        %and3A_741 = arith.andi %get3A_736, %broadcast_in_dim3A_3 : vector<16xi32>
        %bitcast3A_742 = vector.bitcast %and3A_741 : vector<16xi32> to vector<16xf32>
        %add3A_743 = arith.addf %add3A_687, %bitcast3A_740 : vector<16xf32>
        %add3A_744 = arith.addf %add3A_688, %bitcast3A_742 : vector<16xf32>
        %add3A_745 = arith.constant 0 : i32
        %add3A_746 = arith.addi %add3A_745, %add3A_731 : i32
        %get3A_747 = arith.index_cast %add3A_746 : i32 to index
        %get3A_748 = arith.constant 16 : index
        %get3A_749 = tpu.vector_load %arg6[%get3A_747, %get3A_748] {strides = array<i32>} : memref<400x32xi32, #tpu.memory_space<vmem>>, vector<16xi32>,
        %shift_left3A_750 = arith.constant 16 : i32
        %shift_left3A_751 = vector.broadcast %shift_left3A_750 : i32 to vector<16xi32>
        %shift_left3A_752 = arith.shli %get3A_749, %shift_left3A_751 : vector<16xi32>
        %bitcast3A_753 = vector.bitcast %shift_left3A_752 : vector<16xi32> to vector<16xf32>
        %and3A_754 = arith.andi %get3A_749, %broadcast_in_dim3A_3 : vector<16xi32>
        %bitcast3A_755 = vector.bitcast %and3A_754 : vector<16xi32> to vector<16xf32>
        %add3A_756 = arith.addf %add3A_700, %bitcast3A_753 : vector<16xf32>
        %add3A_757 = arith.addf %add3A_701, %bitcast3A_755 : vector<16xf32>
        %add3A_758 = arith.constant 200 : i32
        %add3A_759 = arith.addi %add3A_758, %add3A_731 : i32
        %get3A_760 = arith.index_cast %add3A_759 : i32 to index
        %get3A_761 = arith.constant 0 : index
        %get3A_762 = tpu.vector_load %arg6[%get3A_760, %get3A_761] {strides = array<i32>} : memref<400x32xi32, #tpu.memory_space<vmem>>, vector<16xi32>,
        %shift_left3A_763 = arith.constant 16 : i32
        %shift_left3A_764 = vector.broadcast %shift_left3A_763 : i32 to vector<16xi32>
        %shift_left3A_765 = arith.shli %get3A_762, %shift_left3A_764 : vector<16xi32>
        %bitcast3A_766 = vector.bitcast %shift_left3A_765 : vector<16xi32> to vector<16xf32>
        %and3A_767 = arith.andi %get3A_762, %broadcast_in_dim3A_3 : vector<16xi32>
        %bitcast3A_768 = vector.bitcast %and3A_767 : vector<16xi32> to vector<16xf32>
        %add3A_769 = arith.addf %add3A_713, %bitcast3A_766 : vector<16xf32>
        %add3A_770 = arith.addf %add3A_714, %bitcast3A_768 : vector<16xf32>
        %add3A_771 = arith.constant 200 : i32
        %add3A_772 = arith.addi %add3A_771, %add3A_731 : i32
        %get3A_773 = arith.index_cast %add3A_772 : i32 to index
        %get3A_774 = arith.constant 16 : index
        %get3A_775 = tpu.vector_load %arg6[%get3A_773, %get3A_774] {strides = array<i32>} : memref<400x32xi32, #tpu.memory_space<vmem>>, vector<16xi32>,
        %shift_left3A_776 = arith.constant 16 : i32
        %shift_left3A_777 = vector.broadcast %shift_left3A_776 : i32 to vector<16xi32>
        %shift_left3A_778 = arith.shli %get3A_775, %shift_left3A_777 : vector<16xi32>
        %bitcast3A_779 = vector.bitcast %shift_left3A_778 : vector<16xi32> to vector<16xf32>
        %and3A_780 = arith.andi %get3A_775, %broadcast_in_dim3A_3 : vector<16xi32>
        %bitcast3A_781 = vector.bitcast %and3A_780 : vector<16xi32> to vector<16xf32>
        %add3A_782 = arith.addf %add3A_726, %bitcast3A_779 : vector<16xf32>
        %add3A_783 = arith.addf %add3A_727, %bitcast3A_781 : vector<16xf32>
        scf.yield %add3A_743, %add3A_756, %add3A_744, %add3A_757, %add3A_769, %add3A_782, %add3A_770, %add3A_783 : vector<16xf32>, vector<16xf32>, vector<16xf32>, vector<16xf32>, vector<16xf32>, vector<16xf32>, vector<16xf32>, vector<16xf32>
      }
      %scan3A_170 = arith.constant 25 : i32
      %mul3A_171 = arith.constant 2 : i32
      %mul3A_172 = arith.muli %add3A_142, %mul3A_171 : i32
      %add3A_173 = arith.constant 0 : i32
      %add3A_174 = arith.addi %mul3A_172, %add3A_173 : i32
      %swap3A_175 = arith.index_cast %add3A_174 : i32 to index
      %swap3A_176 = arith.constant 0 : index
      %swap3A_177 = tpu.vector_load %arg8[%swap3A_175, %swap3A_176] {strides = array<i32>} : memref<128x64xf32, #tpu.memory_space<vmem>>, vector<16xf32>,
      tpu.vector_store %arg8[%swap3A_175, %swap3A_176], %scan3A_169#0 {strides = array<i32>} : memref<128x64xf32, #tpu.memory_space<vmem>>, vector<16xf32>,
      %mul3A_178 = arith.constant 2 : i32
      %mul3A_179 = arith.muli %add3A_142, %mul3A_178 : i32
      %add3A_180 = arith.constant 0 : i32
      %add3A_181 = arith.addi %mul3A_179, %add3A_180 : i32
      %swap3A_182 = arith.index_cast %add3A_181 : i32 to index
      %swap3A_183 = arith.constant 32 : index
      %swap3A_184 = tpu.vector_load %arg8[%swap3A_182, %swap3A_183] {strides = array<i32>} : memref<128x64xf32, #tpu.memory_space<vmem>>, vector<16xf32>,
      tpu.vector_store %arg8[%swap3A_182, %swap3A_183], %scan3A_169#2 {strides = array<i32>} : memref<128x64xf32, #tpu.memory_space<vmem>>, vector<16xf32>,
      %mul3A_185 = arith.constant 2 : i32
      %mul3A_186 = arith.muli %add3A_142, %mul3A_185 : i32
      %add3A_187 = arith.constant 0 : i32
      %add3A_188 = arith.addi %mul3A_186, %add3A_187 : i32
      %swap3A_189 = arith.index_cast %add3A_188 : i32 to index
      %swap3A_190 = arith.constant 16 : index
      %swap3A_191 = tpu.vector_load %arg8[%swap3A_189, %swap3A_190] {strides = array<i32>} : memref<128x64xf32, #tpu.memory_space<vmem>>, vector<16xf32>,
      tpu.vector_store %arg8[%swap3A_189, %swap3A_190], %scan3A_169#1 {strides = array<i32>} : memref<128x64xf32, #tpu.memory_space<vmem>>, vector<16xf32>,
      %mul3A_192 = arith.constant 2 : i32
      %mul3A_193 = arith.muli %add3A_142, %mul3A_192 : i32
      %add3A_194 = arith.constant 0 : i32
      %add3A_195 = arith.addi %mul3A_193, %add3A_194 : i32
      %swap3A_196 = arith.index_cast %add3A_195 : i32 to index
      %swap3A_197 = arith.constant 48 : index
      %swap3A_198 = tpu.vector_load %arg8[%swap3A_196, %swap3A_197] {strides = array<i32>} : memref<128x64xf32, #tpu.memory_space<vmem>>, vector<16xf32>,
      tpu.vector_store %arg8[%swap3A_196, %swap3A_197], %scan3A_169#3 {strides = array<i32>} : memref<128x64xf32, #tpu.memory_space<vmem>>, vector<16xf32>,
      %mul3A_199 = arith.constant 2 : i32
      %mul3A_200 = arith.muli %add3A_142, %mul3A_199 : i32
      %add3A_201 = arith.constant 1 : i32
      %add3A_202 = arith.addi %mul3A_200, %add3A_201 : i32
      %swap3A_203 = arith.index_cast %add3A_202 : i32 to index
      %swap3A_204 = arith.constant 0 : index
      %swap3A_205 = tpu.vector_load %arg8[%swap3A_203, %swap3A_204] {strides = array<i32>} : memref<128x64xf32, #tpu.memory_space<vmem>>, vector<16xf32>,
      tpu.vector_store %arg8[%swap3A_203, %swap3A_204], %scan3A_169#4 {strides = array<i32>} : memref<128x64xf32, #tpu.memory_space<vmem>>, vector<16xf32>,
      %mul3A_206 = arith.constant 2 : i32
      %mul3A_207 = arith.muli %add3A_142, %mul3A_206 : i32
      %add3A_208 = arith.constant 1 : i32
      %add3A_209 = arith.addi %mul3A_207, %add3A_208 : i32
      %swap3A_210 = arith.index_cast %add3A_209 : i32 to index
      %swap3A_211 = arith.constant 32 : index
      %swap3A_212 = tpu.vector_load %arg8[%swap3A_210, %swap3A_211] {strides = array<i32>} : memref<128x64xf32, #tpu.memory_space<vmem>>, vector<16xf32>,
      tpu.vector_store %arg8[%swap3A_210, %swap3A_211], %scan3A_169#6 {strides = array<i32>} : memref<128x64xf32, #tpu.memory_space<vmem>>, vector<16xf32>,
      %mul3A_213 = arith.constant 2 : i32
      %mul3A_214 = arith.muli %add3A_142, %mul3A_213 : i32
      %add3A_215 = arith.constant 1 : i32
      %add3A_216 = arith.addi %mul3A_214, %add3A_215 : i32
      %swap3A_217 = arith.index_cast %add3A_216 : i32 to index
      %swap3A_218 = arith.constant 16 : index
      %swap3A_219 = tpu.vector_load %arg8[%swap3A_217, %swap3A_218] {strides = array<i32>} : memref<128x64xf32, #tpu.memory_space<vmem>>, vector<16xf32>,
      tpu.vector_store %arg8[%swap3A_217, %swap3A_218], %scan3A_169#5 {strides = array<i32>} : memref<128x64xf32, #tpu.memory_space<vmem>>, vector<16xf32>,
      %mul3A_220 = arith.constant 2 : i32
      %mul3A_221 = arith.muli %add3A_142, %mul3A_220 : i32
      %add3A_222 = arith.constant 1 : i32
      %add3A_223 = arith.addi %mul3A_221, %add3A_222 : i32
      %swap3A_224 = arith.index_cast %add3A_223 : i32 to index
      %swap3A_225 = arith.constant 48 : index
      %swap3A_226 = tpu.vector_load %arg8[%swap3A_224, %swap3A_225] {strides = array<i32>} : memref<128x64xf32, #tpu.memory_space<vmem>>, vector<16xf32>,
      tpu.vector_store %arg8[%swap3A_224, %swap3A_225], %scan3A_169#7 {strides = array<i32>} : memref<128x64xf32, #tpu.memory_space<vmem>>, vector<16xf32>,
      %add3A_227 = arith.constant 2 : i32
      %add3A_228 = arith.addi %add3A_142, %add3A_227 : i32
      %mul3A_229 = arith.constant 400 : i32
      %mul3A_230 = arith.muli %add3A_228, %mul3A_229 : i32
      %dma_start3A_231 = tpu.memref_slice %arg5[%mul3A_230] : memref<25600xi32, #tpu.memory_space<vmem>> -> memref<400xi32, #tpu.memory_space<vmem>>
      %dma_start3A_232 = arith.constant 0 : i32
      %dma_start3A_233 = arith.constant 0 : i32
      %dma_start3A_234 = tpu.memref_slice %arg3[%dma_start3A_232, %dma_start3A_233] : memref<1015808x32xi32, #tpu.memory_space<hbm>> -> memref<1015808x32xi32, #tpu.memory_space<hbm>>
      tpu.enqueue_indirect_dma source(%dma_start3A_234 : memref<1015808x32xi32, #tpu.memory_space<hbm>>) target(%arg6 : memref<400x32xi32, #tpu.memory_space<vmem>>) offsets(%dma_start3A_231 : memref<400xi32, #tpu.memory_space<vmem>>) semaphore(%arg9 : memref<!tpu.dma_semaphore, #tpu.memory_space<semaphore_mem>>)
      %mul3A_235 = arith.constant 2 : i32
      %mul3A_236 = arith.muli %mul3A_235, %scan3A_138 : i32
      %add3A_237 = arith.constant 1 : i32
      %add3A_238 = arith.addi %mul3A_236, %add3A_237 : i32
      %dma_wait3A_239 = arith.constant 0 : i32
      %dma_wait3A_240 = arith.constant 0 : i32
      %dma_wait3A_241 = tpu.memref_slice %arg3[%dma_wait3A_239, %dma_wait3A_240] : memref<1015808x32xi32, #tpu.memory_space<hbm>> -> memref<400x32xi32, #tpu.memory_space<hbm>>
      %dma_wait3A_242 = arith.constant 0 : i32
      %dma_wait3A_243 = arith.constant 0 : i32
      %dma_wait3A_244 = tpu.memref_slice %arg3[%dma_wait3A_242, %dma_wait3A_243] : memref<1015808x32xi32, #tpu.memory_space<hbm>> -> memref<400x32xi32, #tpu.memory_space<hbm>>
      tpu.wait_dma2 semaphore(%arg10 : memref<!tpu.dma_semaphore, #tpu.memory_space<semaphore_mem>>) src(%dma_wait3A_244 : memref<400x32xi32, #tpu.memory_space<hbm>>) dst(%arg7 : memref<400x32xi32, #tpu.memory_space<vmem>>)
      %broadcast_in_dim3A_245 = arith.constant 0.000000e+00 : f32
      %broadcast_in_dim3A_246 = vector.broadcast %broadcast_in_dim3A_245 : f32 to vector<16xf32>
      %broadcast_in_dim3A_247 = arith.constant 0.000000e+00 : f32
      %broadcast_in_dim3A_248 = vector.broadcast %broadcast_in_dim3A_247 : f32 to vector<16xf32>
      %broadcast_in_dim3A_249 = arith.constant 0.000000e+00 : f32
      %broadcast_in_dim3A_250 = vector.broadcast %broadcast_in_dim3A_249 : f32 to vector<16xf32>
      %broadcast_in_dim3A_251 = arith.constant 0.000000e+00 : f32
      %broadcast_in_dim3A_252 = vector.broadcast %broadcast_in_dim3A_251 : f32 to vector<16xf32>
      %broadcast_in_dim3A_253 = arith.constant 0.000000e+00 : f32
      %broadcast_in_dim3A_254 = vector.broadcast %broadcast_in_dim3A_253 : f32 to vector<16xf32>
      %broadcast_in_dim3A_255 = arith.constant 0.000000e+00 : f32
      %broadcast_in_dim3A_256 = vector.broadcast %broadcast_in_dim3A_255 : f32 to vector<16xf32>
      %broadcast_in_dim3A_257 = arith.constant 0.000000e+00 : f32
      %broadcast_in_dim3A_258 = vector.broadcast %broadcast_in_dim3A_257 : f32 to vector<16xf32>
      %broadcast_in_dim3A_259 = arith.constant 0.000000e+00 : f32
      %broadcast_in_dim3A_260 = vector.broadcast %broadcast_in_dim3A_259 : f32 to vector<16xf32>
      %scan3A_261 = arith.constant 0 : i32
      %scan3A_262 = arith.constant 25 : i32
      %scan3A_263 = arith.addi %scan3A_261, %scan3A_262 : i32
      %scan3A_264 = arith.constant 1 : i32
      %scan3A_265:8 = scf.for %scan3A_331 = %scan3A_261 to %scan3A_263 step %scan3A_264 iter_args(%scan3A_332 = %broadcast_in_dim3A_246, %scan3A_333 = %broadcast_in_dim3A_248, %scan3A_334 = %broadcast_in_dim3A_250, %scan3A_335 = %broadcast_in_dim3A_252, %scan3A_336 = %broadcast_in_dim3A_254, %scan3A_337 = %broadcast_in_dim3A_256, %scan3A_338 = %broadcast_in_dim3A_258, %scan3A_339 = %broadcast_in_dim3A_260) -> (vector<16xf32>, vector<16xf32>, vector<16xf32>, vector<16xf32>, vector<16xf32>, vector<16xf32>, vector<16xf32>, vector<16xf32>)  : i32 {
        %mul3A_340 = arith.constant 8 : i32
        %mul3A_341 = arith.muli %scan3A_331, %mul3A_340 : i32
        %add3A_342 = arith.constant 0 : i32
        %add3A_343 = arith.addi %mul3A_341, %add3A_342 : i32
        %add3A_344 = arith.constant 0 : i32
        %add3A_345 = arith.addi %add3A_344, %add3A_343 : i32
        %get3A = arith.index_cast %add3A_345 : i32 to index
        %get3A_346 = arith.constant 0 : index
        %get3A_347 = tpu.vector_load %arg7[%get3A, %get3A_346] {strides = array<i32>} : memref<400x32xi32, #tpu.memory_space<vmem>>, vector<16xi32>,
        %shift_left3A = arith.constant 16 : i32
        %shift_left3A_348 = vector.broadcast %shift_left3A : i32 to vector<16xi32>
        %shift_left3A_349 = arith.shli %get3A_347, %shift_left3A_348 : vector<16xi32>
        %bitcast3A = vector.bitcast %shift_left3A_349 : vector<16xi32> to vector<16xf32>
        %and3A = arith.andi %get3A_347, %broadcast_in_dim3A_3 : vector<16xi32>
        %bitcast3A_350 = vector.bitcast %and3A : vector<16xi32> to vector<16xf32>
        %add3A_351 = arith.addf %scan3A_332, %bitcast3A : vector<16xf32>
        %add3A_352 = arith.addf %scan3A_334, %bitcast3A_350 : vector<16xf32>
        %add3A_353 = arith.constant 0 : i32
        %add3A_354 = arith.addi %add3A_353, %add3A_343 : i32
        %get3A_355 = arith.index_cast %add3A_354 : i32 to index
        %get3A_356 = arith.constant 16 : index
        %get3A_357 = tpu.vector_load %arg7[%get3A_355, %get3A_356] {strides = array<i32>} : memref<400x32xi32, #tpu.memory_space<vmem>>, vector<16xi32>,
        %shift_left3A_358 = arith.constant 16 : i32
        %shift_left3A_359 = vector.broadcast %shift_left3A_358 : i32 to vector<16xi32>
        %shift_left3A_360 = arith.shli %get3A_357, %shift_left3A_359 : vector<16xi32>
        %bitcast3A_361 = vector.bitcast %shift_left3A_360 : vector<16xi32> to vector<16xf32>
        %and3A_362 = arith.andi %get3A_357, %broadcast_in_dim3A_3 : vector<16xi32>
        %bitcast3A_363 = vector.bitcast %and3A_362 : vector<16xi32> to vector<16xf32>
        %add3A_364 = arith.addf %scan3A_333, %bitcast3A_361 : vector<16xf32>
        %add3A_365 = arith.addf %scan3A_335, %bitcast3A_363 : vector<16xf32>
        %add3A_366 = arith.constant 200 : i32
        %add3A_367 = arith.addi %add3A_366, %add3A_343 : i32
        %get3A_368 = arith.index_cast %add3A_367 : i32 to index
        %get3A_369 = arith.constant 0 : index
        %get3A_370 = tpu.vector_load %arg7[%get3A_368, %get3A_369] {strides = array<i32>} : memref<400x32xi32, #tpu.memory_space<vmem>>, vector<16xi32>,
        %shift_left3A_371 = arith.constant 16 : i32
        %shift_left3A_372 = vector.broadcast %shift_left3A_371 : i32 to vector<16xi32>
        %shift_left3A_373 = arith.shli %get3A_370, %shift_left3A_372 : vector<16xi32>
        %bitcast3A_374 = vector.bitcast %shift_left3A_373 : vector<16xi32> to vector<16xf32>
        %and3A_375 = arith.andi %get3A_370, %broadcast_in_dim3A_3 : vector<16xi32>
        %bitcast3A_376 = vector.bitcast %and3A_375 : vector<16xi32> to vector<16xf32>
        %add3A_377 = arith.addf %scan3A_336, %bitcast3A_374 : vector<16xf32>
        %add3A_378 = arith.addf %scan3A_338, %bitcast3A_376 : vector<16xf32>
        %add3A_379 = arith.constant 200 : i32
        %add3A_380 = arith.addi %add3A_379, %add3A_343 : i32
        %get3A_381 = arith.index_cast %add3A_380 : i32 to index
        %get3A_382 = arith.constant 16 : index
        %get3A_383 = tpu.vector_load %arg7[%get3A_381, %get3A_382] {strides = array<i32>} : memref<400x32xi32, #tpu.memory_space<vmem>>, vector<16xi32>,
        %shift_left3A_384 = arith.constant 16 : i32
        %shift_left3A_385 = vector.broadcast %shift_left3A_384 : i32 to vector<16xi32>
        %shift_left3A_386 = arith.shli %get3A_383, %shift_left3A_385 : vector<16xi32>
        %bitcast3A_387 = vector.bitcast %shift_left3A_386 : vector<16xi32> to vector<16xf32>
        %and3A_388 = arith.andi %get3A_383, %broadcast_in_dim3A_3 : vector<16xi32>
        %bitcast3A_389 = vector.bitcast %and3A_388 : vector<16xi32> to vector<16xf32>
        %add3A_390 = arith.addf %scan3A_337, %bitcast3A_387 : vector<16xf32>
        %add3A_391 = arith.addf %scan3A_339, %bitcast3A_389 : vector<16xf32>
        %mul3A_392 = arith.constant 8 : i32
        %mul3A_393 = arith.muli %scan3A_331, %mul3A_392 : i32
        %add3A_394 = arith.constant 1 : i32
        %add3A_395 = arith.addi %mul3A_393, %add3A_394 : i32
        %add3A_396 = arith.constant 0 : i32
        %add3A_397 = arith.addi %add3A_396, %add3A_395 : i32
        %get3A_398 = arith.index_cast %add3A_397 : i32 to index
        %get3A_399 = arith.constant 0 : index
        %get3A_400 = tpu.vector_load %arg7[%get3A_398, %get3A_399] {strides = array<i32>} : memref<400x32xi32, #tpu.memory_space<vmem>>, vector<16xi32>,
        %shift_left3A_401 = arith.constant 16 : i32
        %shift_left3A_402 = vector.broadcast %shift_left3A_401 : i32 to vector<16xi32>
        %shift_left3A_403 = arith.shli %get3A_400, %shift_left3A_402 : vector<16xi32>
        %bitcast3A_404 = vector.bitcast %shift_left3A_403 : vector<16xi32> to vector<16xf32>
        %and3A_405 = arith.andi %get3A_400, %broadcast_in_dim3A_3 : vector<16xi32>
        %bitcast3A_406 = vector.bitcast %and3A_405 : vector<16xi32> to vector<16xf32>
        %add3A_407 = arith.addf %add3A_351, %bitcast3A_404 : vector<16xf32>
        %add3A_408 = arith.addf %add3A_352, %bitcast3A_406 : vector<16xf32>
        %add3A_409 = arith.constant 0 : i32
        %add3A_410 = arith.addi %add3A_409, %add3A_395 : i32
        %get3A_411 = arith.index_cast %add3A_410 : i32 to index
        %get3A_412 = arith.constant 16 : index
        %get3A_413 = tpu.vector_load %arg7[%get3A_411, %get3A_412] {strides = array<i32>} : memref<400x32xi32, #tpu.memory_space<vmem>>, vector<16xi32>,
        %shift_left3A_414 = arith.constant 16 : i32
        %shift_left3A_415 = vector.broadcast %shift_left3A_414 : i32 to vector<16xi32>
        %shift_left3A_416 = arith.shli %get3A_413, %shift_left3A_415 : vector<16xi32>
        %bitcast3A_417 = vector.bitcast %shift_left3A_416 : vector<16xi32> to vector<16xf32>
        %and3A_418 = arith.andi %get3A_413, %broadcast_in_dim3A_3 : vector<16xi32>
        %bitcast3A_419 = vector.bitcast %and3A_418 : vector<16xi32> to vector<16xf32>
        %add3A_420 = arith.addf %add3A_364, %bitcast3A_417 : vector<16xf32>
        %add3A_421 = arith.addf %add3A_365, %bitcast3A_419 : vector<16xf32>
        %add3A_422 = arith.constant 200 : i32
        %add3A_423 = arith.addi %add3A_422, %add3A_395 : i32
        %get3A_424 = arith.index_cast %add3A_423 : i32 to index
        %get3A_425 = arith.constant 0 : index
        %get3A_426 = tpu.vector_load %arg7[%get3A_424, %get3A_425] {strides = array<i32>} : memref<400x32xi32, #tpu.memory_space<vmem>>, vector<16xi32>,
        %shift_left3A_427 = arith.constant 16 : i32
        %shift_left3A_428 = vector.broadcast %shift_left3A_427 : i32 to vector<16xi32>
        %shift_left3A_429 = arith.shli %get3A_426, %shift_left3A_428 : vector<16xi32>
        %bitcast3A_430 = vector.bitcast %shift_left3A_429 : vector<16xi32> to vector<16xf32>
        %and3A_431 = arith.andi %get3A_426, %broadcast_in_dim3A_3 : vector<16xi32>
        %bitcast3A_432 = vector.bitcast %and3A_431 : vector<16xi32> to vector<16xf32>
        %add3A_433 = arith.addf %add3A_377, %bitcast3A_430 : vector<16xf32>
        %add3A_434 = arith.addf %add3A_378, %bitcast3A_432 : vector<16xf32>
        %add3A_435 = arith.constant 200 : i32
        %add3A_436 = arith.addi %add3A_435, %add3A_395 : i32
        %get3A_437 = arith.index_cast %add3A_436 : i32 to index
        %get3A_438 = arith.constant 16 : index
        %get3A_439 = tpu.vector_load %arg7[%get3A_437, %get3A_438] {strides = array<i32>} : memref<400x32xi32, #tpu.memory_space<vmem>>, vector<16xi32>,
        %shift_left3A_440 = arith.constant 16 : i32
        %shift_left3A_441 = vector.broadcast %shift_left3A_440 : i32 to vector<16xi32>
        %shift_left3A_442 = arith.shli %get3A_439, %shift_left3A_441 : vector<16xi32>
        %bitcast3A_443 = vector.bitcast %shift_left3A_442 : vector<16xi32> to vector<16xf32>
        %and3A_444 = arith.andi %get3A_439, %broadcast_in_dim3A_3 : vector<16xi32>
        %bitcast3A_445 = vector.bitcast %and3A_444 : vector<16xi32> to vector<16xf32>
        %add3A_446 = arith.addf %add3A_390, %bitcast3A_443 : vector<16xf32>
        %add3A_447 = arith.addf %add3A_391, %bitcast3A_445 : vector<16xf32>
        %mul3A_448 = arith.constant 8 : i32
        %mul3A_449 = arith.muli %scan3A_331, %mul3A_448 : i32
        %add3A_450 = arith.constant 2 : i32
        %add3A_451 = arith.addi %mul3A_449, %add3A_450 : i32
        %add3A_452 = arith.constant 0 : i32
        %add3A_453 = arith.addi %add3A_452, %add3A_451 : i32
        %get3A_454 = arith.index_cast %add3A_453 : i32 to index
        %get3A_455 = arith.constant 0 : index
        %get3A_456 = tpu.vector_load %arg7[%get3A_454, %get3A_455] {strides = array<i32>} : memref<400x32xi32, #tpu.memory_space<vmem>>, vector<16xi32>,
        %shift_left3A_457 = arith.constant 16 : i32
        %shift_left3A_458 = vector.broadcast %shift_left3A_457 : i32 to vector<16xi32>
        %shift_left3A_459 = arith.shli %get3A_456, %shift_left3A_458 : vector<16xi32>
        %bitcast3A_460 = vector.bitcast %shift_left3A_459 : vector<16xi32> to vector<16xf32>
        %and3A_461 = arith.andi %get3A_456, %broadcast_in_dim3A_3 : vector<16xi32>
        %bitcast3A_462 = vector.bitcast %and3A_461 : vector<16xi32> to vector<16xf32>
        %add3A_463 = arith.addf %add3A_407, %bitcast3A_460 : vector<16xf32>
        %add3A_464 = arith.addf %add3A_408, %bitcast3A_462 : vector<16xf32>
        %add3A_465 = arith.constant 0 : i32
        %add3A_466 = arith.addi %add3A_465, %add3A_451 : i32
        %get3A_467 = arith.index_cast %add3A_466 : i32 to index
        %get3A_468 = arith.constant 16 : index
        %get3A_469 = tpu.vector_load %arg7[%get3A_467, %get3A_468] {strides = array<i32>} : memref<400x32xi32, #tpu.memory_space<vmem>>, vector<16xi32>,
        %shift_left3A_470 = arith.constant 16 : i32
        %shift_left3A_471 = vector.broadcast %shift_left3A_470 : i32 to vector<16xi32>
        %shift_left3A_472 = arith.shli %get3A_469, %shift_left3A_471 : vector<16xi32>
        %bitcast3A_473 = vector.bitcast %shift_left3A_472 : vector<16xi32> to vector<16xf32>
        %and3A_474 = arith.andi %get3A_469, %broadcast_in_dim3A_3 : vector<16xi32>
        %bitcast3A_475 = vector.bitcast %and3A_474 : vector<16xi32> to vector<16xf32>
        %add3A_476 = arith.addf %add3A_420, %bitcast3A_473 : vector<16xf32>
        %add3A_477 = arith.addf %add3A_421, %bitcast3A_475 : vector<16xf32>
        %add3A_478 = arith.constant 200 : i32
        %add3A_479 = arith.addi %add3A_478, %add3A_451 : i32
        %get3A_480 = arith.index_cast %add3A_479 : i32 to index
        %get3A_481 = arith.constant 0 : index
        %get3A_482 = tpu.vector_load %arg7[%get3A_480, %get3A_481] {strides = array<i32>} : memref<400x32xi32, #tpu.memory_space<vmem>>, vector<16xi32>,
        %shift_left3A_483 = arith.constant 16 : i32
        %shift_left3A_484 = vector.broadcast %shift_left3A_483 : i32 to vector<16xi32>
        %shift_left3A_485 = arith.shli %get3A_482, %shift_left3A_484 : vector<16xi32>
        %bitcast3A_486 = vector.bitcast %shift_left3A_485 : vector<16xi32> to vector<16xf32>
        %and3A_487 = arith.andi %get3A_482, %broadcast_in_dim3A_3 : vector<16xi32>
        %bitcast3A_488 = vector.bitcast %and3A_487 : vector<16xi32> to vector<16xf32>
        %add3A_489 = arith.addf %add3A_433, %bitcast3A_486 : vector<16xf32>
        %add3A_490 = arith.addf %add3A_434, %bitcast3A_488 : vector<16xf32>
        %add3A_491 = arith.constant 200 : i32
        %add3A_492 = arith.addi %add3A_491, %add3A_451 : i32
        %get3A_493 = arith.index_cast %add3A_492 : i32 to index
        %get3A_494 = arith.constant 16 : index
        %get3A_495 = tpu.vector_load %arg7[%get3A_493, %get3A_494] {strides = array<i32>} : memref<400x32xi32, #tpu.memory_space<vmem>>, vector<16xi32>,
        %shift_left3A_496 = arith.constant 16 : i32
        %shift_left3A_497 = vector.broadcast %shift_left3A_496 : i32 to vector<16xi32>
        %shift_left3A_498 = arith.shli %get3A_495, %shift_left3A_497 : vector<16xi32>
        %bitcast3A_499 = vector.bitcast %shift_left3A_498 : vector<16xi32> to vector<16xf32>
        %and3A_500 = arith.andi %get3A_495, %broadcast_in_dim3A_3 : vector<16xi32>
        %bitcast3A_501 = vector.bitcast %and3A_500 : vector<16xi32> to vector<16xf32>
        %add3A_502 = arith.addf %add3A_446, %bitcast3A_499 : vector<16xf32>
        %add3A_503 = arith.addf %add3A_447, %bitcast3A_501 : vector<16xf32>
        %mul3A_504 = arith.constant 8 : i32
        %mul3A_505 = arith.muli %scan3A_331, %mul3A_504 : i32
        %add3A_506 = arith.constant 3 : i32
        %add3A_507 = arith.addi %mul3A_505, %add3A_506 : i32
        %add3A_508 = arith.constant 0 : i32
        %add3A_509 = arith.addi %add3A_508, %add3A_507 : i32
        %get3A_510 = arith.index_cast %add3A_509 : i32 to index
        %get3A_511 = arith.constant 0 : index
        %get3A_512 = tpu.vector_load %arg7[%get3A_510, %get3A_511] {strides = array<i32>} : memref<400x32xi32, #tpu.memory_space<vmem>>, vector<16xi32>,
        %shift_left3A_513 = arith.constant 16 : i32
        %shift_left3A_514 = vector.broadcast %shift_left3A_513 : i32 to vector<16xi32>
        %shift_left3A_515 = arith.shli %get3A_512, %shift_left3A_514 : vector<16xi32>
        %bitcast3A_516 = vector.bitcast %shift_left3A_515 : vector<16xi32> to vector<16xf32>
        %and3A_517 = arith.andi %get3A_512, %broadcast_in_dim3A_3 : vector<16xi32>
        %bitcast3A_518 = vector.bitcast %and3A_517 : vector<16xi32> to vector<16xf32>
        %add3A_519 = arith.addf %add3A_463, %bitcast3A_516 : vector<16xf32>
        %add3A_520 = arith.addf %add3A_464, %bitcast3A_518 : vector<16xf32>
        %add3A_521 = arith.constant 0 : i32
        %add3A_522 = arith.addi %add3A_521, %add3A_507 : i32
        %get3A_523 = arith.index_cast %add3A_522 : i32 to index
        %get3A_524 = arith.constant 16 : index
        %get3A_525 = tpu.vector_load %arg7[%get3A_523, %get3A_524] {strides = array<i32>} : memref<400x32xi32, #tpu.memory_space<vmem>>, vector<16xi32>,
        %shift_left3A_526 = arith.constant 16 : i32
        %shift_left3A_527 = vector.broadcast %shift_left3A_526 : i32 to vector<16xi32>
        %shift_left3A_528 = arith.shli %get3A_525, %shift_left3A_527 : vector<16xi32>
        %bitcast3A_529 = vector.bitcast %shift_left3A_528 : vector<16xi32> to vector<16xf32>
        %and3A_530 = arith.andi %get3A_525, %broadcast_in_dim3A_3 : vector<16xi32>
        %bitcast3A_531 = vector.bitcast %and3A_530 : vector<16xi32> to vector<16xf32>
        %add3A_532 = arith.addf %add3A_476, %bitcast3A_529 : vector<16xf32>
        %add3A_533 = arith.addf %add3A_477, %bitcast3A_531 : vector<16xf32>
        %add3A_534 = arith.constant 200 : i32
        %add3A_535 = arith.addi %add3A_534, %add3A_507 : i32
        %get3A_536 = arith.index_cast %add3A_535 : i32 to index
        %get3A_537 = arith.constant 0 : index
        %get3A_538 = tpu.vector_load %arg7[%get3A_536, %get3A_537] {strides = array<i32>} : memref<400x32xi32, #tpu.memory_space<vmem>>, vector<16xi32>,
        %shift_left3A_539 = arith.constant 16 : i32
        %shift_left3A_540 = vector.broadcast %shift_left3A_539 : i32 to vector<16xi32>
        %shift_left3A_541 = arith.shli %get3A_538, %shift_left3A_540 : vector<16xi32>
        %bitcast3A_542 = vector.bitcast %shift_left3A_541 : vector<16xi32> to vector<16xf32>
        %and3A_543 = arith.andi %get3A_538, %broadcast_in_dim3A_3 : vector<16xi32>
        %bitcast3A_544 = vector.bitcast %and3A_543 : vector<16xi32> to vector<16xf32>
        %add3A_545 = arith.addf %add3A_489, %bitcast3A_542 : vector<16xf32>
        %add3A_546 = arith.addf %add3A_490, %bitcast3A_544 : vector<16xf32>
        %add3A_547 = arith.constant 200 : i32
        %add3A_548 = arith.addi %add3A_547, %add3A_507 : i32
        %get3A_549 = arith.index_cast %add3A_548 : i32 to index
        %get3A_550 = arith.constant 16 : index
        %get3A_551 = tpu.vector_load %arg7[%get3A_549, %get3A_550] {strides = array<i32>} : memref<400x32xi32, #tpu.memory_space<vmem>>, vector<16xi32>,
        %shift_left3A_552 = arith.constant 16 : i32
        %shift_left3A_553 = vector.broadcast %shift_left3A_552 : i32 to vector<16xi32>
        %shift_left3A_554 = arith.shli %get3A_551, %shift_left3A_553 : vector<16xi32>
        %bitcast3A_555 = vector.bitcast %shift_left3A_554 : vector<16xi32> to vector<16xf32>
        %and3A_556 = arith.andi %get3A_551, %broadcast_in_dim3A_3 : vector<16xi32>
        %bitcast3A_557 = vector.bitcast %and3A_556 : vector<16xi32> to vector<16xf32>
        %add3A_558 = arith.addf %add3A_502, %bitcast3A_555 : vector<16xf32>
        %add3A_559 = arith.addf %add3A_503, %bitcast3A_557 : vector<16xf32>
        %mul3A_560 = arith.constant 8 : i32
        %mul3A_561 = arith.muli %scan3A_331, %mul3A_560 : i32
        %add3A_562 = arith.constant 4 : i32
        %add3A_563 = arith.addi %mul3A_561, %add3A_562 : i32
        %add3A_564 = arith.constant 0 : i32
        %add3A_565 = arith.addi %add3A_564, %add3A_563 : i32
        %get3A_566 = arith.index_cast %add3A_565 : i32 to index
        %get3A_567 = arith.constant 0 : index
        %get3A_568 = tpu.vector_load %arg7[%get3A_566, %get3A_567] {strides = array<i32>} : memref<400x32xi32, #tpu.memory_space<vmem>>, vector<16xi32>,
        %shift_left3A_569 = arith.constant 16 : i32
        %shift_left3A_570 = vector.broadcast %shift_left3A_569 : i32 to vector<16xi32>
        %shift_left3A_571 = arith.shli %get3A_568, %shift_left3A_570 : vector<16xi32>
        %bitcast3A_572 = vector.bitcast %shift_left3A_571 : vector<16xi32> to vector<16xf32>
        %and3A_573 = arith.andi %get3A_568, %broadcast_in_dim3A_3 : vector<16xi32>
        %bitcast3A_574 = vector.bitcast %and3A_573 : vector<16xi32> to vector<16xf32>
        %add3A_575 = arith.addf %add3A_519, %bitcast3A_572 : vector<16xf32>
        %add3A_576 = arith.addf %add3A_520, %bitcast3A_574 : vector<16xf32>
        %add3A_577 = arith.constant 0 : i32
        %add3A_578 = arith.addi %add3A_577, %add3A_563 : i32
        %get3A_579 = arith.index_cast %add3A_578 : i32 to index
        %get3A_580 = arith.constant 16 : index
        %get3A_581 = tpu.vector_load %arg7[%get3A_579, %get3A_580] {strides = array<i32>} : memref<400x32xi32, #tpu.memory_space<vmem>>, vector<16xi32>,
        %shift_left3A_582 = arith.constant 16 : i32
        %shift_left3A_583 = vector.broadcast %shift_left3A_582 : i32 to vector<16xi32>
        %shift_left3A_584 = arith.shli %get3A_581, %shift_left3A_583 : vector<16xi32>
        %bitcast3A_585 = vector.bitcast %shift_left3A_584 : vector<16xi32> to vector<16xf32>
        %and3A_586 = arith.andi %get3A_581, %broadcast_in_dim3A_3 : vector<16xi32>
        %bitcast3A_587 = vector.bitcast %and3A_586 : vector<16xi32> to vector<16xf32>
        %add3A_588 = arith.addf %add3A_532, %bitcast3A_585 : vector<16xf32>
        %add3A_589 = arith.addf %add3A_533, %bitcast3A_587 : vector<16xf32>
        %add3A_590 = arith.constant 200 : i32
        %add3A_591 = arith.addi %add3A_590, %add3A_563 : i32
        %get3A_592 = arith.index_cast %add3A_591 : i32 to index
        %get3A_593 = arith.constant 0 : index
        %get3A_594 = tpu.vector_load %arg7[%get3A_592, %get3A_593] {strides = array<i32>} : memref<400x32xi32, #tpu.memory_space<vmem>>, vector<16xi32>,
        %shift_left3A_595 = arith.constant 16 : i32
        %shift_left3A_596 = vector.broadcast %shift_left3A_595 : i32 to vector<16xi32>
        %shift_left3A_597 = arith.shli %get3A_594, %shift_left3A_596 : vector<16xi32>
        %bitcast3A_598 = vector.bitcast %shift_left3A_597 : vector<16xi32> to vector<16xf32>
        %and3A_599 = arith.andi %get3A_594, %broadcast_in_dim3A_3 : vector<16xi32>
        %bitcast3A_600 = vector.bitcast %and3A_599 : vector<16xi32> to vector<16xf32>
        %add3A_601 = arith.addf %add3A_545, %bitcast3A_598 : vector<16xf32>
        %add3A_602 = arith.addf %add3A_546, %bitcast3A_600 : vector<16xf32>
        %add3A_603 = arith.constant 200 : i32
        %add3A_604 = arith.addi %add3A_603, %add3A_563 : i32
        %get3A_605 = arith.index_cast %add3A_604 : i32 to index
        %get3A_606 = arith.constant 16 : index
        %get3A_607 = tpu.vector_load %arg7[%get3A_605, %get3A_606] {strides = array<i32>} : memref<400x32xi32, #tpu.memory_space<vmem>>, vector<16xi32>,
        %shift_left3A_608 = arith.constant 16 : i32
        %shift_left3A_609 = vector.broadcast %shift_left3A_608 : i32 to vector<16xi32>
        %shift_left3A_610 = arith.shli %get3A_607, %shift_left3A_609 : vector<16xi32>
        %bitcast3A_611 = vector.bitcast %shift_left3A_610 : vector<16xi32> to vector<16xf32>
        %and3A_612 = arith.andi %get3A_607, %broadcast_in_dim3A_3 : vector<16xi32>
        %bitcast3A_613 = vector.bitcast %and3A_612 : vector<16xi32> to vector<16xf32>
        %add3A_614 = arith.addf %add3A_558, %bitcast3A_611 : vector<16xf32>
        %add3A_615 = arith.addf %add3A_559, %bitcast3A_613 : vector<16xf32>
        %mul3A_616 = arith.constant 8 : i32
        %mul3A_617 = arith.muli %scan3A_331, %mul3A_616 : i32
        %add3A_618 = arith.constant 5 : i32
        %add3A_619 = arith.addi %mul3A_617, %add3A_618 : i32
        %add3A_620 = arith.constant 0 : i32
        %add3A_621 = arith.addi %add3A_620, %add3A_619 : i32
        %get3A_622 = arith.index_cast %add3A_621 : i32 to index
        %get3A_623 = arith.constant 0 : index
        %get3A_624 = tpu.vector_load %arg7[%get3A_622, %get3A_623] {strides = array<i32>} : memref<400x32xi32, #tpu.memory_space<vmem>>, vector<16xi32>,
        %shift_left3A_625 = arith.constant 16 : i32
        %shift_left3A_626 = vector.broadcast %shift_left3A_625 : i32 to vector<16xi32>
        %shift_left3A_627 = arith.shli %get3A_624, %shift_left3A_626 : vector<16xi32>
        %bitcast3A_628 = vector.bitcast %shift_left3A_627 : vector<16xi32> to vector<16xf32>
        %and3A_629 = arith.andi %get3A_624, %broadcast_in_dim3A_3 : vector<16xi32>
        %bitcast3A_630 = vector.bitcast %and3A_629 : vector<16xi32> to vector<16xf32>
        %add3A_631 = arith.addf %add3A_575, %bitcast3A_628 : vector<16xf32>
        %add3A_632 = arith.addf %add3A_576, %bitcast3A_630 : vector<16xf32>
        %add3A_633 = arith.constant 0 : i32
        %add3A_634 = arith.addi %add3A_633, %add3A_619 : i32
        %get3A_635 = arith.index_cast %add3A_634 : i32 to index
        %get3A_636 = arith.constant 16 : index
        %get3A_637 = tpu.vector_load %arg7[%get3A_635, %get3A_636] {strides = array<i32>} : memref<400x32xi32, #tpu.memory_space<vmem>>, vector<16xi32>,
        %shift_left3A_638 = arith.constant 16 : i32
        %shift_left3A_639 = vector.broadcast %shift_left3A_638 : i32 to vector<16xi32>
        %shift_left3A_640 = arith.shli %get3A_637, %shift_left3A_639 : vector<16xi32>
        %bitcast3A_641 = vector.bitcast %shift_left3A_640 : vector<16xi32> to vector<16xf32>
        %and3A_642 = arith.andi %get3A_637, %broadcast_in_dim3A_3 : vector<16xi32>
        %bitcast3A_643 = vector.bitcast %and3A_642 : vector<16xi32> to vector<16xf32>
        %add3A_644 = arith.addf %add3A_588, %bitcast3A_641 : vector<16xf32>
        %add3A_645 = arith.addf %add3A_589, %bitcast3A_643 : vector<16xf32>
        %add3A_646 = arith.constant 200 : i32
        %add3A_647 = arith.addi %add3A_646, %add3A_619 : i32
        %get3A_648 = arith.index_cast %add3A_647 : i32 to index
        %get3A_649 = arith.constant 0 : index
        %get3A_650 = tpu.vector_load %arg7[%get3A_648, %get3A_649] {strides = array<i32>} : memref<400x32xi32, #tpu.memory_space<vmem>>, vector<16xi32>,
        %shift_left3A_651 = arith.constant 16 : i32
        %shift_left3A_652 = vector.broadcast %shift_left3A_651 : i32 to vector<16xi32>
        %shift_left3A_653 = arith.shli %get3A_650, %shift_left3A_652 : vector<16xi32>
        %bitcast3A_654 = vector.bitcast %shift_left3A_653 : vector<16xi32> to vector<16xf32>
        %and3A_655 = arith.andi %get3A_650, %broadcast_in_dim3A_3 : vector<16xi32>
        %bitcast3A_656 = vector.bitcast %and3A_655 : vector<16xi32> to vector<16xf32>
        %add3A_657 = arith.addf %add3A_601, %bitcast3A_654 : vector<16xf32>
        %add3A_658 = arith.addf %add3A_602, %bitcast3A_656 : vector<16xf32>
        %add3A_659 = arith.constant 200 : i32
        %add3A_660 = arith.addi %add3A_659, %add3A_619 : i32
        %get3A_661 = arith.index_cast %add3A_660 : i32 to index
        %get3A_662 = arith.constant 16 : index
        %get3A_663 = tpu.vector_load %arg7[%get3A_661, %get3A_662] {strides = array<i32>} : memref<400x32xi32, #tpu.memory_space<vmem>>, vector<16xi32>,
        %shift_left3A_664 = arith.constant 16 : i32
        %shift_left3A_665 = vector.broadcast %shift_left3A_664 : i32 to vector<16xi32>
        %shift_left3A_666 = arith.shli %get3A_663, %shift_left3A_665 : vector<16xi32>
        %bitcast3A_667 = vector.bitcast %shift_left3A_666 : vector<16xi32> to vector<16xf32>
        %and3A_668 = arith.andi %get3A_663, %broadcast_in_dim3A_3 : vector<16xi32>
        %bitcast3A_669 = vector.bitcast %and3A_668 : vector<16xi32> to vector<16xf32>
        %add3A_670 = arith.addf %add3A_614, %bitcast3A_667 : vector<16xf32>
        %add3A_671 = arith.addf %add3A_615, %bitcast3A_669 : vector<16xf32>
        %mul3A_672 = arith.constant 8 : i32
        %mul3A_673 = arith.muli %scan3A_331, %mul3A_672 : i32
        %add3A_674 = arith.constant 6 : i32
        %add3A_675 = arith.addi %mul3A_673, %add3A_674 : i32
        %add3A_676 = arith.constant 0 : i32
        %add3A_677 = arith.addi %add3A_676, %add3A_675 : i32
        %get3A_678 = arith.index_cast %add3A_677 : i32 to index
        %get3A_679 = arith.constant 0 : index
        %get3A_680 = tpu.vector_load %arg7[%get3A_678, %get3A_679] {strides = array<i32>} : memref<400x32xi32, #tpu.memory_space<vmem>>, vector<16xi32>,
        %shift_left3A_681 = arith.constant 16 : i32
        %shift_left3A_682 = vector.broadcast %shift_left3A_681 : i32 to vector<16xi32>
        %shift_left3A_683 = arith.shli %get3A_680, %shift_left3A_682 : vector<16xi32>
        %bitcast3A_684 = vector.bitcast %shift_left3A_683 : vector<16xi32> to vector<16xf32>
        %and3A_685 = arith.andi %get3A_680, %broadcast_in_dim3A_3 : vector<16xi32>
        %bitcast3A_686 = vector.bitcast %and3A_685 : vector<16xi32> to vector<16xf32>
        %add3A_687 = arith.addf %add3A_631, %bitcast3A_684 : vector<16xf32>
        %add3A_688 = arith.addf %add3A_632, %bitcast3A_686 : vector<16xf32>
        %add3A_689 = arith.constant 0 : i32
        %add3A_690 = arith.addi %add3A_689, %add3A_675 : i32
        %get3A_691 = arith.index_cast %add3A_690 : i32 to index
        %get3A_692 = arith.constant 16 : index
        %get3A_693 = tpu.vector_load %arg7[%get3A_691, %get3A_692] {strides = array<i32>} : memref<400x32xi32, #tpu.memory_space<vmem>>, vector<16xi32>,
        %shift_left3A_694 = arith.constant 16 : i32
        %shift_left3A_695 = vector.broadcast %shift_left3A_694 : i32 to vector<16xi32>
        %shift_left3A_696 = arith.shli %get3A_693, %shift_left3A_695 : vector<16xi32>
        %bitcast3A_697 = vector.bitcast %shift_left3A_696 : vector<16xi32> to vector<16xf32>
        %and3A_698 = arith.andi %get3A_693, %broadcast_in_dim3A_3 : vector<16xi32>
        %bitcast3A_699 = vector.bitcast %and3A_698 : vector<16xi32> to vector<16xf32>
        %add3A_700 = arith.addf %add3A_644, %bitcast3A_697 : vector<16xf32>
        %add3A_701 = arith.addf %add3A_645, %bitcast3A_699 : vector<16xf32>
        %add3A_702 = arith.constant 200 : i32
        %add3A_703 = arith.addi %add3A_702, %add3A_675 : i32
        %get3A_704 = arith.index_cast %add3A_703 : i32 to index
        %get3A_705 = arith.constant 0 : index
        %get3A_706 = tpu.vector_load %arg7[%get3A_704, %get3A_705] {strides = array<i32>} : memref<400x32xi32, #tpu.memory_space<vmem>>, vector<16xi32>,
        %shift_left3A_707 = arith.constant 16 : i32
        %shift_left3A_708 = vector.broadcast %shift_left3A_707 : i32 to vector<16xi32>
        %shift_left3A_709 = arith.shli %get3A_706, %shift_left3A_708 : vector<16xi32>
        %bitcast3A_710 = vector.bitcast %shift_left3A_709 : vector<16xi32> to vector<16xf32>
        %and3A_711 = arith.andi %get3A_706, %broadcast_in_dim3A_3 : vector<16xi32>
        %bitcast3A_712 = vector.bitcast %and3A_711 : vector<16xi32> to vector<16xf32>
        %add3A_713 = arith.addf %add3A_657, %bitcast3A_710 : vector<16xf32>
        %add3A_714 = arith.addf %add3A_658, %bitcast3A_712 : vector<16xf32>
        %add3A_715 = arith.constant 200 : i32
        %add3A_716 = arith.addi %add3A_715, %add3A_675 : i32
        %get3A_717 = arith.index_cast %add3A_716 : i32 to index
        %get3A_718 = arith.constant 16 : index
        %get3A_719 = tpu.vector_load %arg7[%get3A_717, %get3A_718] {strides = array<i32>} : memref<400x32xi32, #tpu.memory_space<vmem>>, vector<16xi32>,
        %shift_left3A_720 = arith.constant 16 : i32
        %shift_left3A_721 = vector.broadcast %shift_left3A_720 : i32 to vector<16xi32>
        %shift_left3A_722 = arith.shli %get3A_719, %shift_left3A_721 : vector<16xi32>
        %bitcast3A_723 = vector.bitcast %shift_left3A_722 : vector<16xi32> to vector<16xf32>
        %and3A_724 = arith.andi %get3A_719, %broadcast_in_dim3A_3 : vector<16xi32>
        %bitcast3A_725 = vector.bitcast %and3A_724 : vector<16xi32> to vector<16xf32>
        %add3A_726 = arith.addf %add3A_670, %bitcast3A_723 : vector<16xf32>
        %add3A_727 = arith.addf %add3A_671, %bitcast3A_725 : vector<16xf32>
        %mul3A_728 = arith.constant 8 : i32
        %mul3A_729 = arith.muli %scan3A_331, %mul3A_728 : i32
        %add3A_730 = arith.constant 7 : i32
        %add3A_731 = arith.addi %mul3A_729, %add3A_730 : i32
        %add3A_732 = arith.constant 0 : i32
        %add3A_733 = arith.addi %add3A_732, %add3A_731 : i32
        %get3A_734 = arith.index_cast %add3A_733 : i32 to index
        %get3A_735 = arith.constant 0 : index
        %get3A_736 = tpu.vector_load %arg7[%get3A_734, %get3A_735] {strides = array<i32>} : memref<400x32xi32, #tpu.memory_space<vmem>>, vector<16xi32>,
        %shift_left3A_737 = arith.constant 16 : i32
        %shift_left3A_738 = vector.broadcast %shift_left3A_737 : i32 to vector<16xi32>
        %shift_left3A_739 = arith.shli %get3A_736, %shift_left3A_738 : vector<16xi32>
        %bitcast3A_740 = vector.bitcast %shift_left3A_739 : vector<16xi32> to vector<16xf32>
        %and3A_741 = arith.andi %get3A_736, %broadcast_in_dim3A_3 : vector<16xi32>
        %bitcast3A_742 = vector.bitcast %and3A_741 : vector<16xi32> to vector<16xf32>
        %add3A_743 = arith.addf %add3A_687, %bitcast3A_740 : vector<16xf32>
        %add3A_744 = arith.addf %add3A_688, %bitcast3A_742 : vector<16xf32>
        %add3A_745 = arith.constant 0 : i32
        %add3A_746 = arith.addi %add3A_745, %add3A_731 : i32
        %get3A_747 = arith.index_cast %add3A_746 : i32 to index
        %get3A_748 = arith.constant 16 : index
        %get3A_749 = tpu.vector_load %arg7[%get3A_747, %get3A_748] {strides = array<i32>} : memref<400x32xi32, #tpu.memory_space<vmem>>, vector<16xi32>,
        %shift_left3A_750 = arith.constant 16 : i32
        %shift_left3A_751 = vector.broadcast %shift_left3A_750 : i32 to vector<16xi32>
        %shift_left3A_752 = arith.shli %get3A_749, %shift_left3A_751 : vector<16xi32>
        %bitcast3A_753 = vector.bitcast %shift_left3A_752 : vector<16xi32> to vector<16xf32>
        %and3A_754 = arith.andi %get3A_749, %broadcast_in_dim3A_3 : vector<16xi32>
        %bitcast3A_755 = vector.bitcast %and3A_754 : vector<16xi32> to vector<16xf32>
        %add3A_756 = arith.addf %add3A_700, %bitcast3A_753 : vector<16xf32>
        %add3A_757 = arith.addf %add3A_701, %bitcast3A_755 : vector<16xf32>
        %add3A_758 = arith.constant 200 : i32
        %add3A_759 = arith.addi %add3A_758, %add3A_731 : i32
        %get3A_760 = arith.index_cast %add3A_759 : i32 to index
        %get3A_761 = arith.constant 0 : index
        %get3A_762 = tpu.vector_load %arg7[%get3A_760, %get3A_761] {strides = array<i32>} : memref<400x32xi32, #tpu.memory_space<vmem>>, vector<16xi32>,
        %shift_left3A_763 = arith.constant 16 : i32
        %shift_left3A_764 = vector.broadcast %shift_left3A_763 : i32 to vector<16xi32>
        %shift_left3A_765 = arith.shli %get3A_762, %shift_left3A_764 : vector<16xi32>
        %bitcast3A_766 = vector.bitcast %shift_left3A_765 : vector<16xi32> to vector<16xf32>
        %and3A_767 = arith.andi %get3A_762, %broadcast_in_dim3A_3 : vector<16xi32>
        %bitcast3A_768 = vector.bitcast %and3A_767 : vector<16xi32> to vector<16xf32>
        %add3A_769 = arith.addf %add3A_713, %bitcast3A_766 : vector<16xf32>
        %add3A_770 = arith.addf %add3A_714, %bitcast3A_768 : vector<16xf32>
        %add3A_771 = arith.constant 200 : i32
        %add3A_772 = arith.addi %add3A_771, %add3A_731 : i32
        %get3A_773 = arith.index_cast %add3A_772 : i32 to index
        %get3A_774 = arith.constant 16 : index
        %get3A_775 = tpu.vector_load %arg7[%get3A_773, %get3A_774] {strides = array<i32>} : memref<400x32xi32, #tpu.memory_space<vmem>>, vector<16xi32>,
        %shift_left3A_776 = arith.constant 16 : i32
        %shift_left3A_777 = vector.broadcast %shift_left3A_776 : i32 to vector<16xi32>
        %shift_left3A_778 = arith.shli %get3A_775, %shift_left3A_777 : vector<16xi32>
        %bitcast3A_779 = vector.bitcast %shift_left3A_778 : vector<16xi32> to vector<16xf32>
        %and3A_780 = arith.andi %get3A_775, %broadcast_in_dim3A_3 : vector<16xi32>
        %bitcast3A_781 = vector.bitcast %and3A_780 : vector<16xi32> to vector<16xf32>
        %add3A_782 = arith.addf %add3A_726, %bitcast3A_779 : vector<16xf32>
        %add3A_783 = arith.addf %add3A_727, %bitcast3A_781 : vector<16xf32>
        scf.yield %add3A_743, %add3A_756, %add3A_744, %add3A_757, %add3A_769, %add3A_782, %add3A_770, %add3A_783 : vector<16xf32>, vector<16xf32>, vector<16xf32>, vector<16xf32>, vector<16xf32>, vector<16xf32>, vector<16xf32>, vector<16xf32>
      }
      %scan3A_266 = arith.constant 25 : i32
      %mul3A_267 = arith.constant 2 : i32
      %mul3A_268 = arith.muli %add3A_238, %mul3A_267 : i32
      %add3A_269 = arith.constant 0 : i32
      %add3A_270 = arith.addi %mul3A_268, %add3A_269 : i32
      %swap3A_271 = arith.index_cast %add3A_270 : i32 to index
      %swap3A_272 = arith.constant 0 : index
      %swap3A_273 = tpu.vector_load %arg8[%swap3A_271, %swap3A_272] {strides = array<i32>} : memref<128x64xf32, #tpu.memory_space<vmem>>, vector<16xf32>,
      tpu.vector_store %arg8[%swap3A_271, %swap3A_272], %scan3A_265#0 {strides = array<i32>} : memref<128x64xf32, #tpu.memory_space<vmem>>, vector<16xf32>,
      %mul3A_274 = arith.constant 2 : i32
      %mul3A_275 = arith.muli %add3A_238, %mul3A_274 : i32
      %add3A_276 = arith.constant 0 : i32
      %add3A_277 = arith.addi %mul3A_275, %add3A_276 : i32
      %swap3A_278 = arith.index_cast %add3A_277 : i32 to index
      %swap3A_279 = arith.constant 32 : index
      %swap3A_280 = tpu.vector_load %arg8[%swap3A_278, %swap3A_279] {strides = array<i32>} : memref<128x64xf32, #tpu.memory_space<vmem>>, vector<16xf32>,
      tpu.vector_store %arg8[%swap3A_278, %swap3A_279], %scan3A_265#2 {strides = array<i32>} : memref<128x64xf32, #tpu.memory_space<vmem>>, vector<16xf32>,
      %mul3A_281 = arith.constant 2 : i32
      %mul3A_282 = arith.muli %add3A_238, %mul3A_281 : i32
      %add3A_283 = arith.constant 0 : i32
      %add3A_284 = arith.addi %mul3A_282, %add3A_283 : i32
      %swap3A_285 = arith.index_cast %add3A_284 : i32 to index
      %swap3A_286 = arith.constant 16 : index
      %swap3A_287 = tpu.vector_load %arg8[%swap3A_285, %swap3A_286] {strides = array<i32>} : memref<128x64xf32, #tpu.memory_space<vmem>>, vector<16xf32>,
      tpu.vector_store %arg8[%swap3A_285, %swap3A_286], %scan3A_265#1 {strides = array<i32>} : memref<128x64xf32, #tpu.memory_space<vmem>>, vector<16xf32>,
      %mul3A_288 = arith.constant 2 : i32
      %mul3A_289 = arith.muli %add3A_238, %mul3A_288 : i32
      %add3A_290 = arith.constant 0 : i32
      %add3A_291 = arith.addi %mul3A_289, %add3A_290 : i32
      %swap3A_292 = arith.index_cast %add3A_291 : i32 to index
      %swap3A_293 = arith.constant 48 : index
      %swap3A_294 = tpu.vector_load %arg8[%swap3A_292, %swap3A_293] {strides = array<i32>} : memref<128x64xf32, #tpu.memory_space<vmem>>, vector<16xf32>,
      tpu.vector_store %arg8[%swap3A_292, %swap3A_293], %scan3A_265#3 {strides = array<i32>} : memref<128x64xf32, #tpu.memory_space<vmem>>, vector<16xf32>,
      %mul3A_295 = arith.constant 2 : i32
      %mul3A_296 = arith.muli %add3A_238, %mul3A_295 : i32
      %add3A_297 = arith.constant 1 : i32
      %add3A_298 = arith.addi %mul3A_296, %add3A_297 : i32
      %swap3A_299 = arith.index_cast %add3A_298 : i32 to index
      %swap3A_300 = arith.constant 0 : index
      %swap3A_301 = tpu.vector_load %arg8[%swap3A_299, %swap3A_300] {strides = array<i32>} : memref<128x64xf32, #tpu.memory_space<vmem>>, vector<16xf32>,
      tpu.vector_store %arg8[%swap3A_299, %swap3A_300], %scan3A_265#4 {strides = array<i32>} : memref<128x64xf32, #tpu.memory_space<vmem>>, vector<16xf32>,
      %mul3A_302 = arith.constant 2 : i32
      %mul3A_303 = arith.muli %add3A_238, %mul3A_302 : i32
      %add3A_304 = arith.constant 1 : i32
      %add3A_305 = arith.addi %mul3A_303, %add3A_304 : i32
      %swap3A_306 = arith.index_cast %add3A_305 : i32 to index
      %swap3A_307 = arith.constant 32 : index
      %swap3A_308 = tpu.vector_load %arg8[%swap3A_306, %swap3A_307] {strides = array<i32>} : memref<128x64xf32, #tpu.memory_space<vmem>>, vector<16xf32>,
      tpu.vector_store %arg8[%swap3A_306, %swap3A_307], %scan3A_265#6 {strides = array<i32>} : memref<128x64xf32, #tpu.memory_space<vmem>>, vector<16xf32>,
      %mul3A_309 = arith.constant 2 : i32
      %mul3A_310 = arith.muli %add3A_238, %mul3A_309 : i32
      %add3A_311 = arith.constant 1 : i32
      %add3A_312 = arith.addi %mul3A_310, %add3A_311 : i32
      %swap3A_313 = arith.index_cast %add3A_312 : i32 to index
      %swap3A_314 = arith.constant 16 : index
      %swap3A_315 = tpu.vector_load %arg8[%swap3A_313, %swap3A_314] {strides = array<i32>} : memref<128x64xf32, #tpu.memory_space<vmem>>, vector<16xf32>,
      tpu.vector_store %arg8[%swap3A_313, %swap3A_314], %scan3A_265#5 {strides = array<i32>} : memref<128x64xf32, #tpu.memory_space<vmem>>, vector<16xf32>,
      %mul3A_316 = arith.constant 2 : i32
      %mul3A_317 = arith.muli %add3A_238, %mul3A_316 : i32
      %add3A_318 = arith.constant 1 : i32
      %add3A_319 = arith.addi %mul3A_317, %add3A_318 : i32
      %swap3A_320 = arith.index_cast %add3A_319 : i32 to index
      %swap3A_321 = arith.constant 48 : index
      %swap3A_322 = tpu.vector_load %arg8[%swap3A_320, %swap3A_321] {strides = array<i32>} : memref<128x64xf32, #tpu.memory_space<vmem>>, vector<16xf32>,
      tpu.vector_store %arg8[%swap3A_320, %swap3A_321], %scan3A_265#7 {strides = array<i32>} : memref<128x64xf32, #tpu.memory_space<vmem>>, vector<16xf32>,
      %add3A_323 = arith.constant 2 : i32
      %add3A_324 = arith.addi %add3A_238, %add3A_323 : i32
      %mul3A_325 = arith.constant 400 : i32
      %mul3A_326 = arith.muli %add3A_324, %mul3A_325 : i32
      %dma_start3A_327 = tpu.memref_slice %arg5[%mul3A_326] : memref<25600xi32, #tpu.memory_space<vmem>> -> memref<400xi32, #tpu.memory_space<vmem>>
      %dma_start3A_328 = arith.constant 0 : i32
      %dma_start3A_329 = arith.constant 0 : i32
      %dma_start3A_330 = tpu.memref_slice %arg3[%dma_start3A_328, %dma_start3A_329] : memref<1015808x32xi32, #tpu.memory_space<hbm>> -> memref<1015808x32xi32, #tpu.memory_space<hbm>>
      tpu.enqueue_indirect_dma source(%dma_start3A_330 : memref<1015808x32xi32, #tpu.memory_space<hbm>>) target(%arg7 : memref<400x32xi32, #tpu.memory_space<vmem>>) offsets(%dma_start3A_327 : memref<400xi32, #tpu.memory_space<vmem>>) semaphore(%arg10 : memref<!tpu.dma_semaphore, #tpu.memory_space<semaphore_mem>>)
    }
    %scan3A_17 = arith.constant 31 : i32
    %dma_wait3A = arith.constant 0 : i32
    %dma_wait3A_18 = arith.constant 0 : i32
    %dma_wait3A_19 = tpu.memref_slice %arg3[%dma_wait3A, %dma_wait3A_18] : memref<1015808x32xi32, #tpu.memory_space<hbm>> -> memref<400x32xi32, #tpu.memory_space<hbm>>
    %dma_wait3A_20 = arith.constant 0 : i32
    %dma_wait3A_21 = arith.constant 0 : i32
    %dma_wait3A_22 = tpu.memref_slice %arg3[%dma_wait3A_20, %dma_wait3A_21] : memref<1015808x32xi32, #tpu.memory_space<hbm>> -> memref<400x32xi32, #tpu.memory_space<hbm>>
    tpu.wait_dma2 semaphore(%arg9 : memref<!tpu.dma_semaphore, #tpu.memory_space<semaphore_mem>>) src(%dma_wait3A_22 : memref<400x32xi32, #tpu.memory_space<hbm>>) dst(%arg6 : memref<400x32xi32, #tpu.memory_space<vmem>>)
    %broadcast_in_dim3A_23 = arith.constant 0.000000e+00 : f32
    %broadcast_in_dim3A_24 = vector.broadcast %broadcast_in_dim3A_23 : f32 to vector<16xf32>
    %broadcast_in_dim3A_25 = arith.constant 0.000000e+00 : f32
    %broadcast_in_dim3A_26 = vector.broadcast %broadcast_in_dim3A_25 : f32 to vector<16xf32>
    %broadcast_in_dim3A_27 = arith.constant 0.000000e+00 : f32
    %broadcast_in_dim3A_28 = vector.broadcast %broadcast_in_dim3A_27 : f32 to vector<16xf32>
    %broadcast_in_dim3A_29 = arith.constant 0.000000e+00 : f32
    %broadcast_in_dim3A_30 = vector.broadcast %broadcast_in_dim3A_29 : f32 to vector<16xf32>
    %broadcast_in_dim3A_31 = arith.constant 0.000000e+00 : f32
    %broadcast_in_dim3A_32 = vector.broadcast %broadcast_in_dim3A_31 : f32 to vector<16xf32>
    %broadcast_in_dim3A_33 = arith.constant 0.000000e+00 : f32
    %broadcast_in_dim3A_34 = vector.broadcast %broadcast_in_dim3A_33 : f32 to vector<16xf32>
    %broadcast_in_dim3A_35 = arith.constant 0.000000e+00 : f32
    %broadcast_in_dim3A_36 = vector.broadcast %broadcast_in_dim3A_35 : f32 to vector<16xf32>
    %broadcast_in_dim3A_37 = arith.constant 0.000000e+00 : f32
    %broadcast_in_dim3A_38 = vector.broadcast %broadcast_in_dim3A_37 : f32 to vector<16xf32>
    %scan3A_39 = arith.constant 0 : i32
    %scan3A_40 = arith.constant 25 : i32
    %scan3A_41 = arith.addi %scan3A_39, %scan3A_40 : i32
    %scan3A_42 = arith.constant 1 : i32
    %scan3A_43:8 = scf.for %scan3A_138 = %scan3A_39 to %scan3A_41 step %scan3A_42 iter_args(%scan3A_139 = %broadcast_in_dim3A_24, %scan3A_140 = %broadcast_in_dim3A_26, %scan3A_141 = %broadcast_in_dim3A_28, %scan3A_142 = %broadcast_in_dim3A_30, %scan3A_143 = %broadcast_in_dim3A_32, %scan3A_144 = %broadcast_in_dim3A_34, %scan3A_145 = %broadcast_in_dim3A_36, %scan3A_146 = %broadcast_in_dim3A_38) -> (vector<16xf32>, vector<16xf32>, vector<16xf32>, vector<16xf32>, vector<16xf32>, vector<16xf32>, vector<16xf32>, vector<16xf32>)  : i32 {
      %mul3A_147 = arith.constant 8 : i32
      %mul3A_148 = arith.muli %scan3A_138, %mul3A_147 : i32
      %add3A_149 = arith.constant 0 : i32
      %add3A_150 = arith.addi %mul3A_148, %add3A_149 : i32
      %add3A_151 = arith.constant 0 : i32
      %add3A_152 = arith.addi %add3A_151, %add3A_150 : i32
      %get3A = arith.index_cast %add3A_152 : i32 to index
      %get3A_153 = arith.constant 0 : index
      %get3A_154 = tpu.vector_load %arg6[%get3A, %get3A_153] {strides = array<i32>} : memref<400x32xi32, #tpu.memory_space<vmem>>, vector<16xi32>,
      %shift_left3A = arith.constant 16 : i32
      %shift_left3A_155 = vector.broadcast %shift_left3A : i32 to vector<16xi32>
      %shift_left3A_156 = arith.shli %get3A_154, %shift_left3A_155 : vector<16xi32>
      %bitcast3A = vector.bitcast %shift_left3A_156 : vector<16xi32> to vector<16xf32>
      %and3A = arith.andi %get3A_154, %broadcast_in_dim3A_3 : vector<16xi32>
      %bitcast3A_157 = vector.bitcast %and3A : vector<16xi32> to vector<16xf32>
      %add3A_158 = arith.addf %scan3A_139, %bitcast3A : vector<16xf32>
      %add3A_159 = arith.addf %scan3A_141, %bitcast3A_157 : vector<16xf32>
      %add3A_160 = arith.constant 0 : i32
      %add3A_161 = arith.addi %add3A_160, %add3A_150 : i32
      %get3A_162 = arith.index_cast %add3A_161 : i32 to index
      %get3A_163 = arith.constant 16 : index
      %get3A_164 = tpu.vector_load %arg6[%get3A_162, %get3A_163] {strides = array<i32>} : memref<400x32xi32, #tpu.memory_space<vmem>>, vector<16xi32>,
      %shift_left3A_165 = arith.constant 16 : i32
      %shift_left3A_166 = vector.broadcast %shift_left3A_165 : i32 to vector<16xi32>
      %shift_left3A_167 = arith.shli %get3A_164, %shift_left3A_166 : vector<16xi32>
      %bitcast3A_168 = vector.bitcast %shift_left3A_167 : vector<16xi32> to vector<16xf32>
      %and3A_169 = arith.andi %get3A_164, %broadcast_in_dim3A_3 : vector<16xi32>
      %bitcast3A_170 = vector.bitcast %and3A_169 : vector<16xi32> to vector<16xf32>
      %add3A_171 = arith.addf %scan3A_140, %bitcast3A_168 : vector<16xf32>
      %add3A_172 = arith.addf %scan3A_142, %bitcast3A_170 : vector<16xf32>
      %add3A_173 = arith.constant 200 : i32
      %add3A_174 = arith.addi %add3A_173, %add3A_150 : i32
      %get3A_175 = arith.index_cast %add3A_174 : i32 to index
      %get3A_176 = arith.constant 0 : index
      %get3A_177 = tpu.vector_load %arg6[%get3A_175, %get3A_176] {strides = array<i32>} : memref<400x32xi32, #tpu.memory_space<vmem>>, vector<16xi32>,
      %shift_left3A_178 = arith.constant 16 : i32
      %shift_left3A_179 = vector.broadcast %shift_left3A_178 : i32 to vector<16xi32>
      %shift_left3A_180 = arith.shli %get3A_177, %shift_left3A_179 : vector<16xi32>
      %bitcast3A_181 = vector.bitcast %shift_left3A_180 : vector<16xi32> to vector<16xf32>
      %and3A_182 = arith.andi %get3A_177, %broadcast_in_dim3A_3 : vector<16xi32>
      %bitcast3A_183 = vector.bitcast %and3A_182 : vector<16xi32> to vector<16xf32>
      %add3A_184 = arith.addf %scan3A_143, %bitcast3A_181 : vector<16xf32>
      %add3A_185 = arith.addf %scan3A_145, %bitcast3A_183 : vector<16xf32>
      %add3A_186 = arith.constant 200 : i32
      %add3A_187 = arith.addi %add3A_186, %add3A_150 : i32
      %get3A_188 = arith.index_cast %add3A_187 : i32 to index
      %get3A_189 = arith.constant 16 : index
      %get3A_190 = tpu.vector_load %arg6[%get3A_188, %get3A_189] {strides = array<i32>} : memref<400x32xi32, #tpu.memory_space<vmem>>, vector<16xi32>,
      %shift_left3A_191 = arith.constant 16 : i32
      %shift_left3A_192 = vector.broadcast %shift_left3A_191 : i32 to vector<16xi32>
      %shift_left3A_193 = arith.shli %get3A_190, %shift_left3A_192 : vector<16xi32>
      %bitcast3A_194 = vector.bitcast %shift_left3A_193 : vector<16xi32> to vector<16xf32>
      %and3A_195 = arith.andi %get3A_190, %broadcast_in_dim3A_3 : vector<16xi32>
      %bitcast3A_196 = vector.bitcast %and3A_195 : vector<16xi32> to vector<16xf32>
      %add3A_197 = arith.addf %scan3A_144, %bitcast3A_194 : vector<16xf32>
      %add3A_198 = arith.addf %scan3A_146, %bitcast3A_196 : vector<16xf32>
      %mul3A_199 = arith.constant 8 : i32
      %mul3A_200 = arith.muli %scan3A_138, %mul3A_199 : i32
      %add3A_201 = arith.constant 1 : i32
      %add3A_202 = arith.addi %mul3A_200, %add3A_201 : i32
      %add3A_203 = arith.constant 0 : i32
      %add3A_204 = arith.addi %add3A_203, %add3A_202 : i32
      %get3A_205 = arith.index_cast %add3A_204 : i32 to index
      %get3A_206 = arith.constant 0 : index
      %get3A_207 = tpu.vector_load %arg6[%get3A_205, %get3A_206] {strides = array<i32>} : memref<400x32xi32, #tpu.memory_space<vmem>>, vector<16xi32>,
      %shift_left3A_208 = arith.constant 16 : i32
      %shift_left3A_209 = vector.broadcast %shift_left3A_208 : i32 to vector<16xi32>
      %shift_left3A_210 = arith.shli %get3A_207, %shift_left3A_209 : vector<16xi32>
      %bitcast3A_211 = vector.bitcast %shift_left3A_210 : vector<16xi32> to vector<16xf32>
      %and3A_212 = arith.andi %get3A_207, %broadcast_in_dim3A_3 : vector<16xi32>
      %bitcast3A_213 = vector.bitcast %and3A_212 : vector<16xi32> to vector<16xf32>
      %add3A_214 = arith.addf %add3A_158, %bitcast3A_211 : vector<16xf32>
      %add3A_215 = arith.addf %add3A_159, %bitcast3A_213 : vector<16xf32>
      %add3A_216 = arith.constant 0 : i32
      %add3A_217 = arith.addi %add3A_216, %add3A_202 : i32
      %get3A_218 = arith.index_cast %add3A_217 : i32 to index
      %get3A_219 = arith.constant 16 : index
      %get3A_220 = tpu.vector_load %arg6[%get3A_218, %get3A_219] {strides = array<i32>} : memref<400x32xi32, #tpu.memory_space<vmem>>, vector<16xi32>,
      %shift_left3A_221 = arith.constant 16 : i32
      %shift_left3A_222 = vector.broadcast %shift_left3A_221 : i32 to vector<16xi32>
      %shift_left3A_223 = arith.shli %get3A_220, %shift_left3A_222 : vector<16xi32>
      %bitcast3A_224 = vector.bitcast %shift_left3A_223 : vector<16xi32> to vector<16xf32>
      %and3A_225 = arith.andi %get3A_220, %broadcast_in_dim3A_3 : vector<16xi32>
      %bitcast3A_226 = vector.bitcast %and3A_225 : vector<16xi32> to vector<16xf32>
      %add3A_227 = arith.addf %add3A_171, %bitcast3A_224 : vector<16xf32>
      %add3A_228 = arith.addf %add3A_172, %bitcast3A_226 : vector<16xf32>
      %add3A_229 = arith.constant 200 : i32
      %add3A_230 = arith.addi %add3A_229, %add3A_202 : i32
      %get3A_231 = arith.index_cast %add3A_230 : i32 to index
      %get3A_232 = arith.constant 0 : index
      %get3A_233 = tpu.vector_load %arg6[%get3A_231, %get3A_232] {strides = array<i32>} : memref<400x32xi32, #tpu.memory_space<vmem>>, vector<16xi32>,
      %shift_left3A_234 = arith.constant 16 : i32
      %shift_left3A_235 = vector.broadcast %shift_left3A_234 : i32 to vector<16xi32>
      %shift_left3A_236 = arith.shli %get3A_233, %shift_left3A_235 : vector<16xi32>
      %bitcast3A_237 = vector.bitcast %shift_left3A_236 : vector<16xi32> to vector<16xf32>
      %and3A_238 = arith.andi %get3A_233, %broadcast_in_dim3A_3 : vector<16xi32>
      %bitcast3A_239 = vector.bitcast %and3A_238 : vector<16xi32> to vector<16xf32>
      %add3A_240 = arith.addf %add3A_184, %bitcast3A_237 : vector<16xf32>
      %add3A_241 = arith.addf %add3A_185, %bitcast3A_239 : vector<16xf32>
      %add3A_242 = arith.constant 200 : i32
      %add3A_243 = arith.addi %add3A_242, %add3A_202 : i32
      %get3A_244 = arith.index_cast %add3A_243 : i32 to index
      %get3A_245 = arith.constant 16 : index
      %get3A_246 = tpu.vector_load %arg6[%get3A_244, %get3A_245] {strides = array<i32>} : memref<400x32xi32, #tpu.memory_space<vmem>>, vector<16xi32>,
      %shift_left3A_247 = arith.constant 16 : i32
      %shift_left3A_248 = vector.broadcast %shift_left3A_247 : i32 to vector<16xi32>
      %shift_left3A_249 = arith.shli %get3A_246, %shift_left3A_248 : vector<16xi32>
      %bitcast3A_250 = vector.bitcast %shift_left3A_249 : vector<16xi32> to vector<16xf32>
      %and3A_251 = arith.andi %get3A_246, %broadcast_in_dim3A_3 : vector<16xi32>
      %bitcast3A_252 = vector.bitcast %and3A_251 : vector<16xi32> to vector<16xf32>
      %add3A_253 = arith.addf %add3A_197, %bitcast3A_250 : vector<16xf32>
      %add3A_254 = arith.addf %add3A_198, %bitcast3A_252 : vector<16xf32>
      %mul3A_255 = arith.constant 8 : i32
      %mul3A_256 = arith.muli %scan3A_138, %mul3A_255 : i32
      %add3A_257 = arith.constant 2 : i32
      %add3A_258 = arith.addi %mul3A_256, %add3A_257 : i32
      %add3A_259 = arith.constant 0 : i32
      %add3A_260 = arith.addi %add3A_259, %add3A_258 : i32
      %get3A_261 = arith.index_cast %add3A_260 : i32 to index
      %get3A_262 = arith.constant 0 : index
      %get3A_263 = tpu.vector_load %arg6[%get3A_261, %get3A_262] {strides = array<i32>} : memref<400x32xi32, #tpu.memory_space<vmem>>, vector<16xi32>,
      %shift_left3A_264 = arith.constant 16 : i32
      %shift_left3A_265 = vector.broadcast %shift_left3A_264 : i32 to vector<16xi32>
      %shift_left3A_266 = arith.shli %get3A_263, %shift_left3A_265 : vector<16xi32>
      %bitcast3A_267 = vector.bitcast %shift_left3A_266 : vector<16xi32> to vector<16xf32>
      %and3A_268 = arith.andi %get3A_263, %broadcast_in_dim3A_3 : vector<16xi32>
      %bitcast3A_269 = vector.bitcast %and3A_268 : vector<16xi32> to vector<16xf32>
      %add3A_270 = arith.addf %add3A_214, %bitcast3A_267 : vector<16xf32>
      %add3A_271 = arith.addf %add3A_215, %bitcast3A_269 : vector<16xf32>
      %add3A_272 = arith.constant 0 : i32
      %add3A_273 = arith.addi %add3A_272, %add3A_258 : i32
      %get3A_274 = arith.index_cast %add3A_273 : i32 to index
      %get3A_275 = arith.constant 16 : index
      %get3A_276 = tpu.vector_load %arg6[%get3A_274, %get3A_275] {strides = array<i32>} : memref<400x32xi32, #tpu.memory_space<vmem>>, vector<16xi32>,
      %shift_left3A_277 = arith.constant 16 : i32
      %shift_left3A_278 = vector.broadcast %shift_left3A_277 : i32 to vector<16xi32>
      %shift_left3A_279 = arith.shli %get3A_276, %shift_left3A_278 : vector<16xi32>
      %bitcast3A_280 = vector.bitcast %shift_left3A_279 : vector<16xi32> to vector<16xf32>
      %and3A_281 = arith.andi %get3A_276, %broadcast_in_dim3A_3 : vector<16xi32>
      %bitcast3A_282 = vector.bitcast %and3A_281 : vector<16xi32> to vector<16xf32>
      %add3A_283 = arith.addf %add3A_227, %bitcast3A_280 : vector<16xf32>
      %add3A_284 = arith.addf %add3A_228, %bitcast3A_282 : vector<16xf32>
      %add3A_285 = arith.constant 200 : i32
      %add3A_286 = arith.addi %add3A_285, %add3A_258 : i32
      %get3A_287 = arith.index_cast %add3A_286 : i32 to index
      %get3A_288 = arith.constant 0 : index
      %get3A_289 = tpu.vector_load %arg6[%get3A_287, %get3A_288] {strides = array<i32>} : memref<400x32xi32, #tpu.memory_space<vmem>>, vector<16xi32>,
      %shift_left3A_290 = arith.constant 16 : i32
      %shift_left3A_291 = vector.broadcast %shift_left3A_290 : i32 to vector<16xi32>
      %shift_left3A_292 = arith.shli %get3A_289, %shift_left3A_291 : vector<16xi32>
      %bitcast3A_293 = vector.bitcast %shift_left3A_292 : vector<16xi32> to vector<16xf32>
      %and3A_294 = arith.andi %get3A_289, %broadcast_in_dim3A_3 : vector<16xi32>
      %bitcast3A_295 = vector.bitcast %and3A_294 : vector<16xi32> to vector<16xf32>
      %add3A_296 = arith.addf %add3A_240, %bitcast3A_293 : vector<16xf32>
      %add3A_297 = arith.addf %add3A_241, %bitcast3A_295 : vector<16xf32>
      %add3A_298 = arith.constant 200 : i32
      %add3A_299 = arith.addi %add3A_298, %add3A_258 : i32
      %get3A_300 = arith.index_cast %add3A_299 : i32 to index
      %get3A_301 = arith.constant 16 : index
      %get3A_302 = tpu.vector_load %arg6[%get3A_300, %get3A_301] {strides = array<i32>} : memref<400x32xi32, #tpu.memory_space<vmem>>, vector<16xi32>,
      %shift_left3A_303 = arith.constant 16 : i32
      %shift_left3A_304 = vector.broadcast %shift_left3A_303 : i32 to vector<16xi32>
      %shift_left3A_305 = arith.shli %get3A_302, %shift_left3A_304 : vector<16xi32>
      %bitcast3A_306 = vector.bitcast %shift_left3A_305 : vector<16xi32> to vector<16xf32>
      %and3A_307 = arith.andi %get3A_302, %broadcast_in_dim3A_3 : vector<16xi32>
      %bitcast3A_308 = vector.bitcast %and3A_307 : vector<16xi32> to vector<16xf32>
      %add3A_309 = arith.addf %add3A_253, %bitcast3A_306 : vector<16xf32>
      %add3A_310 = arith.addf %add3A_254, %bitcast3A_308 : vector<16xf32>
      %mul3A_311 = arith.constant 8 : i32
      %mul3A_312 = arith.muli %scan3A_138, %mul3A_311 : i32
      %add3A_313 = arith.constant 3 : i32
      %add3A_314 = arith.addi %mul3A_312, %add3A_313 : i32
      %add3A_315 = arith.constant 0 : i32
      %add3A_316 = arith.addi %add3A_315, %add3A_314 : i32
      %get3A_317 = arith.index_cast %add3A_316 : i32 to index
      %get3A_318 = arith.constant 0 : index
      %get3A_319 = tpu.vector_load %arg6[%get3A_317, %get3A_318] {strides = array<i32>} : memref<400x32xi32, #tpu.memory_space<vmem>>, vector<16xi32>,
      %shift_left3A_320 = arith.constant 16 : i32
      %shift_left3A_321 = vector.broadcast %shift_left3A_320 : i32 to vector<16xi32>
      %shift_left3A_322 = arith.shli %get3A_319, %shift_left3A_321 : vector<16xi32>
      %bitcast3A_323 = vector.bitcast %shift_left3A_322 : vector<16xi32> to vector<16xf32>
      %and3A_324 = arith.andi %get3A_319, %broadcast_in_dim3A_3 : vector<16xi32>
      %bitcast3A_325 = vector.bitcast %and3A_324 : vector<16xi32> to vector<16xf32>
      %add3A_326 = arith.addf %add3A_270, %bitcast3A_323 : vector<16xf32>
      %add3A_327 = arith.addf %add3A_271, %bitcast3A_325 : vector<16xf32>
      %add3A_328 = arith.constant 0 : i32
      %add3A_329 = arith.addi %add3A_328, %add3A_314 : i32
      %get3A_330 = arith.index_cast %add3A_329 : i32 to index
      %get3A_331 = arith.constant 16 : index
      %get3A_332 = tpu.vector_load %arg6[%get3A_330, %get3A_331] {strides = array<i32>} : memref<400x32xi32, #tpu.memory_space<vmem>>, vector<16xi32>,
      %shift_left3A_333 = arith.constant 16 : i32
      %shift_left3A_334 = vector.broadcast %shift_left3A_333 : i32 to vector<16xi32>
      %shift_left3A_335 = arith.shli %get3A_332, %shift_left3A_334 : vector<16xi32>
      %bitcast3A_336 = vector.bitcast %shift_left3A_335 : vector<16xi32> to vector<16xf32>
      %and3A_337 = arith.andi %get3A_332, %broadcast_in_dim3A_3 : vector<16xi32>
      %bitcast3A_338 = vector.bitcast %and3A_337 : vector<16xi32> to vector<16xf32>
      %add3A_339 = arith.addf %add3A_283, %bitcast3A_336 : vector<16xf32>
      %add3A_340 = arith.addf %add3A_284, %bitcast3A_338 : vector<16xf32>
      %add3A_341 = arith.constant 200 : i32
      %add3A_342 = arith.addi %add3A_341, %add3A_314 : i32
      %get3A_343 = arith.index_cast %add3A_342 : i32 to index
      %get3A_344 = arith.constant 0 : index
      %get3A_345 = tpu.vector_load %arg6[%get3A_343, %get3A_344] {strides = array<i32>} : memref<400x32xi32, #tpu.memory_space<vmem>>, vector<16xi32>,
      %shift_left3A_346 = arith.constant 16 : i32
      %shift_left3A_347 = vector.broadcast %shift_left3A_346 : i32 to vector<16xi32>
      %shift_left3A_348 = arith.shli %get3A_345, %shift_left3A_347 : vector<16xi32>
      %bitcast3A_349 = vector.bitcast %shift_left3A_348 : vector<16xi32> to vector<16xf32>
      %and3A_350 = arith.andi %get3A_345, %broadcast_in_dim3A_3 : vector<16xi32>
      %bitcast3A_351 = vector.bitcast %and3A_350 : vector<16xi32> to vector<16xf32>
      %add3A_352 = arith.addf %add3A_296, %bitcast3A_349 : vector<16xf32>
      %add3A_353 = arith.addf %add3A_297, %bitcast3A_351 : vector<16xf32>
      %add3A_354 = arith.constant 200 : i32
      %add3A_355 = arith.addi %add3A_354, %add3A_314 : i32
      %get3A_356 = arith.index_cast %add3A_355 : i32 to index
      %get3A_357 = arith.constant 16 : index
      %get3A_358 = tpu.vector_load %arg6[%get3A_356, %get3A_357] {strides = array<i32>} : memref<400x32xi32, #tpu.memory_space<vmem>>, vector<16xi32>,
      %shift_left3A_359 = arith.constant 16 : i32
      %shift_left3A_360 = vector.broadcast %shift_left3A_359 : i32 to vector<16xi32>
      %shift_left3A_361 = arith.shli %get3A_358, %shift_left3A_360 : vector<16xi32>
      %bitcast3A_362 = vector.bitcast %shift_left3A_361 : vector<16xi32> to vector<16xf32>
      %and3A_363 = arith.andi %get3A_358, %broadcast_in_dim3A_3 : vector<16xi32>
      %bitcast3A_364 = vector.bitcast %and3A_363 : vector<16xi32> to vector<16xf32>
      %add3A_365 = arith.addf %add3A_309, %bitcast3A_362 : vector<16xf32>
      %add3A_366 = arith.addf %add3A_310, %bitcast3A_364 : vector<16xf32>
      %mul3A_367 = arith.constant 8 : i32
      %mul3A_368 = arith.muli %scan3A_138, %mul3A_367 : i32
      %add3A_369 = arith.constant 4 : i32
      %add3A_370 = arith.addi %mul3A_368, %add3A_369 : i32
      %add3A_371 = arith.constant 0 : i32
      %add3A_372 = arith.addi %add3A_371, %add3A_370 : i32
      %get3A_373 = arith.index_cast %add3A_372 : i32 to index
      %get3A_374 = arith.constant 0 : index
      %get3A_375 = tpu.vector_load %arg6[%get3A_373, %get3A_374] {strides = array<i32>} : memref<400x32xi32, #tpu.memory_space<vmem>>, vector<16xi32>,
      %shift_left3A_376 = arith.constant 16 : i32
      %shift_left3A_377 = vector.broadcast %shift_left3A_376 : i32 to vector<16xi32>
      %shift_left3A_378 = arith.shli %get3A_375, %shift_left3A_377 : vector<16xi32>
      %bitcast3A_379 = vector.bitcast %shift_left3A_378 : vector<16xi32> to vector<16xf32>
      %and3A_380 = arith.andi %get3A_375, %broadcast_in_dim3A_3 : vector<16xi32>
      %bitcast3A_381 = vector.bitcast %and3A_380 : vector<16xi32> to vector<16xf32>
      %add3A_382 = arith.addf %add3A_326, %bitcast3A_379 : vector<16xf32>
      %add3A_383 = arith.addf %add3A_327, %bitcast3A_381 : vector<16xf32>
      %add3A_384 = arith.constant 0 : i32
      %add3A_385 = arith.addi %add3A_384, %add3A_370 : i32
      %get3A_386 = arith.index_cast %add3A_385 : i32 to index
      %get3A_387 = arith.constant 16 : index
      %get3A_388 = tpu.vector_load %arg6[%get3A_386, %get3A_387] {strides = array<i32>} : memref<400x32xi32, #tpu.memory_space<vmem>>, vector<16xi32>,
      %shift_left3A_389 = arith.constant 16 : i32
      %shift_left3A_390 = vector.broadcast %shift_left3A_389 : i32 to vector<16xi32>
      %shift_left3A_391 = arith.shli %get3A_388, %shift_left3A_390 : vector<16xi32>
      %bitcast3A_392 = vector.bitcast %shift_left3A_391 : vector<16xi32> to vector<16xf32>
      %and3A_393 = arith.andi %get3A_388, %broadcast_in_dim3A_3 : vector<16xi32>
      %bitcast3A_394 = vector.bitcast %and3A_393 : vector<16xi32> to vector<16xf32>
      %add3A_395 = arith.addf %add3A_339, %bitcast3A_392 : vector<16xf32>
      %add3A_396 = arith.addf %add3A_340, %bitcast3A_394 : vector<16xf32>
      %add3A_397 = arith.constant 200 : i32
      %add3A_398 = arith.addi %add3A_397, %add3A_370 : i32
      %get3A_399 = arith.index_cast %add3A_398 : i32 to index
      %get3A_400 = arith.constant 0 : index
      %get3A_401 = tpu.vector_load %arg6[%get3A_399, %get3A_400] {strides = array<i32>} : memref<400x32xi32, #tpu.memory_space<vmem>>, vector<16xi32>,
      %shift_left3A_402 = arith.constant 16 : i32
      %shift_left3A_403 = vector.broadcast %shift_left3A_402 : i32 to vector<16xi32>
      %shift_left3A_404 = arith.shli %get3A_401, %shift_left3A_403 : vector<16xi32>
      %bitcast3A_405 = vector.bitcast %shift_left3A_404 : vector<16xi32> to vector<16xf32>
      %and3A_406 = arith.andi %get3A_401, %broadcast_in_dim3A_3 : vector<16xi32>
      %bitcast3A_407 = vector.bitcast %and3A_406 : vector<16xi32> to vector<16xf32>
      %add3A_408 = arith.addf %add3A_352, %bitcast3A_405 : vector<16xf32>
      %add3A_409 = arith.addf %add3A_353, %bitcast3A_407 : vector<16xf32>
      %add3A_410 = arith.constant 200 : i32
      %add3A_411 = arith.addi %add3A_410, %add3A_370 : i32
      %get3A_412 = arith.index_cast %add3A_411 : i32 to index
      %get3A_413 = arith.constant 16 : index
      %get3A_414 = tpu.vector_load %arg6[%get3A_412, %get3A_413] {strides = array<i32>} : memref<400x32xi32, #tpu.memory_space<vmem>>, vector<16xi32>,
      %shift_left3A_415 = arith.constant 16 : i32
      %shift_left3A_416 = vector.broadcast %shift_left3A_415 : i32 to vector<16xi32>
      %shift_left3A_417 = arith.shli %get3A_414, %shift_left3A_416 : vector<16xi32>
      %bitcast3A_418 = vector.bitcast %shift_left3A_417 : vector<16xi32> to vector<16xf32>
      %and3A_419 = arith.andi %get3A_414, %broadcast_in_dim3A_3 : vector<16xi32>
      %bitcast3A_420 = vector.bitcast %and3A_419 : vector<16xi32> to vector<16xf32>
      %add3A_421 = arith.addf %add3A_365, %bitcast3A_418 : vector<16xf32>
      %add3A_422 = arith.addf %add3A_366, %bitcast3A_420 : vector<16xf32>
      %mul3A_423 = arith.constant 8 : i32
      %mul3A_424 = arith.muli %scan3A_138, %mul3A_423 : i32
      %add3A_425 = arith.constant 5 : i32
      %add3A_426 = arith.addi %mul3A_424, %add3A_425 : i32
      %add3A_427 = arith.constant 0 : i32
      %add3A_428 = arith.addi %add3A_427, %add3A_426 : i32
      %get3A_429 = arith.index_cast %add3A_428 : i32 to index
      %get3A_430 = arith.constant 0 : index
      %get3A_431 = tpu.vector_load %arg6[%get3A_429, %get3A_430] {strides = array<i32>} : memref<400x32xi32, #tpu.memory_space<vmem>>, vector<16xi32>,
      %shift_left3A_432 = arith.constant 16 : i32
      %shift_left3A_433 = vector.broadcast %shift_left3A_432 : i32 to vector<16xi32>
      %shift_left3A_434 = arith.shli %get3A_431, %shift_left3A_433 : vector<16xi32>
      %bitcast3A_435 = vector.bitcast %shift_left3A_434 : vector<16xi32> to vector<16xf32>
      %and3A_436 = arith.andi %get3A_431, %broadcast_in_dim3A_3 : vector<16xi32>
      %bitcast3A_437 = vector.bitcast %and3A_436 : vector<16xi32> to vector<16xf32>
      %add3A_438 = arith.addf %add3A_382, %bitcast3A_435 : vector<16xf32>
      %add3A_439 = arith.addf %add3A_383, %bitcast3A_437 : vector<16xf32>
      %add3A_440 = arith.constant 0 : i32
      %add3A_441 = arith.addi %add3A_440, %add3A_426 : i32
      %get3A_442 = arith.index_cast %add3A_441 : i32 to index
      %get3A_443 = arith.constant 16 : index
      %get3A_444 = tpu.vector_load %arg6[%get3A_442, %get3A_443] {strides = array<i32>} : memref<400x32xi32, #tpu.memory_space<vmem>>, vector<16xi32>,
      %shift_left3A_445 = arith.constant 16 : i32
      %shift_left3A_446 = vector.broadcast %shift_left3A_445 : i32 to vector<16xi32>
      %shift_left3A_447 = arith.shli %get3A_444, %shift_left3A_446 : vector<16xi32>
      %bitcast3A_448 = vector.bitcast %shift_left3A_447 : vector<16xi32> to vector<16xf32>
      %and3A_449 = arith.andi %get3A_444, %broadcast_in_dim3A_3 : vector<16xi32>
      %bitcast3A_450 = vector.bitcast %and3A_449 : vector<16xi32> to vector<16xf32>
      %add3A_451 = arith.addf %add3A_395, %bitcast3A_448 : vector<16xf32>
      %add3A_452 = arith.addf %add3A_396, %bitcast3A_450 : vector<16xf32>
      %add3A_453 = arith.constant 200 : i32
      %add3A_454 = arith.addi %add3A_453, %add3A_426 : i32
      %get3A_455 = arith.index_cast %add3A_454 : i32 to index
      %get3A_456 = arith.constant 0 : index
      %get3A_457 = tpu.vector_load %arg6[%get3A_455, %get3A_456] {strides = array<i32>} : memref<400x32xi32, #tpu.memory_space<vmem>>, vector<16xi32>,
      %shift_left3A_458 = arith.constant 16 : i32
      %shift_left3A_459 = vector.broadcast %shift_left3A_458 : i32 to vector<16xi32>
      %shift_left3A_460 = arith.shli %get3A_457, %shift_left3A_459 : vector<16xi32>
      %bitcast3A_461 = vector.bitcast %shift_left3A_460 : vector<16xi32> to vector<16xf32>
      %and3A_462 = arith.andi %get3A_457, %broadcast_in_dim3A_3 : vector<16xi32>
      %bitcast3A_463 = vector.bitcast %and3A_462 : vector<16xi32> to vector<16xf32>
      %add3A_464 = arith.addf %add3A_408, %bitcast3A_461 : vector<16xf32>
      %add3A_465 = arith.addf %add3A_409, %bitcast3A_463 : vector<16xf32>
      %add3A_466 = arith.constant 200 : i32
      %add3A_467 = arith.addi %add3A_466, %add3A_426 : i32
      %get3A_468 = arith.index_cast %add3A_467 : i32 to index
      %get3A_469 = arith.constant 16 : index
      %get3A_470 = tpu.vector_load %arg6[%get3A_468, %get3A_469] {strides = array<i32>} : memref<400x32xi32, #tpu.memory_space<vmem>>, vector<16xi32>,
      %shift_left3A_471 = arith.constant 16 : i32
      %shift_left3A_472 = vector.broadcast %shift_left3A_471 : i32 to vector<16xi32>
      %shift_left3A_473 = arith.shli %get3A_470, %shift_left3A_472 : vector<16xi32>
      %bitcast3A_474 = vector.bitcast %shift_left3A_473 : vector<16xi32> to vector<16xf32>
      %and3A_475 = arith.andi %get3A_470, %broadcast_in_dim3A_3 : vector<16xi32>
      %bitcast3A_476 = vector.bitcast %and3A_475 : vector<16xi32> to vector<16xf32>
      %add3A_477 = arith.addf %add3A_421, %bitcast3A_474 : vector<16xf32>
      %add3A_478 = arith.addf %add3A_422, %bitcast3A_476 : vector<16xf32>
      %mul3A_479 = arith.constant 8 : i32
      %mul3A_480 = arith.muli %scan3A_138, %mul3A_479 : i32
      %add3A_481 = arith.constant 6 : i32
      %add3A_482 = arith.addi %mul3A_480, %add3A_481 : i32
      %add3A_483 = arith.constant 0 : i32
      %add3A_484 = arith.addi %add3A_483, %add3A_482 : i32
      %get3A_485 = arith.index_cast %add3A_484 : i32 to index
      %get3A_486 = arith.constant 0 : index
      %get3A_487 = tpu.vector_load %arg6[%get3A_485, %get3A_486] {strides = array<i32>} : memref<400x32xi32, #tpu.memory_space<vmem>>, vector<16xi32>,
      %shift_left3A_488 = arith.constant 16 : i32
      %shift_left3A_489 = vector.broadcast %shift_left3A_488 : i32 to vector<16xi32>
      %shift_left3A_490 = arith.shli %get3A_487, %shift_left3A_489 : vector<16xi32>
      %bitcast3A_491 = vector.bitcast %shift_left3A_490 : vector<16xi32> to vector<16xf32>
      %and3A_492 = arith.andi %get3A_487, %broadcast_in_dim3A_3 : vector<16xi32>
      %bitcast3A_493 = vector.bitcast %and3A_492 : vector<16xi32> to vector<16xf32>
      %add3A_494 = arith.addf %add3A_438, %bitcast3A_491 : vector<16xf32>
      %add3A_495 = arith.addf %add3A_439, %bitcast3A_493 : vector<16xf32>
      %add3A_496 = arith.constant 0 : i32
      %add3A_497 = arith.addi %add3A_496, %add3A_482 : i32
      %get3A_498 = arith.index_cast %add3A_497 : i32 to index
      %get3A_499 = arith.constant 16 : index
      %get3A_500 = tpu.vector_load %arg6[%get3A_498, %get3A_499] {strides = array<i32>} : memref<400x32xi32, #tpu.memory_space<vmem>>, vector<16xi32>,
      %shift_left3A_501 = arith.constant 16 : i32
      %shift_left3A_502 = vector.broadcast %shift_left3A_501 : i32 to vector<16xi32>
      %shift_left3A_503 = arith.shli %get3A_500, %shift_left3A_502 : vector<16xi32>
      %bitcast3A_504 = vector.bitcast %shift_left3A_503 : vector<16xi32> to vector<16xf32>
      %and3A_505 = arith.andi %get3A_500, %broadcast_in_dim3A_3 : vector<16xi32>
      %bitcast3A_506 = vector.bitcast %and3A_505 : vector<16xi32> to vector<16xf32>
      %add3A_507 = arith.addf %add3A_451, %bitcast3A_504 : vector<16xf32>
      %add3A_508 = arith.addf %add3A_452, %bitcast3A_506 : vector<16xf32>
      %add3A_509 = arith.constant 200 : i32
      %add3A_510 = arith.addi %add3A_509, %add3A_482 : i32
      %get3A_511 = arith.index_cast %add3A_510 : i32 to index
      %get3A_512 = arith.constant 0 : index
      %get3A_513 = tpu.vector_load %arg6[%get3A_511, %get3A_512] {strides = array<i32>} : memref<400x32xi32, #tpu.memory_space<vmem>>, vector<16xi32>,
      %shift_left3A_514 = arith.constant 16 : i32
      %shift_left3A_515 = vector.broadcast %shift_left3A_514 : i32 to vector<16xi32>
      %shift_left3A_516 = arith.shli %get3A_513, %shift_left3A_515 : vector<16xi32>
      %bitcast3A_517 = vector.bitcast %shift_left3A_516 : vector<16xi32> to vector<16xf32>
      %and3A_518 = arith.andi %get3A_513, %broadcast_in_dim3A_3 : vector<16xi32>
      %bitcast3A_519 = vector.bitcast %and3A_518 : vector<16xi32> to vector<16xf32>
      %add3A_520 = arith.addf %add3A_464, %bitcast3A_517 : vector<16xf32>
      %add3A_521 = arith.addf %add3A_465, %bitcast3A_519 : vector<16xf32>
      %add3A_522 = arith.constant 200 : i32
      %add3A_523 = arith.addi %add3A_522, %add3A_482 : i32
      %get3A_524 = arith.index_cast %add3A_523 : i32 to index
      %get3A_525 = arith.constant 16 : index
      %get3A_526 = tpu.vector_load %arg6[%get3A_524, %get3A_525] {strides = array<i32>} : memref<400x32xi32, #tpu.memory_space<vmem>>, vector<16xi32>,
      %shift_left3A_527 = arith.constant 16 : i32
      %shift_left3A_528 = vector.broadcast %shift_left3A_527 : i32 to vector<16xi32>
      %shift_left3A_529 = arith.shli %get3A_526, %shift_left3A_528 : vector<16xi32>
      %bitcast3A_530 = vector.bitcast %shift_left3A_529 : vector<16xi32> to vector<16xf32>
      %and3A_531 = arith.andi %get3A_526, %broadcast_in_dim3A_3 : vector<16xi32>
      %bitcast3A_532 = vector.bitcast %and3A_531 : vector<16xi32> to vector<16xf32>
      %add3A_533 = arith.addf %add3A_477, %bitcast3A_530 : vector<16xf32>
      %add3A_534 = arith.addf %add3A_478, %bitcast3A_532 : vector<16xf32>
      %mul3A_535 = arith.constant 8 : i32
      %mul3A_536 = arith.muli %scan3A_138, %mul3A_535 : i32
      %add3A_537 = arith.constant 7 : i32
      %add3A_538 = arith.addi %mul3A_536, %add3A_537 : i32
      %add3A_539 = arith.constant 0 : i32
      %add3A_540 = arith.addi %add3A_539, %add3A_538 : i32
      %get3A_541 = arith.index_cast %add3A_540 : i32 to index
      %get3A_542 = arith.constant 0 : index
      %get3A_543 = tpu.vector_load %arg6[%get3A_541, %get3A_542] {strides = array<i32>} : memref<400x32xi32, #tpu.memory_space<vmem>>, vector<16xi32>,
      %shift_left3A_544 = arith.constant 16 : i32
      %shift_left3A_545 = vector.broadcast %shift_left3A_544 : i32 to vector<16xi32>
      %shift_left3A_546 = arith.shli %get3A_543, %shift_left3A_545 : vector<16xi32>
      %bitcast3A_547 = vector.bitcast %shift_left3A_546 : vector<16xi32> to vector<16xf32>
      %and3A_548 = arith.andi %get3A_543, %broadcast_in_dim3A_3 : vector<16xi32>
      %bitcast3A_549 = vector.bitcast %and3A_548 : vector<16xi32> to vector<16xf32>
      %add3A_550 = arith.addf %add3A_494, %bitcast3A_547 : vector<16xf32>
      %add3A_551 = arith.addf %add3A_495, %bitcast3A_549 : vector<16xf32>
      %add3A_552 = arith.constant 0 : i32
      %add3A_553 = arith.addi %add3A_552, %add3A_538 : i32
      %get3A_554 = arith.index_cast %add3A_553 : i32 to index
      %get3A_555 = arith.constant 16 : index
      %get3A_556 = tpu.vector_load %arg6[%get3A_554, %get3A_555] {strides = array<i32>} : memref<400x32xi32, #tpu.memory_space<vmem>>, vector<16xi32>,
      %shift_left3A_557 = arith.constant 16 : i32
      %shift_left3A_558 = vector.broadcast %shift_left3A_557 : i32 to vector<16xi32>
      %shift_left3A_559 = arith.shli %get3A_556, %shift_left3A_558 : vector<16xi32>
      %bitcast3A_560 = vector.bitcast %shift_left3A_559 : vector<16xi32> to vector<16xf32>
      %and3A_561 = arith.andi %get3A_556, %broadcast_in_dim3A_3 : vector<16xi32>
      %bitcast3A_562 = vector.bitcast %and3A_561 : vector<16xi32> to vector<16xf32>
      %add3A_563 = arith.addf %add3A_507, %bitcast3A_560 : vector<16xf32>
      %add3A_564 = arith.addf %add3A_508, %bitcast3A_562 : vector<16xf32>
      %add3A_565 = arith.constant 200 : i32
      %add3A_566 = arith.addi %add3A_565, %add3A_538 : i32
      %get3A_567 = arith.index_cast %add3A_566 : i32 to index
      %get3A_568 = arith.constant 0 : index
      %get3A_569 = tpu.vector_load %arg6[%get3A_567, %get3A_568] {strides = array<i32>} : memref<400x32xi32, #tpu.memory_space<vmem>>, vector<16xi32>,
      %shift_left3A_570 = arith.constant 16 : i32
      %shift_left3A_571 = vector.broadcast %shift_left3A_570 : i32 to vector<16xi32>
      %shift_left3A_572 = arith.shli %get3A_569, %shift_left3A_571 : vector<16xi32>
      %bitcast3A_573 = vector.bitcast %shift_left3A_572 : vector<16xi32> to vector<16xf32>
      %and3A_574 = arith.andi %get3A_569, %broadcast_in_dim3A_3 : vector<16xi32>
      %bitcast3A_575 = vector.bitcast %and3A_574 : vector<16xi32> to vector<16xf32>
      %add3A_576 = arith.addf %add3A_520, %bitcast3A_573 : vector<16xf32>
      %add3A_577 = arith.addf %add3A_521, %bitcast3A_575 : vector<16xf32>
      %add3A_578 = arith.constant 200 : i32
      %add3A_579 = arith.addi %add3A_578, %add3A_538 : i32
      %get3A_580 = arith.index_cast %add3A_579 : i32 to index
      %get3A_581 = arith.constant 16 : index
      %get3A_582 = tpu.vector_load %arg6[%get3A_580, %get3A_581] {strides = array<i32>} : memref<400x32xi32, #tpu.memory_space<vmem>>, vector<16xi32>,
      %shift_left3A_583 = arith.constant 16 : i32
      %shift_left3A_584 = vector.broadcast %shift_left3A_583 : i32 to vector<16xi32>
      %shift_left3A_585 = arith.shli %get3A_582, %shift_left3A_584 : vector<16xi32>
      %bitcast3A_586 = vector.bitcast %shift_left3A_585 : vector<16xi32> to vector<16xf32>
      %and3A_587 = arith.andi %get3A_582, %broadcast_in_dim3A_3 : vector<16xi32>
      %bitcast3A_588 = vector.bitcast %and3A_587 : vector<16xi32> to vector<16xf32>
      %add3A_589 = arith.addf %add3A_533, %bitcast3A_586 : vector<16xf32>
      %add3A_590 = arith.addf %add3A_534, %bitcast3A_588 : vector<16xf32>
      scf.yield %add3A_550, %add3A_563, %add3A_551, %add3A_564, %add3A_576, %add3A_589, %add3A_577, %add3A_590 : vector<16xf32>, vector<16xf32>, vector<16xf32>, vector<16xf32>, vector<16xf32>, vector<16xf32>, vector<16xf32>, vector<16xf32>
    }
    %scan3A_44 = arith.constant 25 : i32
    %swap3A = arith.constant 124 : i32
    %swap3A_45 = arith.index_cast %swap3A : i32 to index
    %swap3A_46 = arith.constant 0 : index
    %swap3A_47 = tpu.vector_load %arg8[%swap3A_45, %swap3A_46] {strides = array<i32>} : memref<128x64xf32, #tpu.memory_space<vmem>>, vector<16xf32>,
    tpu.vector_store %arg8[%swap3A_45, %swap3A_46], %scan3A_43#0 {strides = array<i32>} : memref<128x64xf32, #tpu.memory_space<vmem>>, vector<16xf32>,
    %swap3A_48 = arith.constant 124 : i32
    %swap3A_49 = arith.index_cast %swap3A_48 : i32 to index
    %swap3A_50 = arith.constant 32 : index
    %swap3A_51 = tpu.vector_load %arg8[%swap3A_49, %swap3A_50] {strides = array<i32>} : memref<128x64xf32, #tpu.memory_space<vmem>>, vector<16xf32>,
    tpu.vector_store %arg8[%swap3A_49, %swap3A_50], %scan3A_43#2 {strides = array<i32>} : memref<128x64xf32, #tpu.memory_space<vmem>>, vector<16xf32>,
    %swap3A_52 = arith.constant 124 : i32
    %swap3A_53 = arith.index_cast %swap3A_52 : i32 to index
    %swap3A_54 = arith.constant 16 : index
    %swap3A_55 = tpu.vector_load %arg8[%swap3A_53, %swap3A_54] {strides = array<i32>} : memref<128x64xf32, #tpu.memory_space<vmem>>, vector<16xf32>,
    tpu.vector_store %arg8[%swap3A_53, %swap3A_54], %scan3A_43#1 {strides = array<i32>} : memref<128x64xf32, #tpu.memory_space<vmem>>, vector<16xf32>,
    %swap3A_56 = arith.constant 124 : i32
    %swap3A_57 = arith.index_cast %swap3A_56 : i32 to index
    %swap3A_58 = arith.constant 48 : index
    %swap3A_59 = tpu.vector_load %arg8[%swap3A_57, %swap3A_58] {strides = array<i32>} : memref<128x64xf32, #tpu.memory_space<vmem>>, vector<16xf32>,
    tpu.vector_store %arg8[%swap3A_57, %swap3A_58], %scan3A_43#3 {strides = array<i32>} : memref<128x64xf32, #tpu.memory_space<vmem>>, vector<16xf32>,
    %swap3A_60 = arith.constant 125 : i32
    %swap3A_61 = arith.index_cast %swap3A_60 : i32 to index
    %swap3A_62 = arith.constant 0 : index
    %swap3A_63 = tpu.vector_load %arg8[%swap3A_61, %swap3A_62] {strides = array<i32>} : memref<128x64xf32, #tpu.memory_space<vmem>>, vector<16xf32>,
    tpu.vector_store %arg8[%swap3A_61, %swap3A_62], %scan3A_43#4 {strides = array<i32>} : memref<128x64xf32, #tpu.memory_space<vmem>>, vector<16xf32>,
    %swap3A_64 = arith.constant 125 : i32
    %swap3A_65 = arith.index_cast %swap3A_64 : i32 to index
    %swap3A_66 = arith.constant 32 : index
    %swap3A_67 = tpu.vector_load %arg8[%swap3A_65, %swap3A_66] {strides = array<i32>} : memref<128x64xf32, #tpu.memory_space<vmem>>, vector<16xf32>,
    tpu.vector_store %arg8[%swap3A_65, %swap3A_66], %scan3A_43#6 {strides = array<i32>} : memref<128x64xf32, #tpu.memory_space<vmem>>, vector<16xf32>,
    %swap3A_68 = arith.constant 125 : i32
    %swap3A_69 = arith.index_cast %swap3A_68 : i32 to index
    %swap3A_70 = arith.constant 16 : index
    %swap3A_71 = tpu.vector_load %arg8[%swap3A_69, %swap3A_70] {strides = array<i32>} : memref<128x64xf32, #tpu.memory_space<vmem>>, vector<16xf32>,
    tpu.vector_store %arg8[%swap3A_69, %swap3A_70], %scan3A_43#5 {strides = array<i32>} : memref<128x64xf32, #tpu.memory_space<vmem>>, vector<16xf32>,
    %swap3A_72 = arith.constant 125 : i32
    %swap3A_73 = arith.index_cast %swap3A_72 : i32 to index
    %swap3A_74 = arith.constant 48 : index
    %swap3A_75 = tpu.vector_load %arg8[%swap3A_73, %swap3A_74] {strides = array<i32>} : memref<128x64xf32, #tpu.memory_space<vmem>>, vector<16xf32>,
    tpu.vector_store %arg8[%swap3A_73, %swap3A_74], %scan3A_43#7 {strides = array<i32>} : memref<128x64xf32, #tpu.memory_space<vmem>>, vector<16xf32>,
    %dma_wait3A_76 = arith.constant 0 : i32
    %dma_wait3A_77 = arith.constant 0 : i32
    %dma_wait3A_78 = tpu.memref_slice %arg3[%dma_wait3A_76, %dma_wait3A_77] : memref<1015808x32xi32, #tpu.memory_space<hbm>> -> memref<400x32xi32, #tpu.memory_space<hbm>>
    %dma_wait3A_79 = arith.constant 0 : i32
    %dma_wait3A_80 = arith.constant 0 : i32
    %dma_wait3A_81 = tpu.memref_slice %arg3[%dma_wait3A_79, %dma_wait3A_80] : memref<1015808x32xi32, #tpu.memory_space<hbm>> -> memref<400x32xi32, #tpu.memory_space<hbm>>
    tpu.wait_dma2 semaphore(%arg10 : memref<!tpu.dma_semaphore, #tpu.memory_space<semaphore_mem>>) src(%dma_wait3A_81 : memref<400x32xi32, #tpu.memory_space<hbm>>) dst(%arg7 : memref<400x32xi32, #tpu.memory_space<vmem>>)
    %broadcast_in_dim3A_82 = arith.constant 0.000000e+00 : f32
    %broadcast_in_dim3A_83 = vector.broadcast %broadcast_in_dim3A_82 : f32 to vector<16xf32>
    %broadcast_in_dim3A_84 = arith.constant 0.000000e+00 : f32
    %broadcast_in_dim3A_85 = vector.broadcast %broadcast_in_dim3A_84 : f32 to vector<16xf32>
    %broadcast_in_dim3A_86 = arith.constant 0.000000e+00 : f32
    %broadcast_in_dim3A_87 = vector.broadcast %broadcast_in_dim3A_86 : f32 to vector<16xf32>
    %broadcast_in_dim3A_88 = arith.constant 0.000000e+00 : f32
    %broadcast_in_dim3A_89 = vector.broadcast %broadcast_in_dim3A_88 : f32 to vector<16xf32>
    %broadcast_in_dim3A_90 = arith.constant 0.000000e+00 : f32
    %broadcast_in_dim3A_91 = vector.broadcast %broadcast_in_dim3A_90 : f32 to vector<16xf32>
    %broadcast_in_dim3A_92 = arith.constant 0.000000e+00 : f32
    %broadcast_in_dim3A_93 = vector.broadcast %broadcast_in_dim3A_92 : f32 to vector<16xf32>
    %broadcast_in_dim3A_94 = arith.constant 0.000000e+00 : f32
    %broadcast_in_dim3A_95 = vector.broadcast %broadcast_in_dim3A_94 : f32 to vector<16xf32>
    %broadcast_in_dim3A_96 = arith.constant 0.000000e+00 : f32
    %broadcast_in_dim3A_97 = vector.broadcast %broadcast_in_dim3A_96 : f32 to vector<16xf32>
    %scan3A_98 = arith.constant 0 : i32
    %scan3A_99 = arith.constant 25 : i32
    %scan3A_100 = arith.addi %scan3A_98, %scan3A_99 : i32
    %scan3A_101 = arith.constant 1 : i32
    %scan3A_102:8 = scf.for %scan3A_138 = %scan3A_98 to %scan3A_100 step %scan3A_101 iter_args(%scan3A_139 = %broadcast_in_dim3A_83, %scan3A_140 = %broadcast_in_dim3A_85, %scan3A_141 = %broadcast_in_dim3A_87, %scan3A_142 = %broadcast_in_dim3A_89, %scan3A_143 = %broadcast_in_dim3A_91, %scan3A_144 = %broadcast_in_dim3A_93, %scan3A_145 = %broadcast_in_dim3A_95, %scan3A_146 = %broadcast_in_dim3A_97) -> (vector<16xf32>, vector<16xf32>, vector<16xf32>, vector<16xf32>, vector<16xf32>, vector<16xf32>, vector<16xf32>, vector<16xf32>)  : i32 {
      %mul3A_147 = arith.constant 8 : i32
      %mul3A_148 = arith.muli %scan3A_138, %mul3A_147 : i32
      %add3A_149 = arith.constant 0 : i32
      %add3A_150 = arith.addi %mul3A_148, %add3A_149 : i32
      %add3A_151 = arith.constant 0 : i32
      %add3A_152 = arith.addi %add3A_151, %add3A_150 : i32
      %get3A = arith.index_cast %add3A_152 : i32 to index
      %get3A_153 = arith.constant 0 : index
      %get3A_154 = tpu.vector_load %arg7[%get3A, %get3A_153] {strides = array<i32>} : memref<400x32xi32, #tpu.memory_space<vmem>>, vector<16xi32>,
      %shift_left3A = arith.constant 16 : i32
      %shift_left3A_155 = vector.broadcast %shift_left3A : i32 to vector<16xi32>
      %shift_left3A_156 = arith.shli %get3A_154, %shift_left3A_155 : vector<16xi32>
      %bitcast3A = vector.bitcast %shift_left3A_156 : vector<16xi32> to vector<16xf32>
      %and3A = arith.andi %get3A_154, %broadcast_in_dim3A_3 : vector<16xi32>
      %bitcast3A_157 = vector.bitcast %and3A : vector<16xi32> to vector<16xf32>
      %add3A_158 = arith.addf %scan3A_139, %bitcast3A : vector<16xf32>
      %add3A_159 = arith.addf %scan3A_141, %bitcast3A_157 : vector<16xf32>
      %add3A_160 = arith.constant 0 : i32
      %add3A_161 = arith.addi %add3A_160, %add3A_150 : i32
      %get3A_162 = arith.index_cast %add3A_161 : i32 to index
      %get3A_163 = arith.constant 16 : index
      %get3A_164 = tpu.vector_load %arg7[%get3A_162, %get3A_163] {strides = array<i32>} : memref<400x32xi32, #tpu.memory_space<vmem>>, vector<16xi32>,
      %shift_left3A_165 = arith.constant 16 : i32
      %shift_left3A_166 = vector.broadcast %shift_left3A_165 : i32 to vector<16xi32>
      %shift_left3A_167 = arith.shli %get3A_164, %shift_left3A_166 : vector<16xi32>
      %bitcast3A_168 = vector.bitcast %shift_left3A_167 : vector<16xi32> to vector<16xf32>
      %and3A_169 = arith.andi %get3A_164, %broadcast_in_dim3A_3 : vector<16xi32>
      %bitcast3A_170 = vector.bitcast %and3A_169 : vector<16xi32> to vector<16xf32>
      %add3A_171 = arith.addf %scan3A_140, %bitcast3A_168 : vector<16xf32>
      %add3A_172 = arith.addf %scan3A_142, %bitcast3A_170 : vector<16xf32>
      %add3A_173 = arith.constant 200 : i32
      %add3A_174 = arith.addi %add3A_173, %add3A_150 : i32
      %get3A_175 = arith.index_cast %add3A_174 : i32 to index
      %get3A_176 = arith.constant 0 : index
      %get3A_177 = tpu.vector_load %arg7[%get3A_175, %get3A_176] {strides = array<i32>} : memref<400x32xi32, #tpu.memory_space<vmem>>, vector<16xi32>,
      %shift_left3A_178 = arith.constant 16 : i32
      %shift_left3A_179 = vector.broadcast %shift_left3A_178 : i32 to vector<16xi32>
      %shift_left3A_180 = arith.shli %get3A_177, %shift_left3A_179 : vector<16xi32>
      %bitcast3A_181 = vector.bitcast %shift_left3A_180 : vector<16xi32> to vector<16xf32>
      %and3A_182 = arith.andi %get3A_177, %broadcast_in_dim3A_3 : vector<16xi32>
      %bitcast3A_183 = vector.bitcast %and3A_182 : vector<16xi32> to vector<16xf32>
      %add3A_184 = arith.addf %scan3A_143, %bitcast3A_181 : vector<16xf32>
      %add3A_185 = arith.addf %scan3A_145, %bitcast3A_183 : vector<16xf32>
      %add3A_186 = arith.constant 200 : i32
      %add3A_187 = arith.addi %add3A_186, %add3A_150 : i32
      %get3A_188 = arith.index_cast %add3A_187 : i32 to index
      %get3A_189 = arith.constant 16 : index
      %get3A_190 = tpu.vector_load %arg7[%get3A_188, %get3A_189] {strides = array<i32>} : memref<400x32xi32, #tpu.memory_space<vmem>>, vector<16xi32>,
      %shift_left3A_191 = arith.constant 16 : i32
      %shift_left3A_192 = vector.broadcast %shift_left3A_191 : i32 to vector<16xi32>
      %shift_left3A_193 = arith.shli %get3A_190, %shift_left3A_192 : vector<16xi32>
      %bitcast3A_194 = vector.bitcast %shift_left3A_193 : vector<16xi32> to vector<16xf32>
      %and3A_195 = arith.andi %get3A_190, %broadcast_in_dim3A_3 : vector<16xi32>
      %bitcast3A_196 = vector.bitcast %and3A_195 : vector<16xi32> to vector<16xf32>
      %add3A_197 = arith.addf %scan3A_144, %bitcast3A_194 : vector<16xf32>
      %add3A_198 = arith.addf %scan3A_146, %bitcast3A_196 : vector<16xf32>
      %mul3A_199 = arith.constant 8 : i32
      %mul3A_200 = arith.muli %scan3A_138, %mul3A_199 : i32
      %add3A_201 = arith.constant 1 : i32
      %add3A_202 = arith.addi %mul3A_200, %add3A_201 : i32
      %add3A_203 = arith.constant 0 : i32
      %add3A_204 = arith.addi %add3A_203, %add3A_202 : i32
      %get3A_205 = arith.index_cast %add3A_204 : i32 to index
      %get3A_206 = arith.constant 0 : index
      %get3A_207 = tpu.vector_load %arg7[%get3A_205, %get3A_206] {strides = array<i32>} : memref<400x32xi32, #tpu.memory_space<vmem>>, vector<16xi32>,
      %shift_left3A_208 = arith.constant 16 : i32
      %shift_left3A_209 = vector.broadcast %shift_left3A_208 : i32 to vector<16xi32>
      %shift_left3A_210 = arith.shli %get3A_207, %shift_left3A_209 : vector<16xi32>
      %bitcast3A_211 = vector.bitcast %shift_left3A_210 : vector<16xi32> to vector<16xf32>
      %and3A_212 = arith.andi %get3A_207, %broadcast_in_dim3A_3 : vector<16xi32>
      %bitcast3A_213 = vector.bitcast %and3A_212 : vector<16xi32> to vector<16xf32>
      %add3A_214 = arith.addf %add3A_158, %bitcast3A_211 : vector<16xf32>
      %add3A_215 = arith.addf %add3A_159, %bitcast3A_213 : vector<16xf32>
      %add3A_216 = arith.constant 0 : i32
      %add3A_217 = arith.addi %add3A_216, %add3A_202 : i32
      %get3A_218 = arith.index_cast %add3A_217 : i32 to index
      %get3A_219 = arith.constant 16 : index
      %get3A_220 = tpu.vector_load %arg7[%get3A_218, %get3A_219] {strides = array<i32>} : memref<400x32xi32, #tpu.memory_space<vmem>>, vector<16xi32>,
      %shift_left3A_221 = arith.constant 16 : i32
      %shift_left3A_222 = vector.broadcast %shift_left3A_221 : i32 to vector<16xi32>
      %shift_left3A_223 = arith.shli %get3A_220, %shift_left3A_222 : vector<16xi32>
      %bitcast3A_224 = vector.bitcast %shift_left3A_223 : vector<16xi32> to vector<16xf32>
      %and3A_225 = arith.andi %get3A_220, %broadcast_in_dim3A_3 : vector<16xi32>
      %bitcast3A_226 = vector.bitcast %and3A_225 : vector<16xi32> to vector<16xf32>
      %add3A_227 = arith.addf %add3A_171, %bitcast3A_224 : vector<16xf32>
      %add3A_228 = arith.addf %add3A_172, %bitcast3A_226 : vector<16xf32>
      %add3A_229 = arith.constant 200 : i32
      %add3A_230 = arith.addi %add3A_229, %add3A_202 : i32
      %get3A_231 = arith.index_cast %add3A_230 : i32 to index
      %get3A_232 = arith.constant 0 : index
      %get3A_233 = tpu.vector_load %arg7[%get3A_231, %get3A_232] {strides = array<i32>} : memref<400x32xi32, #tpu.memory_space<vmem>>, vector<16xi32>,
      %shift_left3A_234 = arith.constant 16 : i32
      %shift_left3A_235 = vector.broadcast %shift_left3A_234 : i32 to vector<16xi32>
      %shift_left3A_236 = arith.shli %get3A_233, %shift_left3A_235 : vector<16xi32>
      %bitcast3A_237 = vector.bitcast %shift_left3A_236 : vector<16xi32> to vector<16xf32>
      %and3A_238 = arith.andi %get3A_233, %broadcast_in_dim3A_3 : vector<16xi32>
      %bitcast3A_239 = vector.bitcast %and3A_238 : vector<16xi32> to vector<16xf32>
      %add3A_240 = arith.addf %add3A_184, %bitcast3A_237 : vector<16xf32>
      %add3A_241 = arith.addf %add3A_185, %bitcast3A_239 : vector<16xf32>
      %add3A_242 = arith.constant 200 : i32
      %add3A_243 = arith.addi %add3A_242, %add3A_202 : i32
      %get3A_244 = arith.index_cast %add3A_243 : i32 to index
      %get3A_245 = arith.constant 16 : index
      %get3A_246 = tpu.vector_load %arg7[%get3A_244, %get3A_245] {strides = array<i32>} : memref<400x32xi32, #tpu.memory_space<vmem>>, vector<16xi32>,
      %shift_left3A_247 = arith.constant 16 : i32
      %shift_left3A_248 = vector.broadcast %shift_left3A_247 : i32 to vector<16xi32>
      %shift_left3A_249 = arith.shli %get3A_246, %shift_left3A_248 : vector<16xi32>
      %bitcast3A_250 = vector.bitcast %shift_left3A_249 : vector<16xi32> to vector<16xf32>
      %and3A_251 = arith.andi %get3A_246, %broadcast_in_dim3A_3 : vector<16xi32>
      %bitcast3A_252 = vector.bitcast %and3A_251 : vector<16xi32> to vector<16xf32>
      %add3A_253 = arith.addf %add3A_197, %bitcast3A_250 : vector<16xf32>
      %add3A_254 = arith.addf %add3A_198, %bitcast3A_252 : vector<16xf32>
      %mul3A_255 = arith.constant 8 : i32
      %mul3A_256 = arith.muli %scan3A_138, %mul3A_255 : i32
      %add3A_257 = arith.constant 2 : i32
      %add3A_258 = arith.addi %mul3A_256, %add3A_257 : i32
      %add3A_259 = arith.constant 0 : i32
      %add3A_260 = arith.addi %add3A_259, %add3A_258 : i32
      %get3A_261 = arith.index_cast %add3A_260 : i32 to index
      %get3A_262 = arith.constant 0 : index
      %get3A_263 = tpu.vector_load %arg7[%get3A_261, %get3A_262] {strides = array<i32>} : memref<400x32xi32, #tpu.memory_space<vmem>>, vector<16xi32>,
      %shift_left3A_264 = arith.constant 16 : i32
      %shift_left3A_265 = vector.broadcast %shift_left3A_264 : i32 to vector<16xi32>
      %shift_left3A_266 = arith.shli %get3A_263, %shift_left3A_265 : vector<16xi32>
      %bitcast3A_267 = vector.bitcast %shift_left3A_266 : vector<16xi32> to vector<16xf32>
      %and3A_268 = arith.andi %get3A_263, %broadcast_in_dim3A_3 : vector<16xi32>
      %bitcast3A_269 = vector.bitcast %and3A_268 : vector<16xi32> to vector<16xf32>
      %add3A_270 = arith.addf %add3A_214, %bitcast3A_267 : vector<16xf32>
      %add3A_271 = arith.addf %add3A_215, %bitcast3A_269 : vector<16xf32>
      %add3A_272 = arith.constant 0 : i32
      %add3A_273 = arith.addi %add3A_272, %add3A_258 : i32
      %get3A_274 = arith.index_cast %add3A_273 : i32 to index
      %get3A_275 = arith.constant 16 : index
      %get3A_276 = tpu.vector_load %arg7[%get3A_274, %get3A_275] {strides = array<i32>} : memref<400x32xi32, #tpu.memory_space<vmem>>, vector<16xi32>,
      %shift_left3A_277 = arith.constant 16 : i32
      %shift_left3A_278 = vector.broadcast %shift_left3A_277 : i32 to vector<16xi32>
      %shift_left3A_279 = arith.shli %get3A_276, %shift_left3A_278 : vector<16xi32>
      %bitcast3A_280 = vector.bitcast %shift_left3A_279 : vector<16xi32> to vector<16xf32>
      %and3A_281 = arith.andi %get3A_276, %broadcast_in_dim3A_3 : vector<16xi32>
      %bitcast3A_282 = vector.bitcast %and3A_281 : vector<16xi32> to vector<16xf32>
      %add3A_283 = arith.addf %add3A_227, %bitcast3A_280 : vector<16xf32>
      %add3A_284 = arith.addf %add3A_228, %bitcast3A_282 : vector<16xf32>
      %add3A_285 = arith.constant 200 : i32
      %add3A_286 = arith.addi %add3A_285, %add3A_258 : i32
      %get3A_287 = arith.index_cast %add3A_286 : i32 to index
      %get3A_288 = arith.constant 0 : index
      %get3A_289 = tpu.vector_load %arg7[%get3A_287, %get3A_288] {strides = array<i32>} : memref<400x32xi32, #tpu.memory_space<vmem>>, vector<16xi32>,
      %shift_left3A_290 = arith.constant 16 : i32
      %shift_left3A_291 = vector.broadcast %shift_left3A_290 : i32 to vector<16xi32>
      %shift_left3A_292 = arith.shli %get3A_289, %shift_left3A_291 : vector<16xi32>
      %bitcast3A_293 = vector.bitcast %shift_left3A_292 : vector<16xi32> to vector<16xf32>
      %and3A_294 = arith.andi %get3A_289, %broadcast_in_dim3A_3 : vector<16xi32>
      %bitcast3A_295 = vector.bitcast %and3A_294 : vector<16xi32> to vector<16xf32>
      %add3A_296 = arith.addf %add3A_240, %bitcast3A_293 : vector<16xf32>
      %add3A_297 = arith.addf %add3A_241, %bitcast3A_295 : vector<16xf32>
      %add3A_298 = arith.constant 200 : i32
      %add3A_299 = arith.addi %add3A_298, %add3A_258 : i32
      %get3A_300 = arith.index_cast %add3A_299 : i32 to index
      %get3A_301 = arith.constant 16 : index
      %get3A_302 = tpu.vector_load %arg7[%get3A_300, %get3A_301] {strides = array<i32>} : memref<400x32xi32, #tpu.memory_space<vmem>>, vector<16xi32>,
      %shift_left3A_303 = arith.constant 16 : i32
      %shift_left3A_304 = vector.broadcast %shift_left3A_303 : i32 to vector<16xi32>
      %shift_left3A_305 = arith.shli %get3A_302, %shift_left3A_304 : vector<16xi32>
      %bitcast3A_306 = vector.bitcast %shift_left3A_305 : vector<16xi32> to vector<16xf32>
      %and3A_307 = arith.andi %get3A_302, %broadcast_in_dim3A_3 : vector<16xi32>
      %bitcast3A_308 = vector.bitcast %and3A_307 : vector<16xi32> to vector<16xf32>
      %add3A_309 = arith.addf %add3A_253, %bitcast3A_306 : vector<16xf32>
      %add3A_310 = arith.addf %add3A_254, %bitcast3A_308 : vector<16xf32>
      %mul3A_311 = arith.constant 8 : i32
      %mul3A_312 = arith.muli %scan3A_138, %mul3A_311 : i32
      %add3A_313 = arith.constant 3 : i32
      %add3A_314 = arith.addi %mul3A_312, %add3A_313 : i32
      %add3A_315 = arith.constant 0 : i32
      %add3A_316 = arith.addi %add3A_315, %add3A_314 : i32
      %get3A_317 = arith.index_cast %add3A_316 : i32 to index
      %get3A_318 = arith.constant 0 : index
      %get3A_319 = tpu.vector_load %arg7[%get3A_317, %get3A_318] {strides = array<i32>} : memref<400x32xi32, #tpu.memory_space<vmem>>, vector<16xi32>,
      %shift_left3A_320 = arith.constant 16 : i32
      %shift_left3A_321 = vector.broadcast %shift_left3A_320 : i32 to vector<16xi32>
      %shift_left3A_322 = arith.shli %get3A_319, %shift_left3A_321 : vector<16xi32>
      %bitcast3A_323 = vector.bitcast %shift_left3A_322 : vector<16xi32> to vector<16xf32>
      %and3A_324 = arith.andi %get3A_319, %broadcast_in_dim3A_3 : vector<16xi32>
      %bitcast3A_325 = vector.bitcast %and3A_324 : vector<16xi32> to vector<16xf32>
      %add3A_326 = arith.addf %add3A_270, %bitcast3A_323 : vector<16xf32>
      %add3A_327 = arith.addf %add3A_271, %bitcast3A_325 : vector<16xf32>
      %add3A_328 = arith.constant 0 : i32
      %add3A_329 = arith.addi %add3A_328, %add3A_314 : i32
      %get3A_330 = arith.index_cast %add3A_329 : i32 to index
      %get3A_331 = arith.constant 16 : index
      %get3A_332 = tpu.vector_load %arg7[%get3A_330, %get3A_331] {strides = array<i32>} : memref<400x32xi32, #tpu.memory_space<vmem>>, vector<16xi32>,
      %shift_left3A_333 = arith.constant 16 : i32
      %shift_left3A_334 = vector.broadcast %shift_left3A_333 : i32 to vector<16xi32>
      %shift_left3A_335 = arith.shli %get3A_332, %shift_left3A_334 : vector<16xi32>
      %bitcast3A_336 = vector.bitcast %shift_left3A_335 : vector<16xi32> to vector<16xf32>
      %and3A_337 = arith.andi %get3A_332, %broadcast_in_dim3A_3 : vector<16xi32>
      %bitcast3A_338 = vector.bitcast %and3A_337 : vector<16xi32> to vector<16xf32>
      %add3A_339 = arith.addf %add3A_283, %bitcast3A_336 : vector<16xf32>
      %add3A_340 = arith.addf %add3A_284, %bitcast3A_338 : vector<16xf32>
      %add3A_341 = arith.constant 200 : i32
      %add3A_342 = arith.addi %add3A_341, %add3A_314 : i32
      %get3A_343 = arith.index_cast %add3A_342 : i32 to index
      %get3A_344 = arith.constant 0 : index
      %get3A_345 = tpu.vector_load %arg7[%get3A_343, %get3A_344] {strides = array<i32>} : memref<400x32xi32, #tpu.memory_space<vmem>>, vector<16xi32>,
      %shift_left3A_346 = arith.constant 16 : i32
      %shift_left3A_347 = vector.broadcast %shift_left3A_346 : i32 to vector<16xi32>
      %shift_left3A_348 = arith.shli %get3A_345, %shift_left3A_347 : vector<16xi32>
      %bitcast3A_349 = vector.bitcast %shift_left3A_348 : vector<16xi32> to vector<16xf32>
      %and3A_350 = arith.andi %get3A_345, %broadcast_in_dim3A_3 : vector<16xi32>
      %bitcast3A_351 = vector.bitcast %and3A_350 : vector<16xi32> to vector<16xf32>
      %add3A_352 = arith.addf %add3A_296, %bitcast3A_349 : vector<16xf32>
      %add3A_353 = arith.addf %add3A_297, %bitcast3A_351 : vector<16xf32>
      %add3A_354 = arith.constant 200 : i32
      %add3A_355 = arith.addi %add3A_354, %add3A_314 : i32
      %get3A_356 = arith.index_cast %add3A_355 : i32 to index
      %get3A_357 = arith.constant 16 : index
      %get3A_358 = tpu.vector_load %arg7[%get3A_356, %get3A_357] {strides = array<i32>} : memref<400x32xi32, #tpu.memory_space<vmem>>, vector<16xi32>,
      %shift_left3A_359 = arith.constant 16 : i32
      %shift_left3A_360 = vector.broadcast %shift_left3A_359 : i32 to vector<16xi32>
      %shift_left3A_361 = arith.shli %get3A_358, %shift_left3A_360 : vector<16xi32>
      %bitcast3A_362 = vector.bitcast %shift_left3A_361 : vector<16xi32> to vector<16xf32>
      %and3A_363 = arith.andi %get3A_358, %broadcast_in_dim3A_3 : vector<16xi32>
      %bitcast3A_364 = vector.bitcast %and3A_363 : vector<16xi32> to vector<16xf32>
      %add3A_365 = arith.addf %add3A_309, %bitcast3A_362 : vector<16xf32>
      %add3A_366 = arith.addf %add3A_310, %bitcast3A_364 : vector<16xf32>
      %mul3A_367 = arith.constant 8 : i32
      %mul3A_368 = arith.muli %scan3A_138, %mul3A_367 : i32
      %add3A_369 = arith.constant 4 : i32
      %add3A_370 = arith.addi %mul3A_368, %add3A_369 : i32
      %add3A_371 = arith.constant 0 : i32
      %add3A_372 = arith.addi %add3A_371, %add3A_370 : i32
      %get3A_373 = arith.index_cast %add3A_372 : i32 to index
      %get3A_374 = arith.constant 0 : index
      %get3A_375 = tpu.vector_load %arg7[%get3A_373, %get3A_374] {strides = array<i32>} : memref<400x32xi32, #tpu.memory_space<vmem>>, vector<16xi32>,
      %shift_left3A_376 = arith.constant 16 : i32
      %shift_left3A_377 = vector.broadcast %shift_left3A_376 : i32 to vector<16xi32>
      %shift_left3A_378 = arith.shli %get3A_375, %shift_left3A_377 : vector<16xi32>
      %bitcast3A_379 = vector.bitcast %shift_left3A_378 : vector<16xi32> to vector<16xf32>
      %and3A_380 = arith.andi %get3A_375, %broadcast_in_dim3A_3 : vector<16xi32>
      %bitcast3A_381 = vector.bitcast %and3A_380 : vector<16xi32> to vector<16xf32>
      %add3A_382 = arith.addf %add3A_326, %bitcast3A_379 : vector<16xf32>
      %add3A_383 = arith.addf %add3A_327, %bitcast3A_381 : vector<16xf32>
      %add3A_384 = arith.constant 0 : i32
      %add3A_385 = arith.addi %add3A_384, %add3A_370 : i32
      %get3A_386 = arith.index_cast %add3A_385 : i32 to index
      %get3A_387 = arith.constant 16 : index
      %get3A_388 = tpu.vector_load %arg7[%get3A_386, %get3A_387] {strides = array<i32>} : memref<400x32xi32, #tpu.memory_space<vmem>>, vector<16xi32>,
      %shift_left3A_389 = arith.constant 16 : i32
      %shift_left3A_390 = vector.broadcast %shift_left3A_389 : i32 to vector<16xi32>
      %shift_left3A_391 = arith.shli %get3A_388, %shift_left3A_390 : vector<16xi32>
      %bitcast3A_392 = vector.bitcast %shift_left3A_391 : vector<16xi32> to vector<16xf32>
      %and3A_393 = arith.andi %get3A_388, %broadcast_in_dim3A_3 : vector<16xi32>
      %bitcast3A_394 = vector.bitcast %and3A_393 : vector<16xi32> to vector<16xf32>
      %add3A_395 = arith.addf %add3A_339, %bitcast3A_392 : vector<16xf32>
      %add3A_396 = arith.addf %add3A_340, %bitcast3A_394 : vector<16xf32>
      %add3A_397 = arith.constant 200 : i32
      %add3A_398 = arith.addi %add3A_397, %add3A_370 : i32
      %get3A_399 = arith.index_cast %add3A_398 : i32 to index
      %get3A_400 = arith.constant 0 : index
      %get3A_401 = tpu.vector_load %arg7[%get3A_399, %get3A_400] {strides = array<i32>} : memref<400x32xi32, #tpu.memory_space<vmem>>, vector<16xi32>,
      %shift_left3A_402 = arith.constant 16 : i32
      %shift_left3A_403 = vector.broadcast %shift_left3A_402 : i32 to vector<16xi32>
      %shift_left3A_404 = arith.shli %get3A_401, %shift_left3A_403 : vector<16xi32>
      %bitcast3A_405 = vector.bitcast %shift_left3A_404 : vector<16xi32> to vector<16xf32>
      %and3A_406 = arith.andi %get3A_401, %broadcast_in_dim3A_3 : vector<16xi32>
      %bitcast3A_407 = vector.bitcast %and3A_406 : vector<16xi32> to vector<16xf32>
      %add3A_408 = arith.addf %add3A_352, %bitcast3A_405 : vector<16xf32>
      %add3A_409 = arith.addf %add3A_353, %bitcast3A_407 : vector<16xf32>
      %add3A_410 = arith.constant 200 : i32
      %add3A_411 = arith.addi %add3A_410, %add3A_370 : i32
      %get3A_412 = arith.index_cast %add3A_411 : i32 to index
      %get3A_413 = arith.constant 16 : index
      %get3A_414 = tpu.vector_load %arg7[%get3A_412, %get3A_413] {strides = array<i32>} : memref<400x32xi32, #tpu.memory_space<vmem>>, vector<16xi32>,
      %shift_left3A_415 = arith.constant 16 : i32
      %shift_left3A_416 = vector.broadcast %shift_left3A_415 : i32 to vector<16xi32>
      %shift_left3A_417 = arith.shli %get3A_414, %shift_left3A_416 : vector<16xi32>
      %bitcast3A_418 = vector.bitcast %shift_left3A_417 : vector<16xi32> to vector<16xf32>
      %and3A_419 = arith.andi %get3A_414, %broadcast_in_dim3A_3 : vector<16xi32>
      %bitcast3A_420 = vector.bitcast %and3A_419 : vector<16xi32> to vector<16xf32>
      %add3A_421 = arith.addf %add3A_365, %bitcast3A_418 : vector<16xf32>
      %add3A_422 = arith.addf %add3A_366, %bitcast3A_420 : vector<16xf32>
      %mul3A_423 = arith.constant 8 : i32
      %mul3A_424 = arith.muli %scan3A_138, %mul3A_423 : i32
      %add3A_425 = arith.constant 5 : i32
      %add3A_426 = arith.addi %mul3A_424, %add3A_425 : i32
      %add3A_427 = arith.constant 0 : i32
      %add3A_428 = arith.addi %add3A_427, %add3A_426 : i32
      %get3A_429 = arith.index_cast %add3A_428 : i32 to index
      %get3A_430 = arith.constant 0 : index
      %get3A_431 = tpu.vector_load %arg7[%get3A_429, %get3A_430] {strides = array<i32>} : memref<400x32xi32, #tpu.memory_space<vmem>>, vector<16xi32>,
      %shift_left3A_432 = arith.constant 16 : i32
      %shift_left3A_433 = vector.broadcast %shift_left3A_432 : i32 to vector<16xi32>
      %shift_left3A_434 = arith.shli %get3A_431, %shift_left3A_433 : vector<16xi32>
      %bitcast3A_435 = vector.bitcast %shift_left3A_434 : vector<16xi32> to vector<16xf32>
      %and3A_436 = arith.andi %get3A_431, %broadcast_in_dim3A_3 : vector<16xi32>
      %bitcast3A_437 = vector.bitcast %and3A_436 : vector<16xi32> to vector<16xf32>
      %add3A_438 = arith.addf %add3A_382, %bitcast3A_435 : vector<16xf32>
      %add3A_439 = arith.addf %add3A_383, %bitcast3A_437 : vector<16xf32>
      %add3A_440 = arith.constant 0 : i32
      %add3A_441 = arith.addi %add3A_440, %add3A_426 : i32
      %get3A_442 = arith.index_cast %add3A_441 : i32 to index
      %get3A_443 = arith.constant 16 : index
      %get3A_444 = tpu.vector_load %arg7[%get3A_442, %get3A_443] {strides = array<i32>} : memref<400x32xi32, #tpu.memory_space<vmem>>, vector<16xi32>,
      %shift_left3A_445 = arith.constant 16 : i32
      %shift_left3A_446 = vector.broadcast %shift_left3A_445 : i32 to vector<16xi32>
      %shift_left3A_447 = arith.shli %get3A_444, %shift_left3A_446 : vector<16xi32>
      %bitcast3A_448 = vector.bitcast %shift_left3A_447 : vector<16xi32> to vector<16xf32>
      %and3A_449 = arith.andi %get3A_444, %broadcast_in_dim3A_3 : vector<16xi32>
      %bitcast3A_450 = vector.bitcast %and3A_449 : vector<16xi32> to vector<16xf32>
      %add3A_451 = arith.addf %add3A_395, %bitcast3A_448 : vector<16xf32>
      %add3A_452 = arith.addf %add3A_396, %bitcast3A_450 : vector<16xf32>
      %add3A_453 = arith.constant 200 : i32
      %add3A_454 = arith.addi %add3A_453, %add3A_426 : i32
      %get3A_455 = arith.index_cast %add3A_454 : i32 to index
      %get3A_456 = arith.constant 0 : index
      %get3A_457 = tpu.vector_load %arg7[%get3A_455, %get3A_456] {strides = array<i32>} : memref<400x32xi32, #tpu.memory_space<vmem>>, vector<16xi32>,
      %shift_left3A_458 = arith.constant 16 : i32
      %shift_left3A_459 = vector.broadcast %shift_left3A_458 : i32 to vector<16xi32>
      %shift_left3A_460 = arith.shli %get3A_457, %shift_left3A_459 : vector<16xi32>
      %bitcast3A_461 = vector.bitcast %shift_left3A_460 : vector<16xi32> to vector<16xf32>
      %and3A_462 = arith.andi %get3A_457, %broadcast_in_dim3A_3 : vector<16xi32>
      %bitcast3A_463 = vector.bitcast %and3A_462 : vector<16xi32> to vector<16xf32>
      %add3A_464 = arith.addf %add3A_408, %bitcast3A_461 : vector<16xf32>
      %add3A_465 = arith.addf %add3A_409, %bitcast3A_463 : vector<16xf32>
      %add3A_466 = arith.constant 200 : i32
      %add3A_467 = arith.addi %add3A_466, %add3A_426 : i32
      %get3A_468 = arith.index_cast %add3A_467 : i32 to index
      %get3A_469 = arith.constant 16 : index
      %get3A_470 = tpu.vector_load %arg7[%get3A_468, %get3A_469] {strides = array<i32>} : memref<400x32xi32, #tpu.memory_space<vmem>>, vector<16xi32>,
      %shift_left3A_471 = arith.constant 16 : i32
      %shift_left3A_472 = vector.broadcast %shift_left3A_471 : i32 to vector<16xi32>
      %shift_left3A_473 = arith.shli %get3A_470, %shift_left3A_472 : vector<16xi32>
      %bitcast3A_474 = vector.bitcast %shift_left3A_473 : vector<16xi32> to vector<16xf32>
      %and3A_475 = arith.andi %get3A_470, %broadcast_in_dim3A_3 : vector<16xi32>
      %bitcast3A_476 = vector.bitcast %and3A_475 : vector<16xi32> to vector<16xf32>
      %add3A_477 = arith.addf %add3A_421, %bitcast3A_474 : vector<16xf32>
      %add3A_478 = arith.addf %add3A_422, %bitcast3A_476 : vector<16xf32>
      %mul3A_479 = arith.constant 8 : i32
      %mul3A_480 = arith.muli %scan3A_138, %mul3A_479 : i32
      %add3A_481 = arith.constant 6 : i32
      %add3A_482 = arith.addi %mul3A_480, %add3A_481 : i32
      %add3A_483 = arith.constant 0 : i32
      %add3A_484 = arith.addi %add3A_483, %add3A_482 : i32
      %get3A_485 = arith.index_cast %add3A_484 : i32 to index
      %get3A_486 = arith.constant 0 : index
      %get3A_487 = tpu.vector_load %arg7[%get3A_485, %get3A_486] {strides = array<i32>} : memref<400x32xi32, #tpu.memory_space<vmem>>, vector<16xi32>,
      %shift_left3A_488 = arith.constant 16 : i32
      %shift_left3A_489 = vector.broadcast %shift_left3A_488 : i32 to vector<16xi32>
      %shift_left3A_490 = arith.shli %get3A_487, %shift_left3A_489 : vector<16xi32>
      %bitcast3A_491 = vector.bitcast %shift_left3A_490 : vector<16xi32> to vector<16xf32>
      %and3A_492 = arith.andi %get3A_487, %broadcast_in_dim3A_3 : vector<16xi32>
      %bitcast3A_493 = vector.bitcast %and3A_492 : vector<16xi32> to vector<16xf32>
      %add3A_494 = arith.addf %add3A_438, %bitcast3A_491 : vector<16xf32>
      %add3A_495 = arith.addf %add3A_439, %bitcast3A_493 : vector<16xf32>
      %add3A_496 = arith.constant 0 : i32
      %add3A_497 = arith.addi %add3A_496, %add3A_482 : i32
      %get3A_498 = arith.index_cast %add3A_497 : i32 to index
      %get3A_499 = arith.constant 16 : index
      %get3A_500 = tpu.vector_load %arg7[%get3A_498, %get3A_499] {strides = array<i32>} : memref<400x32xi32, #tpu.memory_space<vmem>>, vector<16xi32>,
      %shift_left3A_501 = arith.constant 16 : i32
      %shift_left3A_502 = vector.broadcast %shift_left3A_501 : i32 to vector<16xi32>
      %shift_left3A_503 = arith.shli %get3A_500, %shift_left3A_502 : vector<16xi32>
      %bitcast3A_504 = vector.bitcast %shift_left3A_503 : vector<16xi32> to vector<16xf32>
      %and3A_505 = arith.andi %get3A_500, %broadcast_in_dim3A_3 : vector<16xi32>
      %bitcast3A_506 = vector.bitcast %and3A_505 : vector<16xi32> to vector<16xf32>
      %add3A_507 = arith.addf %add3A_451, %bitcast3A_504 : vector<16xf32>
      %add3A_508 = arith.addf %add3A_452, %bitcast3A_506 : vector<16xf32>
      %add3A_509 = arith.constant 200 : i32
      %add3A_510 = arith.addi %add3A_509, %add3A_482 : i32
      %get3A_511 = arith.index_cast %add3A_510 : i32 to index
      %get3A_512 = arith.constant 0 : index
      %get3A_513 = tpu.vector_load %arg7[%get3A_511, %get3A_512] {strides = array<i32>} : memref<400x32xi32, #tpu.memory_space<vmem>>, vector<16xi32>,
      %shift_left3A_514 = arith.constant 16 : i32
      %shift_left3A_515 = vector.broadcast %shift_left3A_514 : i32 to vector<16xi32>
      %shift_left3A_516 = arith.shli %get3A_513, %shift_left3A_515 : vector<16xi32>
      %bitcast3A_517 = vector.bitcast %shift_left3A_516 : vector<16xi32> to vector<16xf32>
      %and3A_518 = arith.andi %get3A_513, %broadcast_in_dim3A_3 : vector<16xi32>
      %bitcast3A_519 = vector.bitcast %and3A_518 : vector<16xi32> to vector<16xf32>
      %add3A_520 = arith.addf %add3A_464, %bitcast3A_517 : vector<16xf32>
      %add3A_521 = arith.addf %add3A_465, %bitcast3A_519 : vector<16xf32>
      %add3A_522 = arith.constant 200 : i32
      %add3A_523 = arith.addi %add3A_522, %add3A_482 : i32
      %get3A_524 = arith.index_cast %add3A_523 : i32 to index
      %get3A_525 = arith.constant 16 : index
      %get3A_526 = tpu.vector_load %arg7[%get3A_524, %get3A_525] {strides = array<i32>} : memref<400x32xi32, #tpu.memory_space<vmem>>, vector<16xi32>,
      %shift_left3A_527 = arith.constant 16 : i32
      %shift_left3A_528 = vector.broadcast %shift_left3A_527 : i32 to vector<16xi32>
      %shift_left3A_529 = arith.shli %get3A_526, %shift_left3A_528 : vector<16xi32>
      %bitcast3A_530 = vector.bitcast %shift_left3A_529 : vector<16xi32> to vector<16xf32>
      %and3A_531 = arith.andi %get3A_526, %broadcast_in_dim3A_3 : vector<16xi32>
      %bitcast3A_532 = vector.bitcast %and3A_531 : vector<16xi32> to vector<16xf32>
      %add3A_533 = arith.addf %add3A_477, %bitcast3A_530 : vector<16xf32>
      %add3A_534 = arith.addf %add3A_478, %bitcast3A_532 : vector<16xf32>
      %mul3A_535 = arith.constant 8 : i32
      %mul3A_536 = arith.muli %scan3A_138, %mul3A_535 : i32
      %add3A_537 = arith.constant 7 : i32
      %add3A_538 = arith.addi %mul3A_536, %add3A_537 : i32
      %add3A_539 = arith.constant 0 : i32
      %add3A_540 = arith.addi %add3A_539, %add3A_538 : i32
      %get3A_541 = arith.index_cast %add3A_540 : i32 to index
      %get3A_542 = arith.constant 0 : index
      %get3A_543 = tpu.vector_load %arg7[%get3A_541, %get3A_542] {strides = array<i32>} : memref<400x32xi32, #tpu.memory_space<vmem>>, vector<16xi32>,
      %shift_left3A_544 = arith.constant 16 : i32
      %shift_left3A_545 = vector.broadcast %shift_left3A_544 : i32 to vector<16xi32>
      %shift_left3A_546 = arith.shli %get3A_543, %shift_left3A_545 : vector<16xi32>
      %bitcast3A_547 = vector.bitcast %shift_left3A_546 : vector<16xi32> to vector<16xf32>
      %and3A_548 = arith.andi %get3A_543, %broadcast_in_dim3A_3 : vector<16xi32>
      %bitcast3A_549 = vector.bitcast %and3A_548 : vector<16xi32> to vector<16xf32>
      %add3A_550 = arith.addf %add3A_494, %bitcast3A_547 : vector<16xf32>
      %add3A_551 = arith.addf %add3A_495, %bitcast3A_549 : vector<16xf32>
      %add3A_552 = arith.constant 0 : i32
      %add3A_553 = arith.addi %add3A_552, %add3A_538 : i32
      %get3A_554 = arith.index_cast %add3A_553 : i32 to index
      %get3A_555 = arith.constant 16 : index
      %get3A_556 = tpu.vector_load %arg7[%get3A_554, %get3A_555] {strides = array<i32>} : memref<400x32xi32, #tpu.memory_space<vmem>>, vector<16xi32>,
      %shift_left3A_557 = arith.constant 16 : i32
      %shift_left3A_558 = vector.broadcast %shift_left3A_557 : i32 to vector<16xi32>
      %shift_left3A_559 = arith.shli %get3A_556, %shift_left3A_558 : vector<16xi32>
      %bitcast3A_560 = vector.bitcast %shift_left3A_559 : vector<16xi32> to vector<16xf32>
      %and3A_561 = arith.andi %get3A_556, %broadcast_in_dim3A_3 : vector<16xi32>
      %bitcast3A_562 = vector.bitcast %and3A_561 : vector<16xi32> to vector<16xf32>
      %add3A_563 = arith.addf %add3A_507, %bitcast3A_560 : vector<16xf32>
      %add3A_564 = arith.addf %add3A_508, %bitcast3A_562 : vector<16xf32>
      %add3A_565 = arith.constant 200 : i32
      %add3A_566 = arith.addi %add3A_565, %add3A_538 : i32
      %get3A_567 = arith.index_cast %add3A_566 : i32 to index
      %get3A_568 = arith.constant 0 : index
      %get3A_569 = tpu.vector_load %arg7[%get3A_567, %get3A_568] {strides = array<i32>} : memref<400x32xi32, #tpu.memory_space<vmem>>, vector<16xi32>,
      %shift_left3A_570 = arith.constant 16 : i32
      %shift_left3A_571 = vector.broadcast %shift_left3A_570 : i32 to vector<16xi32>
      %shift_left3A_572 = arith.shli %get3A_569, %shift_left3A_571 : vector<16xi32>
      %bitcast3A_573 = vector.bitcast %shift_left3A_572 : vector<16xi32> to vector<16xf32>
      %and3A_574 = arith.andi %get3A_569, %broadcast_in_dim3A_3 : vector<16xi32>
      %bitcast3A_575 = vector.bitcast %and3A_574 : vector<16xi32> to vector<16xf32>
      %add3A_576 = arith.addf %add3A_520, %bitcast3A_573 : vector<16xf32>
      %add3A_577 = arith.addf %add3A_521, %bitcast3A_575 : vector<16xf32>
      %add3A_578 = arith.constant 200 : i32
      %add3A_579 = arith.addi %add3A_578, %add3A_538 : i32
      %get3A_580 = arith.index_cast %add3A_579 : i32 to index
      %get3A_581 = arith.constant 16 : index
      %get3A_582 = tpu.vector_load %arg7[%get3A_580, %get3A_581] {strides = array<i32>} : memref<400x32xi32, #tpu.memory_space<vmem>>, vector<16xi32>,
      %shift_left3A_583 = arith.constant 16 : i32
      %shift_left3A_584 = vector.broadcast %shift_left3A_583 : i32 to vector<16xi32>
      %shift_left3A_585 = arith.shli %get3A_582, %shift_left3A_584 : vector<16xi32>
      %bitcast3A_586 = vector.bitcast %shift_left3A_585 : vector<16xi32> to vector<16xf32>
      %and3A_587 = arith.andi %get3A_582, %broadcast_in_dim3A_3 : vector<16xi32>
      %bitcast3A_588 = vector.bitcast %and3A_587 : vector<16xi32> to vector<16xf32>
      %add3A_589 = arith.addf %add3A_533, %bitcast3A_586 : vector<16xf32>
      %add3A_590 = arith.addf %add3A_534, %bitcast3A_588 : vector<16xf32>
      scf.yield %add3A_550, %add3A_563, %add3A_551, %add3A_564, %add3A_576, %add3A_589, %add3A_577, %add3A_590 : vector<16xf32>, vector<16xf32>, vector<16xf32>, vector<16xf32>, vector<16xf32>, vector<16xf32>, vector<16xf32>, vector<16xf32>
    }
    %scan3A_103 = arith.constant 25 : i32
    %swap3A_104 = arith.constant 126 : i32
    %swap3A_105 = arith.index_cast %swap3A_104 : i32 to index
    %swap3A_106 = arith.constant 0 : index
    %swap3A_107 = tpu.vector_load %arg8[%swap3A_105, %swap3A_106] {strides = array<i32>} : memref<128x64xf32, #tpu.memory_space<vmem>>, vector<16xf32>,
    tpu.vector_store %arg8[%swap3A_105, %swap3A_106], %scan3A_102#0 {strides = array<i32>} : memref<128x64xf32, #tpu.memory_space<vmem>>, vector<16xf32>,
    %swap3A_108 = arith.constant 126 : i32
    %swap3A_109 = arith.index_cast %swap3A_108 : i32 to index
    %swap3A_110 = arith.constant 32 : index
    %swap3A_111 = tpu.vector_load %arg8[%swap3A_109, %swap3A_110] {strides = array<i32>} : memref<128x64xf32, #tpu.memory_space<vmem>>, vector<16xf32>,
    tpu.vector_store %arg8[%swap3A_109, %swap3A_110], %scan3A_102#2 {strides = array<i32>} : memref<128x64xf32, #tpu.memory_space<vmem>>, vector<16xf32>,
    %swap3A_112 = arith.constant 126 : i32
    %swap3A_113 = arith.index_cast %swap3A_112 : i32 to index
    %swap3A_114 = arith.constant 16 : index
    %swap3A_115 = tpu.vector_load %arg8[%swap3A_113, %swap3A_114] {strides = array<i32>} : memref<128x64xf32, #tpu.memory_space<vmem>>, vector<16xf32>,
    tpu.vector_store %arg8[%swap3A_113, %swap3A_114], %scan3A_102#1 {strides = array<i32>} : memref<128x64xf32, #tpu.memory_space<vmem>>, vector<16xf32>,
    %swap3A_116 = arith.constant 126 : i32
    %swap3A_117 = arith.index_cast %swap3A_116 : i32 to index
    %swap3A_118 = arith.constant 48 : index
    %swap3A_119 = tpu.vector_load %arg8[%swap3A_117, %swap3A_118] {strides = array<i32>} : memref<128x64xf32, #tpu.memory_space<vmem>>, vector<16xf32>,
    tpu.vector_store %arg8[%swap3A_117, %swap3A_118], %scan3A_102#3 {strides = array<i32>} : memref<128x64xf32, #tpu.memory_space<vmem>>, vector<16xf32>,
    %swap3A_120 = arith.constant 127 : i32
    %swap3A_121 = arith.index_cast %swap3A_120 : i32 to index
    %swap3A_122 = arith.constant 0 : index
    %swap3A_123 = tpu.vector_load %arg8[%swap3A_121, %swap3A_122] {strides = array<i32>} : memref<128x64xf32, #tpu.memory_space<vmem>>, vector<16xf32>,
    tpu.vector_store %arg8[%swap3A_121, %swap3A_122], %scan3A_102#4 {strides = array<i32>} : memref<128x64xf32, #tpu.memory_space<vmem>>, vector<16xf32>,
    %swap3A_124 = arith.constant 127 : i32
    %swap3A_125 = arith.index_cast %swap3A_124 : i32 to index
    %swap3A_126 = arith.constant 32 : index
    %swap3A_127 = tpu.vector_load %arg8[%swap3A_125, %swap3A_126] {strides = array<i32>} : memref<128x64xf32, #tpu.memory_space<vmem>>, vector<16xf32>,
    tpu.vector_store %arg8[%swap3A_125, %swap3A_126], %scan3A_102#6 {strides = array<i32>} : memref<128x64xf32, #tpu.memory_space<vmem>>, vector<16xf32>,
    %swap3A_128 = arith.constant 127 : i32
    %swap3A_129 = arith.index_cast %swap3A_128 : i32 to index
    %swap3A_130 = arith.constant 16 : index
    %swap3A_131 = tpu.vector_load %arg8[%swap3A_129, %swap3A_130] {strides = array<i32>} : memref<128x64xf32, #tpu.memory_space<vmem>>, vector<16xf32>,
    tpu.vector_store %arg8[%swap3A_129, %swap3A_130], %scan3A_102#5 {strides = array<i32>} : memref<128x64xf32, #tpu.memory_space<vmem>>, vector<16xf32>,
    %swap3A_132 = arith.constant 127 : i32
    %swap3A_133 = arith.index_cast %swap3A_132 : i32 to index
    %swap3A_134 = arith.constant 48 : index
    %swap3A_135 = tpu.vector_load %arg8[%swap3A_133, %swap3A_134] {strides = array<i32>} : memref<128x64xf32, #tpu.memory_space<vmem>>, vector<16xf32>,
    tpu.vector_store %arg8[%swap3A_133, %swap3A_134], %scan3A_102#7 {strides = array<i32>} : memref<128x64xf32, #tpu.memory_space<vmem>>, vector<16xf32>,
    %mul3A_136 = arith.constant 128 : i32
    %mul3A_137 = arith.muli %add3A, %mul3A_136 : i32
    "tpu.region"() ({
      %run_scoped3A = tpu.sem_alloc : memref<!tpu.dma_semaphore, #tpu.memory_space<semaphore_mem>>
      %dma_start3A_138 = arith.constant 0 : i32
      %dma_start3A_139 = tpu.memref_slice %arg4[%mul3A_137, %dma_start3A_138] : memref<4096x64xf32, #tpu.memory_space<hbm>> -> memref<128x64xf32, #tpu.memory_space<hbm>>
      %dma_start3A_140 = arith.constant 0 : i32
      %dma_start3A_141 = tpu.memref_slice %arg4[%mul3A_137, %dma_start3A_140] : memref<4096x64xf32, #tpu.memory_space<hbm>> -> memref<128x64xf32, #tpu.memory_space<hbm>>
      tpu.enqueue_dma source(%arg8 : memref<128x64xf32, #tpu.memory_space<vmem>>) target(%dma_start3A_141 : memref<128x64xf32, #tpu.memory_space<hbm>>) target_semaphore(%run_scoped3A : memref<!tpu.dma_semaphore, #tpu.memory_space<semaphore_mem>>)
      %dma_wait3A_142 = arith.constant 0 : i32
      %dma_wait3A_143 = tpu.memref_slice %arg4[%mul3A_137, %dma_wait3A_142] : memref<4096x64xf32, #tpu.memory_space<hbm>> -> memref<128x64xf32, #tpu.memory_space<hbm>>
      %dma_wait3A_144 = arith.constant 0 : i32
      %dma_wait3A_145 = tpu.memref_slice %arg4[%mul3A_137, %dma_wait3A_144] : memref<4096x64xf32, #tpu.memory_space<hbm>> -> memref<128x64xf32, #tpu.memory_space<hbm>>
      tpu.wait_dma2 semaphore(%run_scoped3A : memref<!tpu.dma_semaphore, #tpu.memory_space<semaphore_mem>>) src(%arg8 : memref<128x64xf32, #tpu.memory_space<vmem>>) dst(%dma_wait3A_145 : memref<128x64xf32, #tpu.memory_space<hbm>>)
      tpu.yield
    }) : () -> ()
    return
  }
}

</mosaic_0001>

<sc_bundles>
// kernel: _pool.3.cloned.1.call-start
scs
__scs_entry_jumppad:
0x0: {  	(pc) =	sbr.rel $0x88, $3  }
0x1: {  	(tag) =	ssettag $0x0;
	lr =	simm.s32 $0x1  }
0x2: {  	[smem:$0x3F9F] =	sst lr;
	_ =	strace $0xD0000000  }
0x3: {  	_ = 	snop  }
0x4: {  	_ = 	snop  }
0x5: {  	_ = 	snop  }
0x6: {  	_ = 	snop  }
0x7: {  	_ = 	snop  }
__scs_overlays_trampoline_lowered:
0x8: {  	[smem:$0x3FAE] =	sst s0  }
0x9: {  	[smem:$0x3FAF] =	sst s1  }
0xa: {  	[smem:$0x3FB0] =	sst s2  }
0xb: {  	[smem:$0x3FB1] =	sst s3  }
0xc: {  	[smem:$0x3FB2] =	sst s4  }
0xd: {  	[smem:$0x3FB3] =	sst s5  }
0xe: {  	[smem:$0x3FB4] =	sst s6  }
0xf: {  	[smem:$0x3FB5] =	sst s7  }
0x10: {  	[smem:$0x3FB6] =	sst s8  }
0x11: {  	[smem:$0x3FB7] =	sst s9;
	s0 =	simm.s32 @!p0 $0x0  }
0x12: {  	s1 =	sld [smem:$0x3F9D];
	s0 =	simm.s32 @p0 $0x1  }
0x13: {  	[smem:$0x3FB8] =	sst s0;
	s0 =	simm.s32 @!p1 $0x0  }
0x14: {  	s2 =	sld [smem:$0x3F9C];
	s0 =	simm.s32 @p1 $0x1  }
0x15: {  	[smem:$0x3FB9] =	sst s0;
	s0 =	simm.s32 @!p2 $0x0  }
0x16: {  	s3 =	sld [smem:$0x3FDB];
	s0 =	simm.s32 @p2 $0x1  }
0x17: {  	s4 =	simm.s32 $0x1BF5;
	[smem:$0x3FBB] =	sst s0  }
0x18: {  	s0 =	sld [smem:$0x3F9E];
	_ =	swait.ge [sflag:s4], $0x0  }
0x19: {  	s7 =	sld [smem:$0x3F9F]  }
0x1a: {  	s8 =	sadd.s32 $0xFFFFE003, lr  }
0x1b: {  	s9 =	sadd.s32 $0xFFFFFEF7, lr;
	s5 =	simm.s32 $0xFFFFFFFF;
	p2 =	slt.u32 s8, $0xFFFFF086  }
0x1c: {  	p1 =	slt.u32 s9, $0xF7A;
	s5 =	simm.s32 @!p2 $0x0  }
0x1d: {  	s5 =	simm.s32 @p1 $0x1;
	p0 =	seq.s32 s7, s2  }
0x1e: {  	s7 =	smul.u32 @!p0 $0xF7A, s2;
	p2 =	seq.s32 @!p0 s5, $0x0  }
0x1f: {  	s9 =	smul.u32 $0xF7A, s1;
	s8 =	simm.s32 @!p0 $0x1BF5;
	p2 =	por !p2, p0  }
0x20: {  	[sflag:s8] =	ssyncset.s32 @!p0 $0xFFFFF086;
	s6 =	sadd.s32 @!p0 s3, s7;
	s7 =	simm.s32 @!p0 $0x108  }
0x21: {  	s3 =	sadd.s32 s3, s9;
	s6 =	sadd.s32 @!p0 $0x88, s6;
	s7 =	simm.s32 @p2 $0x1082  }
0x22: {  	[simem:s7], [sflag:s8] =	dma.local @!p0 [hbm:s6], $0xF7A  }
0x23: {  	s9 =	sor.u32 $0xD0000000, s2;
	s6 =	simm.s32 $0x108;
	_ =	swait.ge @!p0 [sflag:s8], $0x0  }
0x24: {  	s3 =	sadd.s32 $0x88, s3;
	s6 =	simm.s32 @!p1 $0x1082;
	[sflag:s4] =	ssyncset.s32 $0xFFFFF086  }
0x25: {  	[simem:s6], [sflag:s4] =	dma.local [hbm:s3], $0xF7A  }
0x26: {  	[smem:$0x3F9F] =	sst s1;
	(tag) =	ssettag s2;
	_ =	strace s9  }
0x27: {  	s1 =	sld [smem:$0x3FAF]  }
0x28: {  	s2 =	sld [smem:$0x3FB0]  }
0x29: {  	s4 =	sld [smem:$0x3FB2]  }
0x2a: {  	p0 =	seq.s32 s5, $0x0;
	s5 =	sld [smem:$0x3FB3]  }
0x2b: {  	s6 =	sld [smem:$0x3FB4]  }
0x2c: {  	s7 =	sld [smem:$0x3FB5]  }
0x2d: {  	s3 =	simm.s32 $0x108;
	s8 =	sld [smem:$0x3FB6]  }
0x2e: {  	s3 =	simm.s32 @!p0 $0x1082;
	s9 =	sld [smem:$0x3FB7]  }
0x2f: {  	lr =	sadd.s32 s0, s3;
	s0 =	sld [smem:$0x3FAE]  }
0x30: {  	s3 =	sld [smem:$0x3FB1]  }
0x31: {  	[smem:$0x3FBA] =	sst s10  }
0x32: {  	s10 =	sld [smem:$0x3FB8];
	_ =	sdelay $0x3  }
0x33: {  	p0 =	seq.s32 s10, $0x1;
	s10 =	sld [smem:$0x3FBA];
	_ =	sdelay $0x3  }
0x34: {  	[smem:$0x3FBA] =	sst s10  }
0x35: {  	s10 =	sld [smem:$0x3FB9];
	_ =	sdelay $0x3  }
0x36: {  	p1 =	seq.s32 s10, $0x1;
	s10 =	sld [smem:$0x3FBA];
	_ =	sdelay $0x3  }
0x37: {  	[smem:$0x3FBA] =	sst s10  }
0x38: {  	s10 =	sld [smem:$0x3FBB]  }
0x39: {  	_ = 	snop;
	(pc) =	sbr.ind lr, $3  }
0x3a: {  	_ = 	snop  }
0x3b: {  	_ = 	snop  }
0x3c: {  	p2 =	seq.s32 s10, $0x1;
	s10 =	sld [smem:$0x3FBA]  }
0x3d: {  	_ =	shalt  }
0x3e: {  	_ =	shalt  }
0x3f: {  	_ =	shalt  }
0x40: {  	_ =	shalt  }
0x41: {  	_ =	shalt  }
0x42: {  	_ =	shalt  }
0x43: {  	_ =	shalt  }
0x44: {  	_ =	shalt  }
0x45: {  	_ =	shalt  }
0x46: {  	_ =	shalt  }
0x47: {  	_ =	shalt  }
0x48: {  	_ =	shalt  }
0x49: {  	_ =	shalt  }
0x4a: {  	_ =	shalt  }
0x4b: {  	_ =	shalt  }
0x4c: {  	_ =	shalt  }
0x4d: {  	_ =	shalt  }
0x4e: {  	_ =	shalt  }
0x4f: {  	_ =	shalt  }
0x50: {  	_ =	shalt  }
0x51: {  	_ =	shalt  }
0x52: {  	_ =	shalt  }
0x53: {  	_ =	shalt  }
0x54: {  	_ =	shalt  }
0x55: {  	_ =	shalt  }
0x56: {  	_ =	shalt  }
0x57: {  	_ =	shalt  }
0x58: {  	_ =	shalt  }
0x59: {  	_ =	shalt  }
0x5a: {  	_ =	shalt  }
0x5b: {  	_ =	shalt  }
0x5c: {  	_ =	shalt  }
0x5d: {  	_ =	shalt  }
0x5e: {  	_ =	shalt  }
0x5f: {  	_ =	shalt  }
0x60: {  	_ =	shalt  }
0x61: {  	_ =	shalt  }
0x62: {  	_ =	shalt  }
0x63: {  	_ =	shalt  }
0x64: {  	_ =	shalt  }
0x65: {  	_ =	shalt  }
0x66: {  	_ =	shalt  }
0x67: {  	_ =	shalt  }
0x68: {  	_ =	shalt  }
0x69: {  	_ =	shalt  }
0x6a: {  	_ =	shalt  }
0x6b: {  	_ =	shalt  }
0x6c: {  	_ =	shalt  }
0x6d: {  	_ =	shalt  }
0x6e: {  	_ =	shalt  }
0x6f: {  	_ =	shalt  }
0x70: {  	_ =	shalt  }
0x71: {  	_ =	shalt  }
0x72: {  	_ =	shalt  }
0x73: {  	_ =	shalt  }
0x74: {  	_ =	shalt  }
0x75: {  	_ =	shalt  }
0x76: {  	_ =	shalt  }
0x77: {  	_ =	shalt  }
0x78: {  	_ =	shalt  }
0x79: {  	_ =	shalt  }
0x7a: {  	_ =	shalt  }
0x7b: {  	_ =	shalt  }
0x7c: {  	_ =	shalt  }
0x7d: {  	_ =	shalt  }
0x7e: {  	_ =	shalt  }
0x7f: {  	_ =	shalt  }
0x80: {  	_ =	shalt  }
0x81: {  	_ =	shalt  }
0x82: {  	_ =	shalt  }
0x83: {  	_ =	shalt  }
0x84: {  	_ =	shalt  }
0x85: {  	_ =	shalt  }
0x86: {  	_ =	shalt  }
0x87: {  	_ =	shalt  }
.Lfunc_end0:
.L_simem_size_0:
called_computation_lowered:
.L_overlay_start_0:
0x88: {  	s2 =	sld [smem:$0x3FD9]  }
0x89: {  	s3 =	sld [smem:$0x3FFE];
	_ =	sdelay $0x1  }
0x8a: {  	s1 =	srdreg.scid  }
0x8b: {  	s0 =	sand.u32 $0x1, s1  }
0x8c: {  	s17 =	sshll.u32 s0, $0xA;
	s2 =	sadd.s32 s3, s2  }
0x8d: {  	s2 =	sadd.s32 s2, s17  }
0x8e: {  	[smem:$0x3FC6] =	sst s2  }
0x8f: {  	_ = 	snop  }
0x90: {  	s2 =	sld [smem:$0x3FC9]  }
0x91: {  	s18 =	sld [smem:$0x3FD0];
	(tm) =	ssettm $0x1  }
0x92: {  	s4 =	sld [smem:$0x3FFB];
	_ =	sdelay $0x3  }
0x93: {  	_ =	strace s4  }
0x94: {  	s4 =	sld [smem:$0x3FFC];
	_ =	sdelay $0x3  }
0x95: {  	_ =	strace s4  }
0x96: {  	s4 =	sld [smem:$0x3FFD];
	_ =	sdelay $0x3  }
0x97: {  	_ =	strace s4  }
0x98: {  	_ =	strace $0x8FFFFFFF  }
0x99: {  	s19 =	sld [smem:$0x3FDB];
	_ =	sdelay $0x1  }
0x9a: {  	s5 =	simm.s32 $_scs_section_size  }
0x9b: {  	s6 =	simm.s32 $_size__tile_overlayer_lowered;
	s7 =	simm.s32 $_tile_overlayer_lowered  }
0x9c: {  	s22 =	simm.s32 $0x1BFF;
	s21 =	sshll.u32 s7, $0x1;
	s4 =	sadd.s32 s5, s19  }
0x9d: {  	s8 =	simm.s32 $0x0;
	s20 =	sshll.u32 s6, $0x1;
	s6 =	sadd.s32 s21, s4  }
0x9e: {  	[timem:s8], [sflag:s22] =	dma.local [hbm:s6], s20  }
0x9f: {  	_ =	swait.ge [sflag:s22], s20  }
0xa0: {  	s5 =	ssub.s32 $0x0, s20;
	[sflag:s22] =	ssyncset.done $0x0  }
0xa1: {  	[sflag:s22] =	ssyncadd.s32 s5;
	_ =	sdelay $0x1  }
0xa2: {  	s23 =	simm.s32 $0x1B8B  }
0xa3: {  	_ =	swait.ge [sflag:s23], $0x1  }
0xa4: {  	[sflag:s23] =	ssyncset.done $0x0  }
0xa5: {  	s25 =	simm.s32 $0x1B8E;
	s24 =	sld [smem:$0x3FFE];
	[sflag:s23] =	ssyncadd.s32 $0xFFFFFFFF  }
0xa6: {  	s26 =	simm.s32 $execute0_lowered;
	[smem:$0x3FD2] =	sst s25  }
0xa7: {  	s6 =	sshll.u32 s26, $0x1;
	_ =	strace $0x80000046;
	[dreg:$0x1] =	wrdreg $0xFFFFFFFF  }
0xa8: {  	s28 =	simm.s32 $_size_execute0_lowered;
	s4 =	sadd.s32 s4, s6;
	[dreg:$0x0] =	wrdreg $0x0  }
0xa9: {  	s6 =	sshll.u32 s28, $0x1;
	[dreg:$0x2] =	wrdreg s4  }
0xaa: {  	[dreg:$0x3] =	wrdreg s6  }
0xab: {  	[dreg:$0x4] =	wrdreg $0xC0  }
0xac: {  	_ =	task [dreg:s8], $0x5FFFF  }
0xad: {  	[dreg:$0x1] =	wrdreg $0xFFFFFFFF  }
0xae: {  	[dreg:$0x0] =	wrdreg $0x60  }
0xaf: {  	[dreg:$0x2] =	wrdreg s2  }
0xb0: {  	[dreg:$0x3] =	wrdreg s24  }
0xb1: {  	[dreg:$0x4] =	wrdreg s18  }
0xb2: {  	[dreg:$0x5] =	wrdreg $0x9  }
0xb3: {  	_ =	task.clear_ibuf [dreg:s8], $0x6FFFF;
	_ =	strace $0x90000046  }
0xb4: {  	s29 =	simm.s32 $0x9;
	_ =	strace $0x80000048  }
0xb5: {  	_ =	swait.ge [sflag:s29], $0x1  }
0xb6: {  	[sflag:s29] =	ssyncadd.s32 $0xFFFFFFFF  }
0xb7: {  	_ =	strace $0x90000048  }
0xb8: {  	_ =	sfence  }
0xb9: {  	s30 =	sld [smem:$0x0];
	_ =	sdelay $0x2  }
0xba: {  	s31 =	sshll.u32 s1, $0xD;
	s1 =	sshrl.u32 s1, $0x2  }
0xbb: {  	s3 =	sand.u32 $0x4000, s31;
	s1 =	sadd.s32 s1, s30  }
0xbc: {  	s0 =	sor.u32 s3, s0;
	s1 =	sshll.u32 s1, $0x11  }
0xbd: {  	s0 =	sor.u32 s1, s0  }
0xbe: {  	s0 =	sadd.s32 $0x8F2B, s0  }
0xbf: {  	[sflag:s0] =	ssyncadd.remote.s32 $0x1  }
0xc0: {  	_ =	sfence.sel $0xFFFF  }
0xc1: {  	[dreg:$0x0] =	wrdreg $0xFFFFFFFF;
	(pc) =	sbr.abs _section_cstart, $3  }
0xc2: {  	[dreg:$0x1] =	wrdreg $0xFFFFFFFF  }
0xc3: {  	_ =	task.clear_ibuf [dreg:s8], $0x2FFFF;
	_ =	strace $0x9FFFFFFF  }
0xc4: {  	(tm) =	ssettm $0x7FFFFFFF  }
0xc5: {  	_ =	shalt  }
tec
execute0_lowered:
.L_overlay_start_1:
0x0: {  	(tag) =	ssettag $0x1  }
0x1: {  	s4 =	rddreg [dreg:$0x0]  }
0x2: {  	s3 =	rddreg [dreg:$0x1]  }
0x3: {  	s5 =	rddreg [dreg:$0x2]  }
0x4: {  	s0 =	rddreg [dreg:$0x3];
	s6 =	srdreg.scid  }
0x5: {  	s1 =	stileid.u32;
	s2 =	simm.s32 $0x0;
	s10 =	simm.s32 $0x9600  }
0x6: {  	s11 =	simm.s32 $0x1;
	s12 =	simm.s32 $0x2;
	s13 =	simm.s32 $0xC800  }
0x7: {  	s14 =	simm.s32 $0x0;
	s6 =	sand.u32 $0x1, s6;
	s7 =	sshll.u32 s1, $0x1  }
0x8: {  	[smem:$0x7FF] =	sst s2;
	s7 =	sor.u32 s6, s7;
	s6 =	ssub.s32 $0x2, s6  }
0x9: {  	s3 =	sadd.s32 $0xF80400, s3;
	_ =	strace $0x80000047;
	s9 =	sshrl.u32 s6, $0x1  }
0xa: {  	s8 =	smul.u32 $0xC80, s7;
	s7 =	sshll.u32 s7, $0xA;
	s6 =	ssub.s32 s6, s9  }
0xb: {  	s5 =	sadd.s32 s5, s7;
	s7 =	simm.s32 $0x3;
	s9 =	simm.s32 $0x6400  }
0xc: {  	s4 =	sadd.s32 s4, s8;
	s6 =	smax.u32 s6, $0x1;
	s8 =	simm.s32 $0x190  }
.LBB2_1:
0xd: {  	[tilespmem:s2], [sflag:$0x3] =	stream.linear.gather [hbm4b:s4+s2], $0x6400, $0x38;
	[tilespmem:$0xE800] =	vst v63  }
0xe: {  	_ =	swait.ge [sflag:s7], $0x6400  }
0xf: {  	[sflag:s7] =	ssyncset.done $0x0  }
0x10: {  	[sflag:s7] =	ssyncadd.s32 $0xFFFF9C00  }
0x11: {  	[tilespmem:s9], [sflag:$0x1] =	stream.indirect.gather [hbm4b:s3+s8], $0x20, s2, s8, $0xb8;
	[tilespmem:$0xE800] =	vst v63  }
0x12: {  	s15 =	simm.s32 $0x0  }
0x13: {  	[tilespmem:s10], [sflag:$0x2] =	stream.indirect.gather [hbm4b:s3+s8], $0x20, s8, s8, $0xb8;
	[tilespmem:$0xE800] =	vst v63  }
.LBB2_2:
0x14: {  	_ =	swait.ge [sflag:s11], $0x3200  }
0x15: {  	[sflag:s11] =	ssyncset.done $0x0  }
0x16: {  	s16 =	simm.s32 $0x80;
	[sflag:s11] =	ssyncadd.s32 $0xFFFFCE00  }
0x17: {  	v0 =	vld [tilespmem:s16+$0x6460]  }
0x18: {  	v1 =	vld [tilespmem:s16+$0x6470]  }
0x19: {  	v2 =	vld [tilespmem:s16+$0x7D60]  }
0x1a: {  	v3 =	vld [tilespmem:s16+$0x6440]  }
0x1b: {  	v4 =	vld [tilespmem:s16+$0x6450]  }
0x1c: {  	v5 =	vld [tilespmem:s16+$0x7D40]  }
0x1d: {  	v7 =	vld [tilespmem:s16+$0x6420]  }
0x1e: {  	v8 =	vld [tilespmem:s16+$0x6430]  }
0x1f: {  	v17 =	vld [tilespmem:s16+$0x7D20]  }
0x20: {  	v18 =	vld [tilespmem:s16+$0x6400]  }
0x21: {  	v6 =	vimm.f32 $0.0e+00;
	v19 =	vld [tilespmem:s16+$0x6410]  }
0x22: {  	v22 =	vld [tilespmem:s16+$0x7D00];
	v11 =	vshll.u32 v0, $0x10;
	v12 =	vand.u32 $0xFFFF0000, v0;
	v9 =	vshll.u32 v1, $0x10  }
0x23: {  	v23 =	vld [tilespmem:s16+$0x63E0];
	v10 =	vand.u32 $0xFFFF0000, v1;
	v1 =	vshll.u32 v2, $0x10;
	v0 =	vand.u32 $0xFFFF0000, v2  }
0x24: {  	v24 =	vld [tilespmem:s16+$0x63C0];
	v15 =	vshll.u32 v3, $0x10;
	v16 =	vand.u32 $0xFFFF0000, v3;
	v13 =	vshll.u32 v4, $0x10  }
0x25: {  	v25 =	vld [tilespmem:s16+$0x63A0];
	v14 =	vand.u32 $0xFFFF0000, v4;
	v3 =	vshll.u32 v5, $0x10;
	v2 =	vand.u32 $0xFFFF0000, v5  }
0x26: {  	v26 =	vld [tilespmem:s16+$0x6380];
	v30 =	vshll.u32 v7, $0x10;
	v32 =	vand.u32 $0xFFFF0000, v7;
	v20 =	vshll.u32 v8, $0x10  }
0x27: {  	v27 =	vld [tilespmem:s16+$0x6390];
	v21 =	vand.u32 $0xFFFF0000, v8;
	v5 =	vshll.u32 v17, $0x10;
	v4 =	vand.u32 $0xFFFF0000, v17  }
0x28: {  	v17 =	vshll.u32 v18, $0x10;
	v18 =	vand.u32 $0xFFFF0000, v18;
	v29 =	vshll.u32 v19, $0x10  }
0x29: {  	v28 =	vld [tilespmem:s16+$0x63B0];
	v8 =	vshll.u32 v22, $0x10;
	v7 =	vand.u32 $0xFFFF0000, v22;
	v22 =	vshll.u32 v24, $0x10  }
0x2a: {  	v31 =	vshll.u32 v23, $0x10;
	v23 =	vand.u32 $0xFFFF0000, v23;
	v33 =	vshll.u32 v25, $0x10  }
0x2b: {  	v34 =	vld [tilespmem:s16+$0x63D0];
	v25 =	vand.u32 $0xFFFF0000, v25;
	v35 =	vshll.u32 v26, $0x10;
	v26 =	vand.u32 $0xFFFF0000, v26  }
0x2c: {  	v24 =	vand.u32 $0xFFFF0000, v24;
	v36 =	vshll.u32 v27, $0x10;
	v26 =	vadd.f32 v26, v6  }
0x2d: {  	v37 =	vld [tilespmem:s16+$0x63F0];
	v27 =	vand.u32 $0xFFFF0000, v27;
	v35 =	vadd.f32 v35, v6;
	v36 =	vadd.f32 v36, v6  }
0x2e: {  	v38 =	vshll.u32 v28, $0x10;
	v27 =	vadd.f32 v27, v6;
	v25 =	vadd.f32 v25, v26  }
0x2f: {  	v33 =	vadd.f32 v33, v35;
	v26 =	vand.u32 $0xFFFF0000, v28;
	v62 =	vadd.f32 v38, v36  }
0x30: {  	v28 =	vld [tilespmem:s16+$0x7CE0];
	v26 =	vadd.f32 v26, v27;
	v27 =	vshll.u32 v34, $0x10;
	v24 =	vadd.f32 v24, v25  }
0x31: {  	v63 =	vld [tilespmem:s16+$0x7CC0];
	v22 =	vadd.f32 v22, v33;
	v25 =	vand.u32 $0xFFFF0000, v34;
	v27 =	vadd.f32 v27, v62  }
0x32: {  	v25 =	vadd.f32 v25, v26;
	v26 =	vshll.u32 v37, $0x10;
	v23 =	vadd.f32 v23, v24  }
0x33: {  	v22 =	vadd.f32 v31, v22;
	v24 =	vand.u32 $0xFFFF0000, v37;
	v31 =	vadd.f32 v26, v27  }
0x34: {  	v19 =	vand.u32 $0xFFFF0000, v19;
	v25 =	vadd.f32 v24, v25;
	v18 =	vadd.f32 v18, v23;
	v23 =	vld [tilespmem:s16+$0x7CA0]  }
0x35: {  	v26 =	vshll.u32 v28, $0x10;
	v27 =	vand.u32 $0xFFFF0000, v28;
	v17 =	vadd.f32 v17, v22  }
0x36: {  	v28 =	vshll.u32 v63, $0x10;
	v24 =	vadd.f32 v29, v31;
	v22 =	vld [tilespmem:s16+$0x7C80];
	v29 =	vand.u32 $0xFFFF0000, v63  }
0x37: {  	v25 =	vadd.f32 v19, v25;
	v19 =	vimm.f32 $0.0e+00;
	v31 =	vadd.f32 v30, v17  }
0x38: {  	s17 =	simm.s32 $0x600;
	v32 =	vadd.f32 v32, v18;
	v30 =	vld [tilespmem:s16+$0x7C90];
	v18 =	vimm.f32 $0.0e+00;
	v17 =	vimm.f32 $0.0e+00  }
.LBB2_3:
0x39: {  	p0 =	sne.s32 s17, $0x6200;
	v33 =	vshll.u32 v23, $0x10;
	v20 =	vadd.f32 v20, v24;
	v21 =	vadd.f32 v21, v25  }
0x3a: {  	v34 =	vand.u32 $0xFFFF0000, v23;
	v35 =	vld [tilespmem:s16+$0x7CB0];
	v15 =	vadd.f32 v15, v31;
	v16 =	vadd.f32 v16, v32  }
0x3b: {  	v31 =	vshll.u32 v22, $0x10;
	v13 =	vadd.f32 v13, v20;
	v14 =	vadd.f32 v14, v21  }
0x3c: {  	v20 =	vand.u32 $0xFFFF0000, v22;
	v21 =	vld [tilespmem:s16+$0x7CD0];
	v24 =	vadd.f32 v11, v15;
	v25 =	vadd.f32 v12, v16  }
0x3d: {  	v11 =	vshll.u32 v30, $0x10;
	v22 =	vadd.f32 v9, v13;
	v23 =	vadd.f32 v10, v14  }
0x3e: {  	s18 =	sshra.s32 s17, $0x2;
	v6 =	vadd.f32 v31, v6;
	v9 =	vadd.f32 v20, v19;
	v10 =	vand.u32 $0xFFFF0000, v30;
	v12 =	vld [tilespmem:s16+$0x7CF0]  }
0x3f: {  	v11 =	vadd.f32 v11, v18;
	v10 =	vadd.f32 v10, v17;
	v13 =	vld [tilespmem:s18+$0x6460];
	v14 =	vshll.u32 v35, $0x10  }
0x40: {  	v6 =	vadd.f32 v33, v6;
	v9 =	vadd.f32 v34, v9;
	v15 =	vand.u32 $0xFFFF0000, v35;
	v16 =	vld [tilespmem:s16+$0x7D10]  }
0x41: {  	v11 =	vadd.f32 v14, v11;
	v10 =	vadd.f32 v15, v10;
	v20 =	vld [tilespmem:s18+$0x6470];
	v14 =	vshll.u32 v21, $0x10  }
0x42: {  	v6 =	vadd.f32 v28, v6;
	v9 =	vadd.f32 v29, v9;
	v15 =	vand.u32 $0xFFFF0000, v21;
	v17 =	vld [tilespmem:s16+$0x7D30]  }
0x43: {  	v11 =	vadd.f32 v14, v11;
	v10 =	vadd.f32 v15, v10;
	v21 =	vld [tilespmem:s18+$0x7D60];
	v14 =	vshll.u32 v12, $0x10  }
0x44: {  	v6 =	vadd.f32 v26, v6;
	v9 =	vadd.f32 v27, v9;
	v12 =	vand.u32 $0xFFFF0000, v12;
	v15 =	vld [tilespmem:s16+$0x7D50]  }
0x45: {  	v11 =	vadd.f32 v14, v11;
	v10 =	vadd.f32 v12, v10;
	v12 =	vshll.u32 v16, $0x10;
	v14 =	vld [tilespmem:s16+$0x7D70];
	s16 =	smov.u32 s18  }
0x46: {  	v6 =	vadd.f32 v8, v6;
	v7 =	vadd.f32 v7, v9;
	v8 =	vand.u32 $0xFFFF0000, v16;
	v26 =	vld [tilespmem:s16+$0x6440]  }
0x47: {  	v9 =	vadd.f32 v12, v11;
	v8 =	vadd.f32 v8, v10;
	v27 =	vld [tilespmem:s16+$0x6450];
	v10 =	vshll.u32 v17, $0x10  }
0x48: {  	v5 =	vadd.f32 v5, v6;
	v4 =	vadd.f32 v4, v7;
	v6 =	vand.u32 $0xFFFF0000, v17;
	v28 =	vld [tilespmem:s16+$0x7D40]  }
0x49: {  	v9 =	vadd.f32 v10, v9;
	v6 =	vadd.f32 v6, v8;
	v7 =	vld [tilespmem:s16+$0x6420];
	v8 =	vshll.u32 v15, $0x10  }
0x4a: {  	v3 =	vadd.f32 v3, v5;
	v2 =	vadd.f32 v2, v4;
	v4 =	vand.u32 $0xFFFF0000, v15;
	v29 =	vld [tilespmem:s16+$0x6430]  }
0x4b: {  	v5 =	vadd.f32 v8, v9;
	v4 =	vadd.f32 v4, v6;
	v8 =	vshll.u32 v14, $0x10;
	v30 =	vld [tilespmem:s16+$0x7D20]  }
0x4c: {  	v6 =	vadd.f32 v1, v3;
	v19 =	vadd.f32 v0, v2;
	v0 =	vand.u32 $0xFFFF0000, v14;
	v31 =	vld [tilespmem:s16+$0x6400]  }
0x4d: {  	v18 =	vadd.f32 v8, v5;
	v17 =	vadd.f32 v0, v4;
	v32 =	vld [tilespmem:s16+$0x6410]  }
0x4e: {  	v11 =	vshll.u32 v13, $0x10;
	v12 =	vand.u32 $0xFFFF0000, v13;
	v9 =	vshll.u32 v20, $0x10;
	v33 =	vld [tilespmem:s16+$0x7D00]  }
0x4f: {  	v10 =	vand.u32 $0xFFFF0000, v20;
	v1 =	vshll.u32 v21, $0x10;
	v0 =	vand.u32 $0xFFFF0000, v21;
	v34 =	vld [tilespmem:s16+$0x63E0]  }
0x50: {  	v15 =	vshll.u32 v26, $0x10;
	v16 =	vand.u32 $0xFFFF0000, v26;
	v13 =	vshll.u32 v27, $0x10;
	v35 =	vld [tilespmem:s16+$0x63C0]  }
0x51: {  	v14 =	vand.u32 $0xFFFF0000, v27;
	v3 =	vshll.u32 v28, $0x10;
	v2 =	vand.u32 $0xFFFF0000, v28;
	v26 =	vld [tilespmem:s16+$0x63A0]  }
0x52: {  	v36 =	vshll.u32 v7, $0x10;
	v37 =	vand.u32 $0xFFFF0000, v7;
	v20 =	vshll.u32 v29, $0x10;
	v27 =	vld [tilespmem:s16+$0x6380]  }
0x53: {  	v21 =	vand.u32 $0xFFFF0000, v29;
	v5 =	vshll.u32 v30, $0x10;
	v4 =	vand.u32 $0xFFFF0000, v30;
	v28 =	vld [tilespmem:s16+$0x6390]  }
0x54: {  	v29 =	vshll.u32 v31, $0x10;
	v30 =	vand.u32 $0xFFFF0000, v31;
	v31 =	vshll.u32 v32, $0x10  }
0x55: {  	v32 =	vand.u32 $0xFFFF0000, v32;
	v8 =	vshll.u32 v33, $0x10;
	v7 =	vand.u32 $0xFFFF0000, v33;
	v38 =	vld [tilespmem:s16+$0x63B0]  }
0x56: {  	v39 =	vshll.u32 v34, $0x10;
	v34 =	vand.u32 $0xFFFF0000, v34;
	v33 =	vshll.u32 v35, $0x10  }
0x57: {  	v35 =	vand.u32 $0xFFFF0000, v35;
	v40 =	vshll.u32 v26, $0x10;
	v26 =	vand.u32 $0xFFFF0000, v26;
	v41 =	vld [tilespmem:s16+$0x63D0]  }
0x58: {  	v42 =	vshll.u32 v27, $0x10;
	v27 =	vand.u32 $0xFFFF0000, v27;
	v43 =	vshll.u32 v28, $0x10  }
0x59: {  	v24 =	vadd.f32 v42, v24;
	v25 =	vadd.f32 v27, v25;
	v27 =	vand.u32 $0xFFFF0000, v28;
	v28 =	vld [tilespmem:s16+$0x63F0]  }
0x5a: {  	v22 =	vadd.f32 v43, v22;
	v23 =	vadd.f32 v27, v23;
	v27 =	vshll.u32 v38, $0x10  }
0x5b: {  	v24 =	vadd.f32 v40, v24;
	v25 =	vadd.f32 v26, v25;
	v26 =	vand.u32 $0xFFFF0000, v38;
	v38 =	vld [tilespmem:s16+$0x7CE0]  }
0x5c: {  	v22 =	vadd.f32 v27, v22;
	v23 =	vadd.f32 v26, v23;
	v26 =	vshll.u32 v41, $0x10  }
0x5d: {  	v24 =	vadd.f32 v33, v24;
	v25 =	vadd.f32 v35, v25;
	v27 =	vand.u32 $0xFFFF0000, v41;
	v33 =	vld [tilespmem:s16+$0x7CC0]  }
0x5e: {  	v22 =	vadd.f32 v26, v22;
	v26 =	vadd.f32 v27, v23;
	v27 =	vshll.u32 v28, $0x10  }
.Ltmp0:
0x5f: {  	v24 =	vadd.f32 v39, v24;
	v25 =	vadd.f32 v34, v25;
	v28 =	vand.u32 $0xFFFF0000, v28;
	v23 =	vld [tilespmem:s16+$0x7CA0];
	(pc) =	sbr.rel @p0 .LBB2_3-.Ltmp0, $4  }
0x60: {  	v34 =	vadd.f32 v27, v22;
	v35 =	vadd.f32 v28, v26;
	v26 =	vshll.u32 v38, $0x10  }
0x61: {  	v27 =	vand.u32 $0xFFFF0000, v38;
	v38 =	vadd.f32 v29, v24;
	v39 =	vadd.f32 v30, v25;
	v22 =	vld [tilespmem:s16+$0x7C80]  }
0x62: {  	v24 =	vadd.f32 v31, v34;
	v25 =	vadd.f32 v32, v35;
	v28 =	vshll.u32 v33, $0x10  }
0x63: {  	s17 =	sadd.s32 $0x400, s17;
	v29 =	vand.u32 $0xFFFF0000, v33;
	v31 =	vadd.f32 v36, v38;
	v32 =	vadd.f32 v37, v39;
	v30 =	vld [tilespmem:s16+$0x7C90]  }
0x64: {  	v20 =	vadd.f32 v20, v24;
	v21 =	vadd.f32 v21, v25  }
0x65: {  	v24 =	vshll.u32 v23, $0x10;
	v15 =	vadd.f32 v15, v31;
	v16 =	vadd.f32 v16, v32  }
0x66: {  	v23 =	vand.u32 $0xFFFF0000, v23;
	v25 =	vld [tilespmem:s16+$0x7CB0];
	v13 =	vadd.f32 v13, v20;
	v14 =	vadd.f32 v14, v21  }
0x67: {  	v20 =	vshll.u32 v22, $0x10;
	v11 =	vadd.f32 v11, v15;
	v12 =	vadd.f32 v12, v16  }
0x68: {  	v15 =	vand.u32 $0xFFFF0000, v22;
	v16 =	vld [tilespmem:s16+$0x7CD0];
	v6 =	vadd.f32 v20, v6;
	v9 =	vadd.f32 v9, v13  }
0x69: {  	v13 =	vshll.u32 v30, $0x10;
	v10 =	vadd.f32 v10, v14;
	v14 =	vadd.f32 v15, v19  }
0x6a: {  	v15 =	vand.u32 $0xFFFF0000, v30;
	v19 =	vld [tilespmem:s16+$0x7CF0];
	v13 =	vadd.f32 v13, v18;
	v6 =	vadd.f32 v24, v6  }
0x6b: {  	v15 =	vadd.f32 v15, v17;
	v17 =	vshll.u32 v25, $0x10;
	v14 =	vadd.f32 v23, v14  }
0x6c: {  	v20 =	vld [tilespmem:s16+$0x7D10];
	v18 =	vand.u32 $0xFFFF0000, v25;
	v13 =	vadd.f32 v17, v13;
	v6 =	vadd.f32 v28, v6  }
0x6d: {  	v15 =	vadd.f32 v18, v15;
	v17 =	vshll.u32 v16, $0x10;
	v14 =	vadd.f32 v29, v14  }
0x6e: {  	v18 =	vld [tilespmem:s16+$0x7D30];
	v16 =	vand.u32 $0xFFFF0000, v16;
	v13 =	vadd.f32 v17, v13;
	v6 =	vadd.f32 v26, v6  }
0x6f: {  	v15 =	vadd.f32 v16, v15;
	v16 =	vshll.u32 v19, $0x10;
	v14 =	vadd.f32 v27, v14  }
0x70: {  	v17 =	vand.u32 $0xFFFF0000, v19;
	v19 =	vld [tilespmem:s16+$0x7D50];
	v13 =	vadd.f32 v16, v13;
	v6 =	vadd.f32 v8, v6  }
0x71: {  	v8 =	vadd.f32 v17, v15;
	v15 =	vshll.u32 v20, $0x10;
	v7 =	vadd.f32 v7, v14  }
0x72: {  	s31 =	sshll.u32 s15, $0xA;
	v16 =	vand.u32 $0xFFFF0000, v20;
	v14 =	vld [tilespmem:s16+$0x7D70];
	v13 =	vadd.f32 v15, v13;
	v5 =	vadd.f32 v5, v6  }
0x73: {  	s16 =	sshra.s32 s31, $0x2;
	v6 =	vadd.f32 v16, v8;
	v8 =	vshll.u32 v18, $0x10;
	v4 =	vadd.f32 v4, v7  }
0x74: {  	[tilespmem:s16+$0xC800] =	vst v11;
	v7 =	vand.u32 $0xFFFF0000, v18;
	v8 =	vadd.f32 v8, v13;
	v3 =	vadd.f32 v3, v5  }
0x75: {  	[tilespmem:s16+$0xC820] =	vst v12;
	v5 =	vadd.f32 v7, v6;
	v6 =	vshll.u32 v19, $0x10;
	v2 =	vadd.f32 v2, v4  }
0x76: {  	[tilespmem:s16+$0xC810] =	vst v9;
	v4 =	vand.u32 $0xFFFF0000, v19;
	v6 =	vadd.f32 v6, v8;
	v1 =	vadd.f32 v1, v3  }
0x77: {  	[tilespmem:s16+$0xC830] =	vst v10;
	v3 =	vadd.f32 v4, v5;
	v4 =	vshll.u32 v14, $0x10;
	v0 =	vadd.f32 v0, v2  }
0x78: {  	s17 =	smul.u32 $0xC80, s15;
	v2 =	vand.u32 $0xFFFF0000, v14;
	v4 =	vadd.f32 v4, v6;
	[tilespmem:s16+$0xC840] =	vst v1  }
0x79: {  	v1 =	vadd.f32 v2, v3;
	[tilespmem:s16+$0xC860] =	vst v0  }
0x7a: {  	s17 =	sshra.s32 s17, $0x2;
	[tilespmem:s16+$0xC850] =	vst v4  }
0x7b: {  	s18 =	sadd.s32 $0x320, s17;
	[tilespmem:s16+$0xC870] =	vst v1  }
0x7c: {  	[tilespmem:s9], [sflag:$0x1] =	stream.indirect.gather [hbm4b:s3+s8], $0x20, s18, s8, $0xb8;
	[tilespmem:$0xE800] =	vst v63  }
0x7d: {  	_ =	swait.ge [sflag:s12], $0x3200  }
0x7e: {  	[sflag:s12] =	ssyncset.done $0x0  }
0x7f: {  	s18 =	simm.s32 $0x80;
	[sflag:s12] =	ssyncadd.s32 $0xFFFFCE00  }
0x80: {  	v0 =	vld [tilespmem:s18+$0x9660]  }
0x81: {  	v1 =	vld [tilespmem:s18+$0x9670]  }
0x82: {  	v2 =	vld [tilespmem:s18+$0xAF60]  }
0x83: {  	v3 =	vld [tilespmem:s18+$0x9640]  }
0x84: {  	v4 =	vld [tilespmem:s18+$0x9650]  }
0x85: {  	v5 =	vld [tilespmem:s18+$0xAF40]  }
0x86: {  	v7 =	vld [tilespmem:s18+$0x9620]  }
0x87: {  	v8 =	vld [tilespmem:s18+$0x9630]  }
0x88: {  	v17 =	vld [tilespmem:s18+$0xAF20]  }
0x89: {  	v18 =	vld [tilespmem:s18+$0x9600]  }
0x8a: {  	v6 =	vimm.f32 $0.0e+00;
	v19 =	vld [tilespmem:s18+$0x9610]  }
0x8b: {  	v22 =	vld [tilespmem:s18+$0xAF00];
	v11 =	vshll.u32 v0, $0x10;
	v12 =	vand.u32 $0xFFFF0000, v0;
	v9 =	vshll.u32 v1, $0x10  }
0x8c: {  	v23 =	vld [tilespmem:s18+$0x95E0];
	v10 =	vand.u32 $0xFFFF0000, v1;
	v1 =	vshll.u32 v2, $0x10;
	v0 =	vand.u32 $0xFFFF0000, v2  }
0x8d: {  	v24 =	vld [tilespmem:s18+$0x95C0];
	v15 =	vshll.u32 v3, $0x10;
	v16 =	vand.u32 $0xFFFF0000, v3;
	v13 =	vshll.u32 v4, $0x10  }
0x8e: {  	v25 =	vld [tilespmem:s18+$0x95A0];
	v14 =	vand.u32 $0xFFFF0000, v4;
	v3 =	vshll.u32 v5, $0x10;
	v2 =	vand.u32 $0xFFFF0000, v5  }
0x8f: {  	v26 =	vld [tilespmem:s18+$0x9580];
	v30 =	vshll.u32 v7, $0x10;
	v61 =	vand.u32 $0xFFFF0000, v7;
	v20 =	vshll.u32 v8, $0x10  }
0x90: {  	v27 =	vld [tilespmem:s18+$0x9590];
	v21 =	vand.u32 $0xFFFF0000, v8;
	v5 =	vshll.u32 v17, $0x10;
	v4 =	vand.u32 $0xFFFF0000, v17  }
0x91: {  	v17 =	vshll.u32 v18, $0x10;
	v18 =	vand.u32 $0xFFFF0000, v18;
	v29 =	vshll.u32 v19, $0x10  }
0x92: {  	v28 =	vld [tilespmem:s18+$0x95B0];
	v8 =	vshll.u32 v22, $0x10;
	v7 =	vand.u32 $0xFFFF0000, v22;
	v22 =	vshll.u32 v24, $0x10  }
0x93: {  	v31 =	vshll.u32 v23, $0x10;
	v23 =	vand.u32 $0xFFFF0000, v23;
	v33 =	vshll.u32 v25, $0x10  }
0x94: {  	v34 =	vld [tilespmem:s18+$0x95D0];
	v25 =	vand.u32 $0xFFFF0000, v25;
	v35 =	vshll.u32 v26, $0x10;
	v26 =	vand.u32 $0xFFFF0000, v26  }
0x95: {  	v24 =	vand.u32 $0xFFFF0000, v24;
	v36 =	vshll.u32 v27, $0x10;
	v26 =	vadd.f32 v26, v6  }
0x96: {  	v37 =	vld [tilespmem:s18+$0x95F0];
	v27 =	vand.u32 $0xFFFF0000, v27;
	v35 =	vadd.f32 v35, v6;
	v36 =	vadd.f32 v36, v6  }
0x97: {  	v38 =	vshll.u32 v28, $0x10;
	v27 =	vadd.f32 v27, v6;
	v25 =	vadd.f32 v25, v26  }
0x98: {  	v33 =	vadd.f32 v33, v35;
	v26 =	vand.u32 $0xFFFF0000, v28;
	v62 =	vadd.f32 v38, v36  }
0x99: {  	v28 =	vld [tilespmem:s18+$0xAEE0];
	v26 =	vadd.f32 v26, v27;
	v27 =	vshll.u32 v34, $0x10;
	v24 =	vadd.f32 v24, v25  }
0x9a: {  	v63 =	vld [tilespmem:s18+$0xAEC0];
	v22 =	vadd.f32 v22, v33;
	v25 =	vand.u32 $0xFFFF0000, v34;
	v27 =	vadd.f32 v27, v62  }
0x9b: {  	v25 =	vadd.f32 v25, v26;
	v26 =	vshll.u32 v37, $0x10;
	v23 =	vadd.f32 v23, v24  }
0x9c: {  	v22 =	vadd.f32 v31, v22;
	v24 =	vand.u32 $0xFFFF0000, v37;
	v31 =	vadd.f32 v26, v27  }
0x9d: {  	v19 =	vand.u32 $0xFFFF0000, v19;
	v25 =	vadd.f32 v24, v25;
	v18 =	vadd.f32 v18, v23;
	v23 =	vld [tilespmem:s18+$0xAEA0]  }
0x9e: {  	v26 =	vshll.u32 v28, $0x10;
	v27 =	vand.u32 $0xFFFF0000, v28;
	v17 =	vadd.f32 v17, v22  }
0x9f: {  	v28 =	vshll.u32 v63, $0x10;
	v24 =	vadd.f32 v29, v31;
	v22 =	vld [tilespmem:s18+$0xAE80];
	v29 =	vand.u32 $0xFFFF0000, v63  }
0xa0: {  	v25 =	vadd.f32 v19, v25;
	v19 =	vimm.f32 $0.0e+00;
	v31 =	vadd.f32 v30, v17  }
0xa1: {  	s19 =	simm.s32 $0x600;
	v32 =	vadd.f32 v61, v18;
	v30 =	vld [tilespmem:s18+$0xAE90];
	v18 =	vimm.f32 $0.0e+00;
	v17 =	vimm.f32 $0.0e+00  }
.LBB2_5:
0xa2: {  	p0 =	sne.s32 s19, $0x6200;
	v33 =	vshll.u32 v23, $0x10;
	v20 =	vadd.f32 v20, v24;
	v21 =	vadd.f32 v21, v25  }
0xa3: {  	v34 =	vand.u32 $0xFFFF0000, v23;
	v35 =	vld [tilespmem:s18+$0xAEB0];
	v15 =	vadd.f32 v15, v31;
	v16 =	vadd.f32 v16, v32  }
0xa4: {  	v31 =	vshll.u32 v22, $0x10;
	v13 =	vadd.f32 v13, v20;
	v14 =	vadd.f32 v14, v21  }
0xa5: {  	v20 =	vand.u32 $0xFFFF0000, v22;
	v21 =	vld [tilespmem:s18+$0xAED0];
	v24 =	vadd.f32 v11, v15;
	v25 =	vadd.f32 v12, v16  }
0xa6: {  	v11 =	vshll.u32 v30, $0x10;
	v22 =	vadd.f32 v9, v13;
	v23 =	vadd.f32 v10, v14  }
0xa7: {  	s20 =	sshra.s32 s19, $0x2;
	v6 =	vadd.f32 v31, v6;
	v9 =	vadd.f32 v20, v19;
	v10 =	vand.u32 $0xFFFF0000, v30;
	v12 =	vld [tilespmem:s18+$0xAEF0]  }
0xa8: {  	v11 =	vadd.f32 v11, v18;
	v10 =	vadd.f32 v10, v17;
	v13 =	vld [tilespmem:s20+$0x9660];
	v14 =	vshll.u32 v35, $0x10  }
0xa9: {  	v6 =	vadd.f32 v33, v6;
	v9 =	vadd.f32 v34, v9;
	v15 =	vand.u32 $0xFFFF0000, v35;
	v16 =	vld [tilespmem:s18+$0xAF10]  }
0xaa: {  	v11 =	vadd.f32 v14, v11;
	v10 =	vadd.f32 v15, v10;
	v20 =	vld [tilespmem:s20+$0x9670];
	v14 =	vshll.u32 v21, $0x10  }
0xab: {  	v6 =	vadd.f32 v28, v6;
	v9 =	vadd.f32 v29, v9;
	v15 =	vand.u32 $0xFFFF0000, v21;
	v17 =	vld [tilespmem:s18+$0xAF30]  }
0xac: {  	v11 =	vadd.f32 v14, v11;
	v10 =	vadd.f32 v15, v10;
	v21 =	vld [tilespmem:s20+$0xAF60];
	v14 =	vshll.u32 v12, $0x10  }
0xad: {  	v6 =	vadd.f32 v26, v6;
	v9 =	vadd.f32 v27, v9;
	v12 =	vand.u32 $0xFFFF0000, v12;
	v15 =	vld [tilespmem:s18+$0xAF50]  }
0xae: {  	v11 =	vadd.f32 v14, v11;
	v10 =	vadd.f32 v12, v10;
	v12 =	vshll.u32 v16, $0x10;
	v14 =	vld [tilespmem:s18+$0xAF70];
	s18 =	smov.u32 s20  }
0xaf: {  	v6 =	vadd.f32 v8, v6;
	v7 =	vadd.f32 v7, v9;
	v8 =	vand.u32 $0xFFFF0000, v16;
	v26 =	vld [tilespmem:s18+$0x9640]  }
0xb0: {  	v9 =	vadd.f32 v12, v11;
	v8 =	vadd.f32 v8, v10;
	v27 =	vld [tilespmem:s18+$0x9650];
	v10 =	vshll.u32 v17, $0x10  }
0xb1: {  	v5 =	vadd.f32 v5, v6;
	v4 =	vadd.f32 v4, v7;
	v6 =	vand.u32 $0xFFFF0000, v17;
	v28 =	vld [tilespmem:s18+$0xAF40]  }
0xb2: {  	v9 =	vadd.f32 v10, v9;
	v6 =	vadd.f32 v6, v8;
	v7 =	vld [tilespmem:s18+$0x9620];
	v8 =	vshll.u32 v15, $0x10  }
0xb3: {  	v3 =	vadd.f32 v3, v5;
	v2 =	vadd.f32 v2, v4;
	v4 =	vand.u32 $0xFFFF0000, v15;
	v29 =	vld [tilespmem:s18+$0x9630]  }
0xb4: {  	v5 =	vadd.f32 v8, v9;
	v4 =	vadd.f32 v4, v6;
	v8 =	vshll.u32 v14, $0x10;
	v30 =	vld [tilespmem:s18+$0xAF20]  }
0xb5: {  	v6 =	vadd.f32 v1, v3;
	v19 =	vadd.f32 v0, v2;
	v0 =	vand.u32 $0xFFFF0000, v14;
	v31 =	vld [tilespmem:s18+$0x9600]  }
0xb6: {  	v18 =	vadd.f32 v8, v5;
	v17 =	vadd.f32 v0, v4;
	v32 =	vld [tilespmem:s18+$0x9610]  }
0xb7: {  	v11 =	vshll.u32 v13, $0x10;
	v12 =	vand.u32 $0xFFFF0000, v13;
	v9 =	vshll.u32 v20, $0x10;
	v33 =	vld [tilespmem:s18+$0xAF00]  }
0xb8: {  	v10 =	vand.u32 $0xFFFF0000, v20;
	v1 =	vshll.u32 v21, $0x10;
	v0 =	vand.u32 $0xFFFF0000, v21;
	v34 =	vld [tilespmem:s18+$0x95E0]  }
0xb9: {  	v15 =	vshll.u32 v26, $0x10;
	v16 =	vand.u32 $0xFFFF0000, v26;
	v13 =	vshll.u32 v27, $0x10;
	v35 =	vld [tilespmem:s18+$0x95C0]  }
0xba: {  	v14 =	vand.u32 $0xFFFF0000, v27;
	v3 =	vshll.u32 v28, $0x10;
	v2 =	vand.u32 $0xFFFF0000, v28;
	v26 =	vld [tilespmem:s18+$0x95A0]  }
0xbb: {  	v36 =	vshll.u32 v7, $0x10;
	v37 =	vand.u32 $0xFFFF0000, v7;
	v20 =	vshll.u32 v29, $0x10;
	v27 =	vld [tilespmem:s18+$0x9580]  }
0xbc: {  	v21 =	vand.u32 $0xFFFF0000, v29;
	v5 =	vshll.u32 v30, $0x10;
	v4 =	vand.u32 $0xFFFF0000, v30;
	v28 =	vld [tilespmem:s18+$0x9590]  }
0xbd: {  	v29 =	vshll.u32 v31, $0x10;
	v30 =	vand.u32 $0xFFFF0000, v31;
	v31 =	vshll.u32 v32, $0x10  }
0xbe: {  	v32 =	vand.u32 $0xFFFF0000, v32;
	v8 =	vshll.u32 v33, $0x10;
	v7 =	vand.u32 $0xFFFF0000, v33;
	v38 =	vld [tilespmem:s18+$0x95B0]  }
0xbf: {  	v39 =	vshll.u32 v34, $0x10;
	v34 =	vand.u32 $0xFFFF0000, v34;
	v33 =	vshll.u32 v35, $0x10  }
0xc0: {  	v35 =	vand.u32 $0xFFFF0000, v35;
	v40 =	vshll.u32 v26, $0x10;
	v26 =	vand.u32 $0xFFFF0000, v26;
	v41 =	vld [tilespmem:s18+$0x95D0]  }
0xc1: {  	v42 =	vshll.u32 v27, $0x10;
	v27 =	vand.u32 $0xFFFF0000, v27;
	v43 =	vshll.u32 v28, $0x10  }
0xc2: {  	v24 =	vadd.f32 v42, v24;
	v25 =	vadd.f32 v27, v25;
	v27 =	vand.u32 $0xFFFF0000, v28;
	v28 =	vld [tilespmem:s18+$0x95F0]  }
0xc3: {  	v22 =	vadd.f32 v43, v22;
	v23 =	vadd.f32 v27, v23;
	v27 =	vshll.u32 v38, $0x10  }
0xc4: {  	v24 =	vadd.f32 v40, v24;
	v25 =	vadd.f32 v26, v25;
	v26 =	vand.u32 $0xFFFF0000, v38;
	v38 =	vld [tilespmem:s18+$0xAEE0]  }
0xc5: {  	v22 =	vadd.f32 v27, v22;
	v23 =	vadd.f32 v26, v23;
	v26 =	vshll.u32 v41, $0x10  }
0xc6: {  	v24 =	vadd.f32 v33, v24;
	v25 =	vadd.f32 v35, v25;
	v27 =	vand.u32 $0xFFFF0000, v41;
	v33 =	vld [tilespmem:s18+$0xAEC0]  }
0xc7: {  	v22 =	vadd.f32 v26, v22;
	v26 =	vadd.f32 v27, v23;
	v27 =	vshll.u32 v28, $0x10  }
.Ltmp1:
0xc8: {  	v24 =	vadd.f32 v39, v24;
	v25 =	vadd.f32 v34, v25;
	v28 =	vand.u32 $0xFFFF0000, v28;
	v23 =	vld [tilespmem:s18+$0xAEA0];
	(pc) =	sbr.rel @p0 .LBB2_5-.Ltmp1, $4  }
0xc9: {  	v34 =	vadd.f32 v27, v22;
	v35 =	vadd.f32 v28, v26;
	v26 =	vshll.u32 v38, $0x10  }
0xca: {  	v27 =	vand.u32 $0xFFFF0000, v38;
	v38 =	vadd.f32 v29, v24;
	v39 =	vadd.f32 v30, v25;
	v22 =	vld [tilespmem:s18+$0xAE80]  }
0xcb: {  	v24 =	vadd.f32 v31, v34;
	v25 =	vadd.f32 v32, v35;
	v28 =	vshll.u32 v33, $0x10  }
0xcc: {  	s19 =	sadd.s32 $0x400, s19;
	v29 =	vand.u32 $0xFFFF0000, v33;
	v31 =	vadd.f32 v36, v38;
	v32 =	vadd.f32 v37, v39;
	v30 =	vld [tilespmem:s18+$0xAE90]  }
0xcd: {  	v20 =	vadd.f32 v20, v24;
	v21 =	vadd.f32 v21, v25  }
0xce: {  	v63 =	vshll.u32 v23, $0x10;
	v15 =	vadd.f32 v15, v31;
	v16 =	vadd.f32 v16, v32  }
0xcf: {  	v34 =	vld [tilespmem:s18+$0xAEB0];
	v13 =	vadd.f32 v13, v20;
	v14 =	vadd.f32 v14, v21;
	v35 =	vshll.u32 v22, $0x10  }
0xd0: {  	v36 =	vand.u32 $0xFFFF0000, v22;
	v11 =	vadd.f32 v11, v15;
	v12 =	vadd.f32 v12, v16  }
0xd1: {  	v33 =	vand.u32 $0xFFFF0000, v23;
	v37 =	vld [tilespmem:s18+$0xAED0];
	v6 =	vadd.f32 v35, v6;
	v39 =	vadd.f32 v36, v19  }
0xd2: {  	v9 =	vadd.f32 v9, v13;
	v38 =	vshll.u32 v30, $0x10;
	v10 =	vadd.f32 v10, v14  }
0xd3: {  	v41 =	vld [tilespmem:s18+$0xAEF0];
	v40 =	vand.u32 $0xFFFF0000, v30;
	v13 =	vadd.f32 v38, v18;
	v6 =	vadd.f32 v63, v6  }
0xd4: {  	v15 =	vadd.f32 v40, v17;
	v42 =	vshll.u32 v34, $0x10;
	v14 =	vadd.f32 v33, v39  }
0xd5: {  	v44 =	vld [tilespmem:s18+$0xAF10];
	v43 =	vand.u32 $0xFFFF0000, v34;
	v13 =	vadd.f32 v42, v13;
	v6 =	vadd.f32 v28, v6  }
0xd6: {  	v45 =	vshll.u32 v37, $0x10;
	v15 =	vadd.f32 v43, v15;
	v14 =	vadd.f32 v29, v14  }
0xd7: {  	v46 =	vld [tilespmem:s18+$0xAF30];
	v16 =	vand.u32 $0xFFFF0000, v37;
	v13 =	vadd.f32 v45, v13;
	v6 =	vadd.f32 v26, v6  }
0xd8: {  	v47 =	vshll.u32 v41, $0x10;
	v15 =	vadd.f32 v16, v15;
	v14 =	vadd.f32 v27, v14  }
0xd9: {  	v49 =	vld [tilespmem:s18+$0xAF50];
	v48 =	vand.u32 $0xFFFF0000, v41;
	v13 =	vadd.f32 v47, v13;
	v6 =	vadd.f32 v8, v6  }
0xda: {  	v51 =	vshll.u32 v44, $0x10;
	v50 =	vadd.f32 v48, v15;
	v7 =	vadd.f32 v7, v14  }
0xdb: {  	v52 =	vld [tilespmem:s18+$0xAF70];
	v53 =	vand.u32 $0xFFFF0000, v44;
	v13 =	vadd.f32 v51, v13;
	v5 =	vadd.f32 v5, v6  }
0xdc: {  	v55 =	vshll.u32 v46, $0x10;
	v54 =	vadd.f32 v53, v50;
	v4 =	vadd.f32 v4, v7  }
0xdd: {  	v56 =	vand.u32 $0xFFFF0000, v46;
	[tilespmem:s16+$0xC880] =	vst v11;
	v8 =	vadd.f32 v55, v13;
	v3 =	vadd.f32 v3, v5  }
0xde: {  	v58 =	vshll.u32 v49, $0x10;
	[tilespmem:s16+$0xC8A0] =	vst v12;
	v57 =	vadd.f32 v56, v54;
	v2 =	vadd.f32 v2, v4  }
0xdf: {  	s15 =	sadd.s32 $0x1, s15;
	v59 =	vand.u32 $0xFFFF0000, v49;
	[tilespmem:s16+$0xC890] =	vst v9;
	v6 =	vadd.f32 v58, v8;
	v1 =	vadd.f32 v1, v3  }
0xe0: {  	p0 =	sne.s32 s15, $0x1F;
	v61 =	vshll.u32 v52, $0x10;
	[tilespmem:s16+$0xC8B0] =	vst v10;
	v60 =	vadd.f32 v59, v57;
	v0 =	vadd.f32 v0, v2  }
.Ltmp2:
0xe1: {  	v62 =	vand.u32 $0xFFFF0000, v52;
	v4 =	vadd.f32 v61, v6;
	[tilespmem:s16+$0xC8C0] =	vst v1;
	(pc) =	sbr.rel @p0 .LBB2_2-.Ltmp2, $4  }
0xe2: {  	v63 =	vadd.f32 v62, v60;
	[tilespmem:s16+$0xC8E0] =	vst v0  }
0xe3: {  	[tilespmem:s16+$0xC8D0] =	vst v4  }
0xe4: {  	s31 =	sadd.s32 $0x4B0, s17;
	[tilespmem:s16+$0xC8F0] =	vst v63  }
0xe5: {  	[tilespmem:s10], [sflag:$0x2] =	stream.indirect.gather [hbm4b:s3+s8], $0x20, s31, s8, $0xb8;
	[tilespmem:$0xE800] =	vst v63  }
0xe6: {  	_ =	swait.ge [sflag:s11], $0x3200  }
0xe7: {  	[sflag:s11] =	ssyncset.done $0x0  }
0xe8: {  	s15 =	simm.s32 $0x80;
	[sflag:s11] =	ssyncadd.s32 $0xFFFFCE00  }
0xe9: {  	v0 =	vld [tilespmem:s15+$0x6460]  }
0xea: {  	v1 =	vld [tilespmem:s15+$0x6470]  }
0xeb: {  	v2 =	vld [tilespmem:s15+$0x7D60]  }
0xec: {  	v3 =	vld [tilespmem:s15+$0x6440]  }
0xed: {  	v4 =	vld [tilespmem:s15+$0x6450]  }
0xee: {  	v5 =	vld [tilespmem:s15+$0x7D40]  }
0xef: {  	v7 =	vld [tilespmem:s15+$0x6420]  }
0xf0: {  	v8 =	vld [tilespmem:s15+$0x6430]  }
0xf1: {  	v17 =	vld [tilespmem:s15+$0x7D20]  }
0xf2: {  	v18 =	vld [tilespmem:s15+$0x6400]  }
0xf3: {  	v6 =	vimm.f32 $0.0e+00;
	v19 =	vld [tilespmem:s15+$0x6410]  }
0xf4: {  	v22 =	vld [tilespmem:s15+$0x7D00];
	v11 =	vshll.u32 v0, $0x10;
	v12 =	vand.u32 $0xFFFF0000, v0;
	v9 =	vshll.u32 v1, $0x10  }
0xf5: {  	v23 =	vld [tilespmem:s15+$0x63E0];
	v10 =	vand.u32 $0xFFFF0000, v1;
	v1 =	vshll.u32 v2, $0x10;
	v0 =	vand.u32 $0xFFFF0000, v2  }
0xf6: {  	v24 =	vld [tilespmem:s15+$0x63C0];
	v15 =	vshll.u32 v3, $0x10;
	v16 =	vand.u32 $0xFFFF0000, v3;
	v13 =	vshll.u32 v4, $0x10  }
0xf7: {  	v25 =	vld [tilespmem:s15+$0x63A0];
	v14 =	vand.u32 $0xFFFF0000, v4;
	v3 =	vshll.u32 v5, $0x10;
	v2 =	vand.u32 $0xFFFF0000, v5  }
0xf8: {  	v26 =	vld [tilespmem:s15+$0x6380];
	v30 =	vshll.u32 v7, $0x10;
	v32 =	vand.u32 $0xFFFF0000, v7;
	v20 =	vshll.u32 v8, $0x10  }
0xf9: {  	v27 =	vld [tilespmem:s15+$0x6390];
	v21 =	vand.u32 $0xFFFF0000, v8;
	v5 =	vshll.u32 v17, $0x10;
	v4 =	vand.u32 $0xFFFF0000, v17  }
0xfa: {  	v17 =	vshll.u32 v18, $0x10;
	v18 =	vand.u32 $0xFFFF0000, v18;
	v29 =	vshll.u32 v19, $0x10  }
0xfb: {  	v28 =	vld [tilespmem:s15+$0x63B0];
	v8 =	vshll.u32 v22, $0x10;
	v7 =	vand.u32 $0xFFFF0000, v22;
	v22 =	vshll.u32 v24, $0x10  }
0xfc: {  	v31 =	vshll.u32 v23, $0x10;
	v23 =	vand.u32 $0xFFFF0000, v23;
	v33 =	vshll.u32 v25, $0x10  }
0xfd: {  	v34 =	vld [tilespmem:s15+$0x63D0];
	v25 =	vand.u32 $0xFFFF0000, v25;
	v35 =	vshll.u32 v26, $0x10;
	v26 =	vand.u32 $0xFFFF0000, v26  }
0xfe: {  	v24 =	vand.u32 $0xFFFF0000, v24;
	v36 =	vshll.u32 v27, $0x10;
	v26 =	vadd.f32 v26, v6  }
0xff: {  	v37 =	vld [tilespmem:s15+$0x63F0];
	v27 =	vand.u32 $0xFFFF0000, v27;
	v35 =	vadd.f32 v35, v6;
	v36 =	vadd.f32 v36, v6  }
0x100: {  	v38 =	vshll.u32 v28, $0x10;
	v27 =	vadd.f32 v27, v6;
	v25 =	vadd.f32 v25, v26  }
0x101: {  	v33 =	vadd.f32 v33, v35;
	v26 =	vand.u32 $0xFFFF0000, v28;
	v62 =	vadd.f32 v38, v36  }
0x102: {  	v28 =	vld [tilespmem:s15+$0x7CE0];
	v26 =	vadd.f32 v26, v27;
	v27 =	vshll.u32 v34, $0x10;
	v24 =	vadd.f32 v24, v25  }
0x103: {  	v63 =	vld [tilespmem:s15+$0x7CC0];
	v22 =	vadd.f32 v22, v33;
	v25 =	vand.u32 $0xFFFF0000, v34;
	v27 =	vadd.f32 v27, v62  }
0x104: {  	v25 =	vadd.f32 v25, v26;
	v26 =	vshll.u32 v37, $0x10;
	v23 =	vadd.f32 v23, v24  }
0x105: {  	v22 =	vadd.f32 v31, v22;
	v24 =	vand.u32 $0xFFFF0000, v37;
	v31 =	vadd.f32 v26, v27  }
0x106: {  	v19 =	vand.u32 $0xFFFF0000, v19;
	v25 =	vadd.f32 v24, v25;
	v18 =	vadd.f32 v18, v23;
	v23 =	vld [tilespmem:s15+$0x7CA0]  }
0x107: {  	v26 =	vshll.u32 v28, $0x10;
	v27 =	vand.u32 $0xFFFF0000, v28;
	v17 =	vadd.f32 v17, v22  }
0x108: {  	v28 =	vshll.u32 v63, $0x10;
	v24 =	vadd.f32 v29, v31;
	v22 =	vld [tilespmem:s15+$0x7C80];
	v29 =	vand.u32 $0xFFFF0000, v63  }
0x109: {  	v25 =	vadd.f32 v19, v25;
	v19 =	vimm.f32 $0.0e+00;
	v31 =	vadd.f32 v30, v17  }
0x10a: {  	s16 =	simm.s32 $0x600;
	v32 =	vadd.f32 v32, v18;
	v30 =	vld [tilespmem:s15+$0x7C90];
	v18 =	vimm.f32 $0.0e+00;
	v17 =	vimm.f32 $0.0e+00  }
.LBB2_8:
0x10b: {  	p0 =	sne.s32 s16, $0x6200;
	v33 =	vshll.u32 v23, $0x10;
	v20 =	vadd.f32 v20, v24;
	v21 =	vadd.f32 v21, v25  }
0x10c: {  	v34 =	vand.u32 $0xFFFF0000, v23;
	v35 =	vld [tilespmem:s15+$0x7CB0];
	v15 =	vadd.f32 v15, v31;
	v16 =	vadd.f32 v16, v32  }
0x10d: {  	v31 =	vshll.u32 v22, $0x10;
	v13 =	vadd.f32 v13, v20;
	v14 =	vadd.f32 v14, v21  }
0x10e: {  	v20 =	vand.u32 $0xFFFF0000, v22;
	v21 =	vld [tilespmem:s15+$0x7CD0];
	v24 =	vadd.f32 v11, v15;
	v25 =	vadd.f32 v12, v16  }
0x10f: {  	v11 =	vshll.u32 v30, $0x10;
	v22 =	vadd.f32 v9, v13;
	v23 =	vadd.f32 v10, v14  }
0x110: {  	s17 =	sshra.s32 s16, $0x2;
	v6 =	vadd.f32 v31, v6;
	v9 =	vadd.f32 v20, v19;
	v10 =	vand.u32 $0xFFFF0000, v30;
	v12 =	vld [tilespmem:s15+$0x7CF0]  }
0x111: {  	v11 =	vadd.f32 v11, v18;
	v10 =	vadd.f32 v10, v17;
	v13 =	vld [tilespmem:s17+$0x6460];
	v14 =	vshll.u32 v35, $0x10  }
0x112: {  	v6 =	vadd.f32 v33, v6;
	v9 =	vadd.f32 v34, v9;
	v15 =	vand.u32 $0xFFFF0000, v35;
	v16 =	vld [tilespmem:s15+$0x7D10]  }
0x113: {  	v11 =	vadd.f32 v14, v11;
	v10 =	vadd.f32 v15, v10;
	v20 =	vld [tilespmem:s17+$0x6470];
	v14 =	vshll.u32 v21, $0x10  }
0x114: {  	v6 =	vadd.f32 v28, v6;
	v9 =	vadd.f32 v29, v9;
	v15 =	vand.u32 $0xFFFF0000, v21;
	v17 =	vld [tilespmem:s15+$0x7D30]  }
0x115: {  	v11 =	vadd.f32 v14, v11;
	v10 =	vadd.f32 v15, v10;
	v21 =	vld [tilespmem:s17+$0x7D60];
	v14 =	vshll.u32 v12, $0x10  }
0x116: {  	v6 =	vadd.f32 v26, v6;
	v9 =	vadd.f32 v27, v9;
	v12 =	vand.u32 $0xFFFF0000, v12;
	v15 =	vld [tilespmem:s15+$0x7D50]  }
0x117: {  	v11 =	vadd.f32 v14, v11;
	v10 =	vadd.f32 v12, v10;
	v12 =	vshll.u32 v16, $0x10;
	v14 =	vld [tilespmem:s15+$0x7D70];
	s15 =	smov.u32 s17  }
0x118: {  	v6 =	vadd.f32 v8, v6;
	v7 =	vadd.f32 v7, v9;
	v8 =	vand.u32 $0xFFFF0000, v16;
	v26 =	vld [tilespmem:s15+$0x6440]  }
0x119: {  	v9 =	vadd.f32 v12, v11;
	v8 =	vadd.f32 v8, v10;
	v27 =	vld [tilespmem:s15+$0x6450];
	v10 =	vshll.u32 v17, $0x10  }
0x11a: {  	v5 =	vadd.f32 v5, v6;
	v4 =	vadd.f32 v4, v7;
	v6 =	vand.u32 $0xFFFF0000, v17;
	v28 =	vld [tilespmem:s15+$0x7D40]  }
0x11b: {  	v9 =	vadd.f32 v10, v9;
	v6 =	vadd.f32 v6, v8;
	v7 =	vld [tilespmem:s15+$0x6420];
	v8 =	vshll.u32 v15, $0x10  }
0x11c: {  	v3 =	vadd.f32 v3, v5;
	v2 =	vadd.f32 v2, v4;
	v4 =	vand.u32 $0xFFFF0000, v15;
	v29 =	vld [tilespmem:s15+$0x6430]  }
0x11d: {  	v5 =	vadd.f32 v8, v9;
	v4 =	vadd.f32 v4, v6;
	v8 =	vshll.u32 v14, $0x10;
	v30 =	vld [tilespmem:s15+$0x7D20]  }
0x11e: {  	v6 =	vadd.f32 v1, v3;
	v19 =	vadd.f32 v0, v2;
	v0 =	vand.u32 $0xFFFF0000, v14;
	v31 =	vld [tilespmem:s15+$0x6400]  }
0x11f: {  	v18 =	vadd.f32 v8, v5;
	v17 =	vadd.f32 v0, v4;
	v32 =	vld [tilespmem:s15+$0x6410]  }
0x120: {  	v11 =	vshll.u32 v13, $0x10;
	v12 =	vand.u32 $0xFFFF0000, v13;
	v9 =	vshll.u32 v20, $0x10;
	v33 =	vld [tilespmem:s15+$0x7D00]  }
0x121: {  	v10 =	vand.u32 $0xFFFF0000, v20;
	v1 =	vshll.u32 v21, $0x10;
	v0 =	vand.u32 $0xFFFF0000, v21;
	v34 =	vld [tilespmem:s15+$0x63E0]  }
0x122: {  	v15 =	vshll.u32 v26, $0x10;
	v16 =	vand.u32 $0xFFFF0000, v26;
	v13 =	vshll.u32 v27, $0x10;
	v35 =	vld [tilespmem:s15+$0x63C0]  }
0x123: {  	v14 =	vand.u32 $0xFFFF0000, v27;
	v3 =	vshll.u32 v28, $0x10;
	v2 =	vand.u32 $0xFFFF0000, v28;
	v26 =	vld [tilespmem:s15+$0x63A0]  }
0x124: {  	v36 =	vshll.u32 v7, $0x10;
	v37 =	vand.u32 $0xFFFF0000, v7;
	v20 =	vshll.u32 v29, $0x10;
	v27 =	vld [tilespmem:s15+$0x6380]  }
0x125: {  	v21 =	vand.u32 $0xFFFF0000, v29;
	v5 =	vshll.u32 v30, $0x10;
	v4 =	vand.u32 $0xFFFF0000, v30;
	v28 =	vld [tilespmem:s15+$0x6390]  }
0x126: {  	v29 =	vshll.u32 v31, $0x10;
	v30 =	vand.u32 $0xFFFF0000, v31;
	v31 =	vshll.u32 v32, $0x10  }
0x127: {  	v32 =	vand.u32 $0xFFFF0000, v32;
	v8 =	vshll.u32 v33, $0x10;
	v7 =	vand.u32 $0xFFFF0000, v33;
	v38 =	vld [tilespmem:s15+$0x63B0]  }
0x128: {  	v39 =	vshll.u32 v34, $0x10;
	v34 =	vand.u32 $0xFFFF0000, v34;
	v33 =	vshll.u32 v35, $0x10  }
0x129: {  	v35 =	vand.u32 $0xFFFF0000, v35;
	v40 =	vshll.u32 v26, $0x10;
	v26 =	vand.u32 $0xFFFF0000, v26;
	v41 =	vld [tilespmem:s15+$0x63D0]  }
0x12a: {  	v42 =	vshll.u32 v27, $0x10;
	v27 =	vand.u32 $0xFFFF0000, v27;
	v43 =	vshll.u32 v28, $0x10  }
0x12b: {  	v24 =	vadd.f32 v42, v24;
	v25 =	vadd.f32 v27, v25;
	v27 =	vand.u32 $0xFFFF0000, v28;
	v28 =	vld [tilespmem:s15+$0x63F0]  }
0x12c: {  	v22 =	vadd.f32 v43, v22;
	v23 =	vadd.f32 v27, v23;
	v27 =	vshll.u32 v38, $0x10  }
0x12d: {  	v24 =	vadd.f32 v40, v24;
	v25 =	vadd.f32 v26, v25;
	v26 =	vand.u32 $0xFFFF0000, v38;
	v38 =	vld [tilespmem:s15+$0x7CE0]  }
0x12e: {  	v22 =	vadd.f32 v27, v22;
	v23 =	vadd.f32 v26, v23;
	v26 =	vshll.u32 v41, $0x10  }
0x12f: {  	v24 =	vadd.f32 v33, v24;
	v25 =	vadd.f32 v35, v25;
	v27 =	vand.u32 $0xFFFF0000, v41;
	v33 =	vld [tilespmem:s15+$0x7CC0]  }
0x130: {  	v22 =	vadd.f32 v26, v22;
	v26 =	vadd.f32 v27, v23;
	v27 =	vshll.u32 v28, $0x10  }
.Ltmp3:
0x131: {  	v24 =	vadd.f32 v39, v24;
	v25 =	vadd.f32 v34, v25;
	v28 =	vand.u32 $0xFFFF0000, v28;
	v23 =	vld [tilespmem:s15+$0x7CA0];
	(pc) =	sbr.rel @p0 .LBB2_8-.Ltmp3, $4  }
0x132: {  	v34 =	vadd.f32 v27, v22;
	v35 =	vadd.f32 v28, v26;
	v26 =	vshll.u32 v38, $0x10  }
0x133: {  	v27 =	vand.u32 $0xFFFF0000, v38;
	v38 =	vadd.f32 v29, v24;
	v39 =	vadd.f32 v30, v25;
	v22 =	vld [tilespmem:s15+$0x7C80]  }
0x134: {  	v24 =	vadd.f32 v31, v34;
	v25 =	vadd.f32 v32, v35;
	v28 =	vshll.u32 v33, $0x10  }
0x135: {  	s16 =	sadd.s32 $0x400, s16;
	v29 =	vand.u32 $0xFFFF0000, v33;
	v31 =	vadd.f32 v36, v38;
	v32 =	vadd.f32 v37, v39;
	v30 =	vld [tilespmem:s15+$0x7C90]  }
0x136: {  	v20 =	vadd.f32 v20, v24;
	v21 =	vadd.f32 v21, v25  }
0x137: {  	v24 =	vshll.u32 v23, $0x10;
	v15 =	vadd.f32 v15, v31;
	v16 =	vadd.f32 v16, v32  }
0x138: {  	v23 =	vand.u32 $0xFFFF0000, v23;
	v25 =	vld [tilespmem:s15+$0x7CB0];
	v13 =	vadd.f32 v13, v20;
	v14 =	vadd.f32 v14, v21  }
0x139: {  	v20 =	vshll.u32 v22, $0x10;
	v11 =	vadd.f32 v11, v15;
	v12 =	vadd.f32 v12, v16  }
0x13a: {  	v15 =	vand.u32 $0xFFFF0000, v22;
	v16 =	vld [tilespmem:s15+$0x7CD0];
	v6 =	vadd.f32 v20, v6;
	v9 =	vadd.f32 v9, v13  }
0x13b: {  	v13 =	vshll.u32 v30, $0x10;
	v10 =	vadd.f32 v10, v14;
	v14 =	vadd.f32 v15, v19  }
0x13c: {  	v15 =	vand.u32 $0xFFFF0000, v30;
	v19 =	vld [tilespmem:s15+$0x7CF0];
	v13 =	vadd.f32 v13, v18;
	v6 =	vadd.f32 v24, v6  }
0x13d: {  	v15 =	vadd.f32 v15, v17;
	v17 =	vshll.u32 v25, $0x10;
	v14 =	vadd.f32 v23, v14  }
0x13e: {  	v20 =	vld [tilespmem:s15+$0x7D10];
	v18 =	vand.u32 $0xFFFF0000, v25;
	v13 =	vadd.f32 v17, v13;
	v6 =	vadd.f32 v28, v6  }
0x13f: {  	v15 =	vadd.f32 v18, v15;
	v17 =	vshll.u32 v16, $0x10;
	v14 =	vadd.f32 v29, v14  }
0x140: {  	v18 =	vld [tilespmem:s15+$0x7D30];
	v16 =	vand.u32 $0xFFFF0000, v16;
	v13 =	vadd.f32 v17, v13;
	v6 =	vadd.f32 v26, v6  }
0x141: {  	v15 =	vadd.f32 v16, v15;
	v16 =	vshll.u32 v19, $0x10;
	v14 =	vadd.f32 v27, v14  }
0x142: {  	v17 =	vand.u32 $0xFFFF0000, v19;
	v19 =	vld [tilespmem:s15+$0x7D50];
	v13 =	vadd.f32 v16, v13;
	v6 =	vadd.f32 v8, v6  }
0x143: {  	v8 =	vadd.f32 v17, v15;
	v15 =	vshll.u32 v20, $0x10;
	v7 =	vadd.f32 v7, v14  }
0x144: {  	v16 =	vand.u32 $0xFFFF0000, v20;
	v14 =	vld [tilespmem:s15+$0x7D70];
	v13 =	vadd.f32 v15, v13;
	v5 =	vadd.f32 v5, v6  }
0x145: {  	v6 =	vadd.f32 v16, v8;
	v8 =	vshll.u32 v18, $0x10;
	v4 =	vadd.f32 v4, v7  }
0x146: {  	[tilespmem:$0xE700] =	vst v11;
	v7 =	vand.u32 $0xFFFF0000, v18;
	v8 =	vadd.f32 v8, v13;
	v3 =	vadd.f32 v3, v5  }
0x147: {  	[tilespmem:$0xE720] =	vst v12;
	v5 =	vadd.f32 v7, v6;
	v6 =	vshll.u32 v19, $0x10;
	v2 =	vadd.f32 v2, v4  }
0x148: {  	[tilespmem:$0xE710] =	vst v9;
	v4 =	vand.u32 $0xFFFF0000, v19;
	v6 =	vadd.f32 v6, v8;
	v1 =	vadd.f32 v1, v3  }
0x149: {  	[tilespmem:$0xE730] =	vst v10;
	v3 =	vadd.f32 v4, v5;
	v4 =	vshll.u32 v14, $0x10;
	v0 =	vadd.f32 v0, v2  }
0x14a: {  	v2 =	vand.u32 $0xFFFF0000, v14;
	v4 =	vadd.f32 v4, v6;
	[tilespmem:$0xE740] =	vst v1  }
0x14b: {  	v1 =	vadd.f32 v2, v3;
	[tilespmem:$0xE760] =	vst v0  }
0x14c: {  	[tilespmem:$0xE750] =	vst v4  }
0x14d: {  	[tilespmem:$0xE770] =	vst v1  }
0x14e: {  	_ =	swait.ge [sflag:s12], $0x3200  }
0x14f: {  	[sflag:s12] =	ssyncset.done $0x0  }
0x150: {  	s15 =	simm.s32 $0x80;
	[sflag:s12] =	ssyncadd.s32 $0xFFFFCE00  }
0x151: {  	v0 =	vld [tilespmem:s15+$0x9660]  }
0x152: {  	v1 =	vld [tilespmem:s15+$0x9670]  }
0x153: {  	v2 =	vld [tilespmem:s15+$0xAF60]  }
0x154: {  	v3 =	vld [tilespmem:s15+$0x9640]  }
0x155: {  	v4 =	vld [tilespmem:s15+$0x9650]  }
0x156: {  	v5 =	vld [tilespmem:s15+$0xAF40]  }
0x157: {  	v7 =	vld [tilespmem:s15+$0x9620]  }
0x158: {  	v8 =	vld [tilespmem:s15+$0x9630]  }
0x159: {  	v17 =	vld [tilespmem:s15+$0xAF20]  }
0x15a: {  	v18 =	vld [tilespmem:s15+$0x9600]  }
0x15b: {  	v6 =	vimm.f32 $0.0e+00;
	v19 =	vld [tilespmem:s15+$0x9610]  }
0x15c: {  	v22 =	vld [tilespmem:s15+$0xAF00];
	v11 =	vshll.u32 v0, $0x10;
	v12 =	vand.u32 $0xFFFF0000, v0;
	v9 =	vshll.u32 v1, $0x10  }
0x15d: {  	v23 =	vld [tilespmem:s15+$0x95E0];
	v10 =	vand.u32 $0xFFFF0000, v1;
	v1 =	vshll.u32 v2, $0x10;
	v0 =	vand.u32 $0xFFFF0000, v2  }
0x15e: {  	v24 =	vld [tilespmem:s15+$0x95C0];
	v15 =	vshll.u32 v3, $0x10;
	v16 =	vand.u32 $0xFFFF0000, v3;
	v13 =	vshll.u32 v4, $0x10  }
0x15f: {  	v25 =	vld [tilespmem:s15+$0x95A0];
	v14 =	vand.u32 $0xFFFF0000, v4;
	v3 =	vshll.u32 v5, $0x10;
	v2 =	vand.u32 $0xFFFF0000, v5  }
0x160: {  	v26 =	vld [tilespmem:s15+$0x9580];
	v30 =	vshll.u32 v7, $0x10;
	v61 =	vand.u32 $0xFFFF0000, v7;
	v20 =	vshll.u32 v8, $0x10  }
0x161: {  	v27 =	vld [tilespmem:s15+$0x9590];
	v21 =	vand.u32 $0xFFFF0000, v8;
	v5 =	vshll.u32 v17, $0x10;
	v4 =	vand.u32 $0xFFFF0000, v17  }
0x162: {  	v17 =	vshll.u32 v18, $0x10;
	v18 =	vand.u32 $0xFFFF0000, v18;
	v29 =	vshll.u32 v19, $0x10  }
0x163: {  	v28 =	vld [tilespmem:s15+$0x95B0];
	v8 =	vshll.u32 v22, $0x10;
	v7 =	vand.u32 $0xFFFF0000, v22;
	v22 =	vshll.u32 v24, $0x10  }
0x164: {  	v31 =	vshll.u32 v23, $0x10;
	v23 =	vand.u32 $0xFFFF0000, v23;
	v33 =	vshll.u32 v25, $0x10  }
0x165: {  	v34 =	vld [tilespmem:s15+$0x95D0];
	v25 =	vand.u32 $0xFFFF0000, v25;
	v35 =	vshll.u32 v26, $0x10;
	v26 =	vand.u32 $0xFFFF0000, v26  }
0x166: {  	v24 =	vand.u32 $0xFFFF0000, v24;
	v36 =	vshll.u32 v27, $0x10;
	v26 =	vadd.f32 v26, v6  }
0x167: {  	v37 =	vld [tilespmem:s15+$0x95F0];
	v27 =	vand.u32 $0xFFFF0000, v27;
	v35 =	vadd.f32 v35, v6;
	v36 =	vadd.f32 v36, v6  }
0x168: {  	v38 =	vshll.u32 v28, $0x10;
	v27 =	vadd.f32 v27, v6;
	v25 =	vadd.f32 v25, v26  }
0x169: {  	v33 =	vadd.f32 v33, v35;
	v26 =	vand.u32 $0xFFFF0000, v28;
	v62 =	vadd.f32 v38, v36  }
0x16a: {  	v28 =	vld [tilespmem:s15+$0xAEE0];
	v26 =	vadd.f32 v26, v27;
	v27 =	vshll.u32 v34, $0x10;
	v24 =	vadd.f32 v24, v25  }
0x16b: {  	v63 =	vld [tilespmem:s15+$0xAEC0];
	v22 =	vadd.f32 v22, v33;
	v25 =	vand.u32 $0xFFFF0000, v34;
	v27 =	vadd.f32 v27, v62  }
0x16c: {  	v25 =	vadd.f32 v25, v26;
	v26 =	vshll.u32 v37, $0x10;
	v23 =	vadd.f32 v23, v24  }
0x16d: {  	v22 =	vadd.f32 v31, v22;
	v24 =	vand.u32 $0xFFFF0000, v37;
	v31 =	vadd.f32 v26, v27  }
0x16e: {  	v19 =	vand.u32 $0xFFFF0000, v19;
	v25 =	vadd.f32 v24, v25;
	v18 =	vadd.f32 v18, v23;
	v23 =	vld [tilespmem:s15+$0xAEA0]  }
0x16f: {  	v26 =	vshll.u32 v28, $0x10;
	v27 =	vand.u32 $0xFFFF0000, v28;
	v17 =	vadd.f32 v17, v22  }
0x170: {  	v28 =	vshll.u32 v63, $0x10;
	v24 =	vadd.f32 v29, v31;
	v22 =	vld [tilespmem:s15+$0xAE80];
	v29 =	vand.u32 $0xFFFF0000, v63  }
0x171: {  	v25 =	vadd.f32 v19, v25;
	v19 =	vimm.f32 $0.0e+00;
	v31 =	vadd.f32 v30, v17  }
0x172: {  	s16 =	simm.s32 $0x600;
	v32 =	vadd.f32 v61, v18;
	v30 =	vld [tilespmem:s15+$0xAE90];
	v18 =	vimm.f32 $0.0e+00;
	v17 =	vimm.f32 $0.0e+00  }
.LBB2_10:
0x173: {  	p0 =	sne.s32 s16, $0x6200;
	v33 =	vshll.u32 v23, $0x10;
	v20 =	vadd.f32 v20, v24;
	v21 =	vadd.f32 v21, v25  }
0x174: {  	v34 =	vand.u32 $0xFFFF0000, v23;
	v35 =	vld [tilespmem:s15+$0xAEB0];
	v15 =	vadd.f32 v15, v31;
	v16 =	vadd.f32 v16, v32  }
0x175: {  	v31 =	vshll.u32 v22, $0x10;
	v13 =	vadd.f32 v13, v20;
	v14 =	vadd.f32 v14, v21  }
0x176: {  	v20 =	vand.u32 $0xFFFF0000, v22;
	v21 =	vld [tilespmem:s15+$0xAED0];
	v24 =	vadd.f32 v11, v15;
	v25 =	vadd.f32 v12, v16  }
0x177: {  	v11 =	vshll.u32 v30, $0x10;
	v22 =	vadd.f32 v9, v13;
	v23 =	vadd.f32 v10, v14  }
0x178: {  	s17 =	sshra.s32 s16, $0x2;
	v6 =	vadd.f32 v31, v6;
	v9 =	vadd.f32 v20, v19;
	v10 =	vand.u32 $0xFFFF0000, v30;
	v12 =	vld [tilespmem:s15+$0xAEF0]  }
0x179: {  	v11 =	vadd.f32 v11, v18;
	v10 =	vadd.f32 v10, v17;
	v13 =	vld [tilespmem:s17+$0x9660];
	v14 =	vshll.u32 v35, $0x10  }
0x17a: {  	v6 =	vadd.f32 v33, v6;
	v9 =	vadd.f32 v34, v9;
	v15 =	vand.u32 $0xFFFF0000, v35;
	v16 =	vld [tilespmem:s15+$0xAF10]  }
0x17b: {  	v11 =	vadd.f32 v14, v11;
	v10 =	vadd.f32 v15, v10;
	v20 =	vld [tilespmem:s17+$0x9670];
	v14 =	vshll.u32 v21, $0x10  }
0x17c: {  	v6 =	vadd.f32 v28, v6;
	v9 =	vadd.f32 v29, v9;
	v15 =	vand.u32 $0xFFFF0000, v21;
	v17 =	vld [tilespmem:s15+$0xAF30]  }
0x17d: {  	v11 =	vadd.f32 v14, v11;
	v10 =	vadd.f32 v15, v10;
	v21 =	vld [tilespmem:s17+$0xAF60];
	v14 =	vshll.u32 v12, $0x10  }
0x17e: {  	v6 =	vadd.f32 v26, v6;
	v9 =	vadd.f32 v27, v9;
	v12 =	vand.u32 $0xFFFF0000, v12;
	v15 =	vld [tilespmem:s15+$0xAF50]  }
0x17f: {  	v11 =	vadd.f32 v14, v11;
	v10 =	vadd.f32 v12, v10;
	v12 =	vshll.u32 v16, $0x10;
	v14 =	vld [tilespmem:s15+$0xAF70];
	s15 =	smov.u32 s17  }
0x180: {  	v6 =	vadd.f32 v8, v6;
	v7 =	vadd.f32 v7, v9;
	v8 =	vand.u32 $0xFFFF0000, v16;
	v26 =	vld [tilespmem:s15+$0x9640]  }
0x181: {  	v9 =	vadd.f32 v12, v11;
	v8 =	vadd.f32 v8, v10;
	v27 =	vld [tilespmem:s15+$0x9650];
	v10 =	vshll.u32 v17, $0x10  }
0x182: {  	v5 =	vadd.f32 v5, v6;
	v4 =	vadd.f32 v4, v7;
	v6 =	vand.u32 $0xFFFF0000, v17;
	v28 =	vld [tilespmem:s15+$0xAF40]  }
0x183: {  	v9 =	vadd.f32 v10, v9;
	v6 =	vadd.f32 v6, v8;
	v7 =	vld [tilespmem:s15+$0x9620];
	v8 =	vshll.u32 v15, $0x10  }
0x184: {  	v3 =	vadd.f32 v3, v5;
	v2 =	vadd.f32 v2, v4;
	v4 =	vand.u32 $0xFFFF0000, v15;
	v29 =	vld [tilespmem:s15+$0x9630]  }
0x185: {  	v5 =	vadd.f32 v8, v9;
	v4 =	vadd.f32 v4, v6;
	v8 =	vshll.u32 v14, $0x10;
	v30 =	vld [tilespmem:s15+$0xAF20]  }
0x186: {  	v6 =	vadd.f32 v1, v3;
	v19 =	vadd.f32 v0, v2;
	v0 =	vand.u32 $0xFFFF0000, v14;
	v31 =	vld [tilespmem:s15+$0x9600]  }
0x187: {  	v18 =	vadd.f32 v8, v5;
	v17 =	vadd.f32 v0, v4;
	v32 =	vld [tilespmem:s15+$0x9610]  }
0x188: {  	v11 =	vshll.u32 v13, $0x10;
	v12 =	vand.u32 $0xFFFF0000, v13;
	v9 =	vshll.u32 v20, $0x10;
	v33 =	vld [tilespmem:s15+$0xAF00]  }
0x189: {  	v10 =	vand.u32 $0xFFFF0000, v20;
	v1 =	vshll.u32 v21, $0x10;
	v0 =	vand.u32 $0xFFFF0000, v21;
	v34 =	vld [tilespmem:s15+$0x95E0]  }
0x18a: {  	v15 =	vshll.u32 v26, $0x10;
	v16 =	vand.u32 $0xFFFF0000, v26;
	v13 =	vshll.u32 v27, $0x10;
	v35 =	vld [tilespmem:s15+$0x95C0]  }
0x18b: {  	v14 =	vand.u32 $0xFFFF0000, v27;
	v3 =	vshll.u32 v28, $0x10;
	v2 =	vand.u32 $0xFFFF0000, v28;
	v26 =	vld [tilespmem:s15+$0x95A0]  }
0x18c: {  	v36 =	vshll.u32 v7, $0x10;
	v37 =	vand.u32 $0xFFFF0000, v7;
	v20 =	vshll.u32 v29, $0x10;
	v27 =	vld [tilespmem:s15+$0x9580]  }
0x18d: {  	v21 =	vand.u32 $0xFFFF0000, v29;
	v5 =	vshll.u32 v30, $0x10;
	v4 =	vand.u32 $0xFFFF0000, v30;
	v28 =	vld [tilespmem:s15+$0x9590]  }
0x18e: {  	v29 =	vshll.u32 v31, $0x10;
	v30 =	vand.u32 $0xFFFF0000, v31;
	v31 =	vshll.u32 v32, $0x10  }
0x18f: {  	v32 =	vand.u32 $0xFFFF0000, v32;
	v8 =	vshll.u32 v33, $0x10;
	v7 =	vand.u32 $0xFFFF0000, v33;
	v38 =	vld [tilespmem:s15+$0x95B0]  }
0x190: {  	v39 =	vshll.u32 v34, $0x10;
	v34 =	vand.u32 $0xFFFF0000, v34;
	v33 =	vshll.u32 v35, $0x10  }
0x191: {  	v35 =	vand.u32 $0xFFFF0000, v35;
	v40 =	vshll.u32 v26, $0x10;
	v26 =	vand.u32 $0xFFFF0000, v26;
	v41 =	vld [tilespmem:s15+$0x95D0]  }
0x192: {  	v42 =	vshll.u32 v27, $0x10;
	v27 =	vand.u32 $0xFFFF0000, v27;
	v43 =	vshll.u32 v28, $0x10  }
0x193: {  	v24 =	vadd.f32 v42, v24;
	v25 =	vadd.f32 v27, v25;
	v27 =	vand.u32 $0xFFFF0000, v28;
	v28 =	vld [tilespmem:s15+$0x95F0]  }
0x194: {  	v22 =	vadd.f32 v43, v22;
	v23 =	vadd.f32 v27, v23;
	v27 =	vshll.u32 v38, $0x10  }
0x195: {  	v24 =	vadd.f32 v40, v24;
	v25 =	vadd.f32 v26, v25;
	v26 =	vand.u32 $0xFFFF0000, v38;
	v38 =	vld [tilespmem:s15+$0xAEE0]  }
0x196: {  	v22 =	vadd.f32 v27, v22;
	v23 =	vadd.f32 v26, v23;
	v26 =	vshll.u32 v41, $0x10  }
0x197: {  	v24 =	vadd.f32 v33, v24;
	v25 =	vadd.f32 v35, v25;
	v27 =	vand.u32 $0xFFFF0000, v41;
	v33 =	vld [tilespmem:s15+$0xAEC0]  }
0x198: {  	v22 =	vadd.f32 v26, v22;
	v26 =	vadd.f32 v27, v23;
	v27 =	vshll.u32 v28, $0x10  }
.Ltmp4:
0x199: {  	v24 =	vadd.f32 v39, v24;
	v25 =	vadd.f32 v34, v25;
	v28 =	vand.u32 $0xFFFF0000, v28;
	v23 =	vld [tilespmem:s15+$0xAEA0];
	(pc) =	sbr.rel @p0 .LBB2_10-.Ltmp4, $4  }
0x19a: {  	v34 =	vadd.f32 v27, v22;
	v35 =	vadd.f32 v28, v26;
	v26 =	vshll.u32 v38, $0x10  }
0x19b: {  	v27 =	vand.u32 $0xFFFF0000, v38;
	v38 =	vadd.f32 v29, v24;
	v39 =	vadd.f32 v30, v25;
	v22 =	vld [tilespmem:s15+$0xAE80]  }
0x19c: {  	v24 =	vadd.f32 v31, v34;
	v25 =	vadd.f32 v32, v35;
	v28 =	vshll.u32 v33, $0x10  }
0x19d: {  	s16 =	sadd.s32 $0x400, s16;
	v29 =	vand.u32 $0xFFFF0000, v33;
	v31 =	vadd.f32 v36, v38;
	v32 =	vadd.f32 v37, v39;
	v30 =	vld [tilespmem:s15+$0xAE90]  }
0x19e: {  	v20 =	vadd.f32 v20, v24;
	v21 =	vadd.f32 v21, v25  }
0x19f: {  	v63 =	vshll.u32 v23, $0x10;
	v15 =	vadd.f32 v15, v31;
	v16 =	vadd.f32 v16, v32  }
0x1a0: {  	v34 =	vld [tilespmem:s15+$0xAEB0];
	v13 =	vadd.f32 v13, v20;
	v14 =	vadd.f32 v14, v21;
	v35 =	vshll.u32 v22, $0x10  }
0x1a1: {  	v36 =	vand.u32 $0xFFFF0000, v22;
	v11 =	vadd.f32 v11, v15;
	v12 =	vadd.f32 v12, v16  }
0x1a2: {  	v33 =	vand.u32 $0xFFFF0000, v23;
	v37 =	vld [tilespmem:s15+$0xAED0];
	v6 =	vadd.f32 v35, v6;
	v39 =	vadd.f32 v36, v19  }
0x1a3: {  	v9 =	vadd.f32 v9, v13;
	v38 =	vshll.u32 v30, $0x10;
	v10 =	vadd.f32 v10, v14  }
0x1a4: {  	v41 =	vld [tilespmem:s15+$0xAEF0];
	v40 =	vand.u32 $0xFFFF0000, v30;
	v13 =	vadd.f32 v38, v18;
	v6 =	vadd.f32 v63, v6  }
0x1a5: {  	v15 =	vadd.f32 v40, v17;
	v42 =	vshll.u32 v34, $0x10;
	v14 =	vadd.f32 v33, v39  }
0x1a6: {  	v44 =	vld [tilespmem:s15+$0xAF10];
	v43 =	vand.u32 $0xFFFF0000, v34;
	v13 =	vadd.f32 v42, v13;
	v6 =	vadd.f32 v28, v6  }
0x1a7: {  	v45 =	vshll.u32 v37, $0x10;
	v15 =	vadd.f32 v43, v15;
	v14 =	vadd.f32 v29, v14  }
0x1a8: {  	v46 =	vld [tilespmem:s15+$0xAF30];
	v16 =	vand.u32 $0xFFFF0000, v37;
	v13 =	vadd.f32 v45, v13;
	v6 =	vadd.f32 v26, v6  }
0x1a9: {  	v47 =	vshll.u32 v41, $0x10;
	v15 =	vadd.f32 v16, v15;
	v14 =	vadd.f32 v27, v14  }
0x1aa: {  	v49 =	vld [tilespmem:s15+$0xAF50];
	v48 =	vand.u32 $0xFFFF0000, v41;
	v13 =	vadd.f32 v47, v13;
	v6 =	vadd.f32 v8, v6  }
0x1ab: {  	v51 =	vshll.u32 v44, $0x10;
	v50 =	vadd.f32 v48, v15;
	v7 =	vadd.f32 v7, v14  }
0x1ac: {  	v52 =	vld [tilespmem:s15+$0xAF70];
	v53 =	vand.u32 $0xFFFF0000, v44;
	v13 =	vadd.f32 v51, v13;
	v5 =	vadd.f32 v5, v6  }
0x1ad: {  	v55 =	vshll.u32 v46, $0x10;
	v54 =	vadd.f32 v53, v50;
	v4 =	vadd.f32 v4, v7  }
0x1ae: {  	v56 =	vand.u32 $0xFFFF0000, v46;
	[tilespmem:$0xE780] =	vst v11;
	v8 =	vadd.f32 v55, v13;
	v3 =	vadd.f32 v3, v5  }
0x1af: {  	v58 =	vshll.u32 v49, $0x10;
	[tilespmem:$0xE7A0] =	vst v12;
	v57 =	vadd.f32 v56, v54;
	v2 =	vadd.f32 v2, v4  }
0x1b0: {  	v59 =	vand.u32 $0xFFFF0000, v49;
	[tilespmem:$0xE790] =	vst v9;
	v6 =	vadd.f32 v58, v8;
	v1 =	vadd.f32 v1, v3  }
0x1b1: {  	v61 =	vshll.u32 v52, $0x10;
	[tilespmem:$0xE7B0] =	vst v10;
	v60 =	vadd.f32 v59, v57;
	v0 =	vadd.f32 v0, v2  }
0x1b2: {  	v62 =	vand.u32 $0xFFFF0000, v52;
	v4 =	vadd.f32 v61, v6;
	[tilespmem:$0xE7C0] =	vst v1  }
0x1b3: {  	s14 =	sadd.s32 $0x1, s14;
	v63 =	vadd.f32 v62, v60;
	[tilespmem:$0xE7E0] =	vst v0  }
0x1b4: {  	p0 =	sne.s32 s14, s6;
	[tilespmem:$0xE7D0] =	vst v4  }
.Ltmp5:
0x1b5: {  	[tilespmem:$0xE7F0] =	vst v63;
	(pc) =	sbr.rel @p0 .LBB2_1-.Ltmp5, $4  }
0x1b6: {  	[hbm4b:s5+s2] =	stream.linear.scatter [tilespmem:s13], [sflag:$0x3], $0x2000, $0x38;
	[tilespmem:$0xE800] =	vst v63  }
0x1b7: {  	_ =	swait.ge [sflag:s7], $0x2000  }
0x1b8: {  	[sflag:s7] =	ssyncset.done $0x0  }
0x1b9: {  	[sflag:s7] =	ssyncadd.s32 $0xFFFFE000  }
0x1ba: {  	_ =	sfence.sel $0x180000  }
0x1bb: {  	[bflag:$0x0] =	sbarrier.arrive $0xFFFF  }
0x1bc: {  	p0 =	sne.s32 s1, $0x0;
	_ =	strace $0x90000047  }
0x1bd: {  	s0 =	sadd.s32 @!p0 $0x100000, s0;
	[bflag:$0x2] =	sbarrier.arrive $0xFFFF  }
0x1be: {  	[sflag:s0] =	ssyncadd.tile.s32 @!p0 $0x1;
	_ =	shalt  }
.Lfunc_end2:
_tile_overlayer_lowered:
.L_overlay_start_2:
0x1bf: {  	(tag) =	ssettag $0x2  }
0x1c0: {  	s0 =	rddreg [dreg:$0x0];
	s2 =	stileid.u32  }
0x1c1: {  	s1 =	rddreg [dreg:$0x1];
	p0 =	sne.s32 s2, $0x0  }
0x1c2: {  	s3 =	rddreg [dreg:$0x2];
	[bflag:$0x3] =	sbarrier.arrive $0xFFFF;
	s2 =	simm.s32 @!p0 $0x1C03  }
0x1c3: {  	[timem:s3], [sflag:s2] =	dma.local @!p0 [hbm:s0], s1  }
0x1c4: {  	s0 =	simm.s32 @!p0 $0x3  }
0x1c5: {  	_ =	swait.ge @!p0 [sflag:s0], s1  }
0x1c6: {  	s1 =	ssub.s32 @!p0 $0x0, s1;
	[sflag:s0] =	ssyncset.done @!p0 $0x0  }
0x1c7: {  	[sflag:s0] =	ssyncadd.s32 @!p0 s1  }
0x1c8: {  	[bflag:$0x3] =	sbarrier.arrive $0xFFFF  }
0x1c9: {  	_ =	shalt  }

</sc_bundles>
